<compile_context>
chip_gen: v7x
topology: tpu7x:2x2x1
jax: 0.10.2.dev20260603
libtpu: 0.0.44.dev20260713+nightly
codegen_flags: <defaults>
</compile_context>

<pallas_src>
import functools

import jax
import jax.numpy as jnp
import numpy as np
from jax import lax
from jax.experimental import pallas as pl
from jax.experimental.pallas import tpu as pltpu
from jax.experimental.pallas import tpu_sc as plsc

_EDGE_SRC = np.array([0, 1, 1, 1, 1, 2, 2, 2, 3, 3, 3, 4, 4, 4, 5, 5, 5, 5, 6, 6, 6, 6, 6, 7, 7, 7, 8, 8, 8, 9, 9, 9, 10, 10, 10, 11, 11, 11, 12, 12, 12, 13, 13, 13, 14, 14, 14, 15, 15, 15, 16, 16, 16, 17, 17, 17, 18, 18, 18, 18, 19, 20, 21, 21, 21, 22, 23, 23, 23, 24, 25, 26], dtype=np.int32)
_EDGE_DST = np.array([1, 0, 2, 4, 6, 1, 3, 7, 2, 4, 24, 1, 3, 5, 4, 6, 17, 19, 1, 5, 7, 8, 10, 2, 6, 23, 6, 9, 16, 8, 10, 13, 6, 9, 11, 10, 12, 23, 11, 13, 21, 9, 12, 14, 13, 15, 20, 14, 16, 18, 8, 15, 17, 5, 16, 18, 15, 17, 25, 26, 5, 14, 12, 22, 23, 21, 7, 11, 21, 3, 18, 18], dtype=np.int32)
_N = 72
_B, _C, _F = 32, 128, 4096
_NCHUNK, _CW = 10, 71
_NE = 27
_NP = 32
_CD = _NE - 1
_PPAD = 272
_GCH = (128, 128, 16)

_A_np = np.zeros((_NP, _NP), dtype=np.float32)
for _s, _d in zip(_EDGE_SRC, _EDGE_DST):
    _A_np[_d, _s] += 1.0
_A0_np = np.zeros((_NP, _NP), dtype=np.float32)
_A0_np[:, :_CD] = _A_np[:, 1:_NE]
_A0_np[:, _NP - 1] = _A_np[:, 0]
_A2_np = np.zeros((_NP, _NP), dtype=np.float32)
_A2_np[:_CD, :] = _A_np[1:_NE, :]
_A2_np[_NP - 1, :] = _A_np[0, :]
_S_np = np.zeros((_B, _B * _NP), dtype=np.float32)
for _i in range(_B):
    _S_np[_i, _i * _NP + _NP - 1] = 1.0

_rng = np.random.default_rng(0)
_II = np.stack([_rng.choice(_F, _NCHUNK * _CW, replace=False)
                for _ in range(_B)])
_IDX_np = np.zeros((_B, _PPAD), dtype=np.int32)
for _i in range(_B):
    for _j in range(_NCHUNK):
        _IDX_np[_i, _j * _CD:(_j + 1) * _CD] = (
            _II[_i, _j * _CW:_j * _CW + _CD].astype(np.int32) + _i * _F)
    _IDX_np[_i, _NCHUNK * _CD:] = _i * _F

_MMARGS = dict(dimension_numbers=(((1,), (0,)), ((), ())),
               preferred_element_type=jnp.float32)


def _mm(a, b):
    return lax.dot_general(a, b, **_MMARGS)


def _mmh(a, b):
    return lax.dot_general(a, b, precision=lax.Precision.HIGHEST, **_MMARGS)


def _k1_body(x_ref, xt_ref):
    xt_ref[0] = x_ref[0].T


def _transpose_call(x):
    return pl.pallas_call(
        _k1_body,
        grid=(_B,),
        in_specs=[pl.BlockSpec((1, _C, _F), lambda s: (s, 0, 0))],
        out_specs=pl.BlockSpec((1, _F, _C), lambda s: (s, 0, 0)),
        out_shape=jax.ShapeDtypeStruct((_B, _F, _C), jnp.float32),
    )(x)


def _k2_body(xt_hbm, idx_hbm, xg_hbm, idx_v, rows_v, sem):
    wid = lax.axis_index("s") * 2 + lax.axis_index("c")
    pltpu.sync_copy(idx_hbm.at[wid], idx_v)
    off = 0
    copies = []
    for g in _GCH:
        copies.append(pltpu.async_copy(
            xt_hbm.at[idx_v.at[pl.ds(off, g)]],
            rows_v.at[pl.ds(off, g)], sem))
        off += g
    for c in copies:
        c.wait()
    outs = []
    for j in range(_NCHUNK):
        outs.append(pltpu.async_copy(
            rows_v.at[pl.ds(j * _CD, _NP)],
            xg_hbm.at[j, pl.ds(wid * _NP, _NP)], sem))
    for c in outs:
        c.wait()


def _gather_call(xt, idx):
    mesh = plsc.VectorSubcoreMesh(core_axis_name="c", subcore_axis_name="s")
    k = pl.kernel(
        _k2_body,
        out_type=jax.ShapeDtypeStruct((_NCHUNK, _B * _NP, _C), jnp.float32),
        mesh=mesh,
        scratch_types=[
            pltpu.VMEM((_PPAD,), jnp.int32),
            pltpu.VMEM((_PPAD, _C), jnp.float32),
            pltpu.SemaphoreType.DMA,
        ],
    )
    return k(xt.reshape(_B * _F, _C), idx)


def _blockagg(M, h):
    h1 = h.astype(jnp.bfloat16).astype(jnp.float32)
    r = h - h1
    h2 = r.astype(jnp.bfloat16).astype(jnp.float32)
    h3 = r - h2
    def blk(s):
        sl = slice(s * _NP, (s + 1) * _NP)
        return _mm(M, h1[sl]) + _mm(M, h2[sl]) + _mm(M, h3[sl])
    return jnp.concatenate([blk(s) for s in range(_B)], axis=0)


def _k3_body(xg_ref, A_ref, A0_ref, A2_ref, S_ref, W0_ref, b0_ref, W1_ref,
             b1_ref, W2_ref, b2_ref, Wc_ref, bc_ref, out_ref, X3_ref):
    j = pl.program_id(0)

    @pl.when(j == 0)
    def _():
        X3_ref[...] = jnp.zeros((_B * _NP, _C), jnp.float32)

    maskfb = lax.rem(
        lax.broadcasted_iota(jnp.int32, (_B * _NP, 1), 0), _NP) == (_NP - 1)
    Xin = jnp.where(maskfb, X3_ref[...], xg_ref[0])
    X = jnp.maximum(_blockagg(A0_ref[...], _mm(Xin, W0_ref[...])) + b0_ref[...], 0.0)
    X = jnp.maximum(_blockagg(A_ref[...], _mm(X, W1_ref[...])) + b1_ref[...], 0.0)
    X = jnp.maximum(_blockagg(A2_ref[...], _mm(X, W2_ref[...])) + b2_ref[...], 0.0)
    X3_ref[...] = X

    @pl.when(j == _NCHUNK - 1)
    def _():
        fb = _mmh(S_ref[...], X)
        out_ref[...] = _mm(fb, Wc_ref[...]) + bc_ref[...]


def _gcn_call(xg, A, A0, A2, S, W0, b0, W1, b1, W2, b2, Wc, bc):
    full = lambda *shape: pl.BlockSpec(shape, lambda j: (0,) * len(shape))
    return pl.pallas_call(
        _k3_body,
        grid=(_NCHUNK,),
        in_specs=[
            pl.BlockSpec((1, _B * _NP, _C), lambda j: (j, 0, 0)),
            full(_NP, _NP), full(_NP, _NP), full(_NP, _NP),
            full(_B, _B * _NP),
            full(_C, 256), full(1, 256),
            full(256, 256), full(1, 256),
            full(256, _C), full(1, _C),
            full(_C, 1), full(1, 1),
        ],
        out_specs=pl.BlockSpec((_B, 1), lambda j: (0, 0)),
        out_shape=jax.ShapeDtypeStruct((_B, 1), jnp.float32),
        scratch_shapes=[pltpu.VMEM((_B * _NP, _C), jnp.float32)],
    )(xg, A, A0, A2, S, W0, b0, W1, b1, W2, b2, Wc, bc)


def kernel(x, W0, b0, W1, b1, W2, b2, Wc, bc):
    xt = _transpose_call(x)
    xg = _gather_call(xt, jnp.asarray(_IDX_np))
    return _gcn_call(
        xg, jnp.asarray(_A_np), jnp.asarray(_A0_np), jnp.asarray(_A2_np),
        jnp.asarray(_S_np),
        W0, b0.reshape(1, -1), W1, b1.reshape(1, -1), W2, b2.reshape(1, -1),
        Wc, bc.reshape(1, 1))

# --- scband reference (transcript-rebuilt; emitter-appended) ---
"""Pipeline reference for scband-gcn-54339926229596 (READ-ONLY COPY).

The authoritative reference and input builder live on the scoring server;
editing this copy changes nothing except your own understanding.
"""

import jax, jax.numpy as jnp
import numpy as np

EDGE_SRC = np.array([0, 1, 1, 1, 1, 2, 2, 2, 3, 3, 3, 4, 4, 4, 5, 5, 5, 5, 6, 6, 6, 6, 6, 7, 7, 7, 8, 8, 8, 9, 9, 9, 10, 10, 10, 11, 11, 11, 12, 12, 12, 13, 13, 13, 14, 14, 14, 15, 15, 15, 16, 16, 16, 17, 17, 17, 18, 18, 18, 18, 19, 20, 21, 21, 21, 22, 23, 23, 23, 24, 25, 26], dtype=np.int32)
EDGE_DST = np.array([1, 0, 2, 4, 6, 1, 3, 7, 2, 4, 24, 1, 3, 5, 4, 6, 17, 19, 1, 5, 7, 8, 10, 2, 6, 23, 6, 9, 16, 8, 10, 13, 6, 9, 11, 10, 12, 23, 11, 13, 21, 9, 12, 14, 13, 15, 20, 14, 16, 18, 8, 15, 17, 5, 16, 18, 15, 17, 25, 26, 5, 14, 12, 22, 23, 21, 7, 11, 21, 3, 18, 18], dtype=np.int32)
N_NODES = 72
N_EDGES = EDGE_SRC.shape[0]  # 72
CFG = [256, 256, 128]
IN_DIM = 128
B, C, F = 32, 128, 4096


def setup_inputs(seed: int = 0) -> dict:
    key = jax.random.key(seed)
    ks = jax.random.split(key, 10)
    out = {"x": jax.random.normal(ks[0], (B, C, F), dtype=jnp.float32)}
    in_d = IN_DIM
    for li, v in enumerate(CFG):
        out[f"W{li}"] = jax.random.normal(ks[1 + 2 * li], (in_d, v), dtype=jnp.float32) / np.sqrt(in_d)
        out[f"b{li}"] = jnp.zeros((v,), dtype=jnp.float32)
        in_d = v
    out["Wc"] = jax.random.normal(ks[8], (CFG[-1], 1), dtype=jnp.float32) / np.sqrt(CFG[-1])
    out["bc"] = jnp.zeros((1,), dtype=jnp.float32)
    return out


def _gcn_layer(xn, W, b):
    # GCNConv(add_self_loops=False, normalize=False): lin -> sum-aggregate src->dst -> +bias
    h = xn @ W
    agg = jax.ops.segment_sum(h[EDGE_SRC], jnp.asarray(EDGE_DST), num_segments=N_NODES)
    return agg + b


def reference(x, W0, b0, W1, b1, W2, b2, Wc, bc):
    n = N_EDGES - 1  # 71, as in the original module
    layers = [(W0, b0), (W1, b1), (W2, b2)]
    rng = np.random.default_rng(0)  # determinized stand-in for np.random.choice
    outs = []
    for i in range(x.shape[0]):
        ii = rng.choice(x.shape[-1], n * 10, replace=(x.shape[-1] < n * 10))
        xi = x[i][:, ii]  # [C, 710]
        xij = None
        for j in range(0, xi.shape[-1], n):
            xij1 = xi[:, j:j + n].T  # squeeze().T -> [71, C]
            if j == 0:
                xij0 = jnp.zeros((1, xi.shape[0]), dtype=x.dtype)
            else:
                xij0 = xij[0].reshape(1, -1)
            xij = jnp.concatenate([xij0, xij1], axis=0)  # [72, C]
            for (W, b) in layers:
                xij = jax.nn.relu(_gcn_layer(xij, W, b))
        outs.append((xij @ Wc + bc)[0])
    return jnp.stack(outs)  # [B, 1]

if __name__ == "__main__":
    import jax
    _d = setup_inputs()
    print(jax.jit(kernel)(*tuple(_d.values())))

</pallas_src>

<mosaic_0001>
#map = affine_map<(d0, d1) -> (0, 0)>
#map1 = affine_map<(d0, d1) -> (0, 0, 0)>
module attributes {stable_mosaic.version = 14 : i64} {
  func.func @_k2_body(%arg0: i32, %arg1: i32, %arg2: memref<131072x128xf32, #tpu.memory_space<hbm>>, %arg3: memref<32x272xi32, #tpu.memory_space<hbm>>, %arg4: memref<10x1024x128xf32, #tpu.memory_space<hbm>>, %arg5: memref<272xi32, #tpu.memory_space<vmem>>, %arg6: memref<272x128xf32, #tpu.memory_space<vmem>>, %arg7: memref<!tpu.dma_semaphore, #tpu.memory_space<semaphore_mem>>) attributes {dimension_semantics = [#tpu.dimension_semantics<core_parallel>, #tpu.dimension_semantics<subcore_parallel>], iteration_bounds = array<i64: 2, 16>, scalar_prefetch = 0 : i64, scratch_operands = 3 : i64, tpu.core_type = #tpu.core_type<sc_vector_subcore>, window_params = [{transform_indices = #map}, {transform_indices = #map}, {transform_indices = #map1}]} {
    %mul3A = arith.constant 2 : i32
    %mul3A_0 = arith.muli %arg1, %mul3A : i32
    %add3A = arith.addi %mul3A_0, %arg0 : i32
    "tpu.region"() ({
      %run_scoped3A = tpu.sem_alloc : memref<!tpu.dma_semaphore, #tpu.memory_space<semaphore_mem>>
      %dma_start3A_327 = arith.constant 0 : i32
      %dma_start3A_328 = tpu.memref_slice %arg3[%add3A, %dma_start3A_327] : memref<32x272xi32, #tpu.memory_space<hbm>> -> memref<1x272xi32, #tpu.memory_space<hbm>>
      %dma_start3A_329 = tpu.memref_squeeze %dma_start3A_328 : memref<1x272xi32, #tpu.memory_space<hbm>> -> memref<272xi32, #tpu.memory_space<hbm>>
      %dma_start3A_330 = arith.constant 0 : i32
      %dma_start3A_331 = tpu.memref_slice %arg3[%add3A, %dma_start3A_330] : memref<32x272xi32, #tpu.memory_space<hbm>> -> memref<1x272xi32, #tpu.memory_space<hbm>>
      %dma_start3A_332 = tpu.memref_squeeze %dma_start3A_331 : memref<1x272xi32, #tpu.memory_space<hbm>> -> memref<272xi32, #tpu.memory_space<hbm>>
      tpu.enqueue_dma source(%dma_start3A_332 : memref<272xi32, #tpu.memory_space<hbm>>) target(%arg5 : memref<272xi32, #tpu.memory_space<vmem>>) target_semaphore(%run_scoped3A : memref<!tpu.dma_semaphore, #tpu.memory_space<semaphore_mem>>)
      %dma_wait3A_333 = arith.constant 0 : i32
      %dma_wait3A_334 = tpu.memref_slice %arg3[%add3A, %dma_wait3A_333] : memref<32x272xi32, #tpu.memory_space<hbm>> -> memref<1x272xi32, #tpu.memory_space<hbm>>
      %dma_wait3A_335 = tpu.memref_squeeze %dma_wait3A_334 : memref<1x272xi32, #tpu.memory_space<hbm>> -> memref<272xi32, #tpu.memory_space<hbm>>
      %dma_wait3A_336 = arith.constant 0 : i32
      %dma_wait3A_337 = tpu.memref_slice %arg3[%add3A, %dma_wait3A_336] : memref<32x272xi32, #tpu.memory_space<hbm>> -> memref<1x272xi32, #tpu.memory_space<hbm>>
      %dma_wait3A_338 = tpu.memref_squeeze %dma_wait3A_337 : memref<1x272xi32, #tpu.memory_space<hbm>> -> memref<272xi32, #tpu.memory_space<hbm>>
      tpu.wait_dma2 semaphore(%run_scoped3A : memref<!tpu.dma_semaphore, #tpu.memory_space<semaphore_mem>>) src(%dma_wait3A_338 : memref<272xi32, #tpu.memory_space<hbm>>) dst(%arg5 : memref<272xi32, #tpu.memory_space<vmem>>)
      tpu.yield
    }) : () -> ()
    %dma_start3A = arith.constant 0 : i32
    %dma_start3A_1 = arith.constant 0 : i32
    %dma_start3A_2 = tpu.memref_slice %arg6[%dma_start3A, %dma_start3A_1] : memref<272x128xf32, #tpu.memory_space<vmem>> -> memref<128x128xf32, #tpu.memory_space<vmem>>
    %dma_start3A_3 = arith.constant 0 : i32
    %dma_start3A_4 = tpu.memref_slice %arg5[%dma_start3A_3] : memref<272xi32, #tpu.memory_space<vmem>> -> memref<128xi32, #tpu.memory_space<vmem>>
    %dma_start3A_5 = arith.constant 0 : i32
    %dma_start3A_6 = arith.constant 0 : i32
    %dma_start3A_7 = tpu.memref_slice %arg2[%dma_start3A_5, %dma_start3A_6] : memref<131072x128xf32, #tpu.memory_space<hbm>> -> memref<131072x128xf32, #tpu.memory_space<hbm>>
    tpu.enqueue_indirect_dma source(%dma_start3A_7 : memref<131072x128xf32, #tpu.memory_space<hbm>>) target(%dma_start3A_2 : memref<128x128xf32, #tpu.memory_space<vmem>>) offsets(%dma_start3A_4 : memref<128xi32, #tpu.memory_space<vmem>>) semaphore(%arg7 : memref<!tpu.dma_semaphore, #tpu.memory_space<semaphore_mem>>)
    %dma_start3A_8 = arith.constant 128 : i32
    %dma_start3A_9 = arith.constant 0 : i32
    %dma_start3A_10 = tpu.memref_slice %arg6[%dma_start3A_8, %dma_start3A_9] : memref<272x128xf32, #tpu.memory_space<vmem>> -> memref<128x128xf32, #tpu.memory_space<vmem>>
    %dma_start3A_11 = arith.constant 128 : i32
    %dma_start3A_12 = tpu.memref_slice %arg5[%dma_start3A_11] : memref<272xi32, #tpu.memory_space<vmem>> -> memref<128xi32, #tpu.memory_space<vmem>>
    %dma_start3A_13 = arith.constant 0 : i32
    %dma_start3A_14 = arith.constant 0 : i32
    %dma_start3A_15 = tpu.memref_slice %arg2[%dma_start3A_13, %dma_start3A_14] : memref<131072x128xf32, #tpu.memory_space<hbm>> -> memref<131072x128xf32, #tpu.memory_space<hbm>>
    tpu.enqueue_indirect_dma source(%dma_start3A_15 : memref<131072x128xf32, #tpu.memory_space<hbm>>) target(%dma_start3A_10 : memref<128x128xf32, #tpu.memory_space<vmem>>) offsets(%dma_start3A_12 : memref<128xi32, #tpu.memory_space<vmem>>) semaphore(%arg7 : memref<!tpu.dma_semaphore, #tpu.memory_space<semaphore_mem>>)
    %dma_start3A_16 = arith.constant 256 : i32
    %dma_start3A_17 = arith.constant 0 : i32
    %dma_start3A_18 = tpu.memref_slice %arg6[%dma_start3A_16, %dma_start3A_17] : memref<272x128xf32, #tpu.memory_space<vmem>> -> memref<16x128xf32, #tpu.memory_space<vmem>>
    %dma_start3A_19 = arith.constant 256 : i32
    %dma_start3A_20 = tpu.memref_slice %arg5[%dma_start3A_19] : memref<272xi32, #tpu.memory_space<vmem>> -> memref<16xi32, #tpu.memory_space<vmem>>
    %dma_start3A_21 = arith.constant 0 : i32
    %dma_start3A_22 = arith.constant 0 : i32
    %dma_start3A_23 = tpu.memref_slice %arg2[%dma_start3A_21, %dma_start3A_22] : memref<131072x128xf32, #tpu.memory_space<hbm>> -> memref<131072x128xf32, #tpu.memory_space<hbm>>
    tpu.enqueue_indirect_dma source(%dma_start3A_23 : memref<131072x128xf32, #tpu.memory_space<hbm>>) target(%dma_start3A_18 : memref<16x128xf32, #tpu.memory_space<vmem>>) offsets(%dma_start3A_20 : memref<16xi32, #tpu.memory_space<vmem>>) semaphore(%arg7 : memref<!tpu.dma_semaphore, #tpu.memory_space<semaphore_mem>>)
    %dma_wait3A = arith.constant 0 : i32
    %dma_wait3A_24 = arith.constant 0 : i32
    %dma_wait3A_25 = tpu.memref_slice %arg6[%dma_wait3A, %dma_wait3A_24] : memref<272x128xf32, #tpu.memory_space<vmem>> -> memref<128x128xf32, #tpu.memory_space<vmem>>
    %dma_wait3A_26 = arith.constant 0 : i32
    %dma_wait3A_27 = tpu.memref_slice %arg5[%dma_wait3A_26] : memref<272xi32, #tpu.memory_space<vmem>> -> memref<128xi32, #tpu.memory_space<vmem>>
    %dma_wait3A_28 = arith.constant 0 : i32
    %dma_wait3A_29 = arith.constant 0 : i32
    %dma_wait3A_30 = tpu.memref_slice %arg2[%dma_wait3A_28, %dma_wait3A_29] : memref<131072x128xf32, #tpu.memory_space<hbm>> -> memref<131072x128xf32, #tpu.memory_space<hbm>>
    tpu.wait_indirect_dma semaphore(%arg7 : memref<!tpu.dma_semaphore, #tpu.memory_space<semaphore_mem>>) src(%dma_wait3A_30 : memref<131072x128xf32, #tpu.memory_space<hbm>>) dst(%dma_wait3A_25 : memref<128x128xf32, #tpu.memory_space<vmem>>)
    %dma_wait3A_31 = arith.constant 128 : i32
    %dma_wait3A_32 = arith.constant 0 : i32
    %dma_wait3A_33 = tpu.memref_slice %arg6[%dma_wait3A_31, %dma_wait3A_32] : memref<272x128xf32, #tpu.memory_space<vmem>> -> memref<128x128xf32, #tpu.memory_space<vmem>>
    %dma_wait3A_34 = arith.constant 128 : i32
    %dma_wait3A_35 = tpu.memref_slice %arg5[%dma_wait3A_34] : memref<272xi32, #tpu.memory_space<vmem>> -> memref<128xi32, #tpu.memory_space<vmem>>
    %dma_wait3A_36 = arith.constant 0 : i32
    %dma_wait3A_37 = arith.constant 0 : i32
    %dma_wait3A_38 = tpu.memref_slice %arg2[%dma_wait3A_36, %dma_wait3A_37] : memref<131072x128xf32, #tpu.memory_space<hbm>> -> memref<131072x128xf32, #tpu.memory_space<hbm>>
    tpu.wait_indirect_dma semaphore(%arg7 : memref<!tpu.dma_semaphore, #tpu.memory_space<semaphore_mem>>) src(%dma_wait3A_38 : memref<131072x128xf32, #tpu.memory_space<hbm>>) dst(%dma_wait3A_33 : memref<128x128xf32, #tpu.memory_space<vmem>>)
    %dma_wait3A_39 = arith.constant 256 : i32
    %dma_wait3A_40 = arith.constant 0 : i32
    %dma_wait3A_41 = tpu.memref_slice %arg6[%dma_wait3A_39, %dma_wait3A_40] : memref<272x128xf32, #tpu.memory_space<vmem>> -> memref<16x128xf32, #tpu.memory_space<vmem>>
    %dma_wait3A_42 = arith.constant 256 : i32
    %dma_wait3A_43 = tpu.memref_slice %arg5[%dma_wait3A_42] : memref<272xi32, #tpu.memory_space<vmem>> -> memref<16xi32, #tpu.memory_space<vmem>>
    %dma_wait3A_44 = arith.constant 0 : i32
    %dma_wait3A_45 = arith.constant 0 : i32
    %dma_wait3A_46 = tpu.memref_slice %arg2[%dma_wait3A_44, %dma_wait3A_45] : memref<131072x128xf32, #tpu.memory_space<hbm>> -> memref<131072x128xf32, #tpu.memory_space<hbm>>
    tpu.wait_indirect_dma semaphore(%arg7 : memref<!tpu.dma_semaphore, #tpu.memory_space<semaphore_mem>>) src(%dma_wait3A_46 : memref<131072x128xf32, #tpu.memory_space<hbm>>) dst(%dma_wait3A_41 : memref<16x128xf32, #tpu.memory_space<vmem>>)
    %mul3A_47 = arith.constant 32 : i32
    %mul3A_48 = arith.muli %add3A, %mul3A_47 : i32
    %dma_start3A_49 = arith.constant 0 : i32
    %dma_start3A_50 = arith.constant 0 : i32
    %dma_start3A_51 = arith.constant 0 : i32
    %dma_start3A_52 = tpu.memref_slice %arg6[%dma_start3A_50, %dma_start3A_51] : memref<272x128xf32, #tpu.memory_space<vmem>> -> memref<32x128xf32, #tpu.memory_space<vmem>>
    %dma_start3A_53 = arith.constant 0 : i32
    %dma_start3A_54 = tpu.memref_slice %arg4[%dma_start3A_49, %mul3A_48, %dma_start3A_53] : memref<10x1024x128xf32, #tpu.memory_space<hbm>> -> memref<1x32x128xf32, #tpu.memory_space<hbm>>
    %dma_start3A_55 = tpu.memref_squeeze %dma_start3A_54 : memref<1x32x128xf32, #tpu.memory_space<hbm>> -> memref<32x128xf32, #tpu.memory_space<hbm>>
    %dma_start3A_56 = arith.constant 0 : i32
    %dma_start3A_57 = tpu.memref_slice %arg4[%dma_start3A_49, %mul3A_48, %dma_start3A_56] : memref<10x1024x128xf32, #tpu.memory_space<hbm>> -> memref<1x32x128xf32, #tpu.memory_space<hbm>>
    %dma_start3A_58 = tpu.memref_squeeze %dma_start3A_57 : memref<1x32x128xf32, #tpu.memory_space<hbm>> -> memref<32x128xf32, #tpu.memory_space<hbm>>
    %dma_start3A_59 = arith.constant 0 : i32
    %dma_start3A_60 = arith.constant 0 : i32
    %dma_start3A_61 = tpu.memref_slice %arg6[%dma_start3A_59, %dma_start3A_60] : memref<272x128xf32, #tpu.memory_space<vmem>> -> memref<32x128xf32, #tpu.memory_space<vmem>>
    tpu.enqueue_dma source(%dma_start3A_61 : memref<32x128xf32, #tpu.memory_space<vmem>>) target(%dma_start3A_58 : memref<32x128xf32, #tpu.memory_space<hbm>>) target_semaphore(%arg7 : memref<!tpu.dma_semaphore, #tpu.memory_space<semaphore_mem>>)
    %mul3A_62 = arith.constant 32 : i32
    %mul3A_63 = arith.muli %add3A, %mul3A_62 : i32
    %dma_start3A_64 = arith.constant 1 : i32
    %dma_start3A_65 = arith.constant 26 : i32
    %dma_start3A_66 = arith.constant 0 : i32
    %dma_start3A_67 = tpu.memref_slice %arg6[%dma_start3A_65, %dma_start3A_66] : memref<272x128xf32, #tpu.memory_space<vmem>> -> memref<32x128xf32, #tpu.memory_space<vmem>>
    %dma_start3A_68 = arith.constant 0 : i32
    %dma_start3A_69 = tpu.memref_slice %arg4[%dma_start3A_64, %mul3A_63, %dma_start3A_68] : memref<10x1024x128xf32, #tpu.memory_space<hbm>> -> memref<1x32x128xf32, #tpu.memory_space<hbm>>
    %dma_start3A_70 = tpu.memref_squeeze %dma_start3A_69 : memref<1x32x128xf32, #tpu.memory_space<hbm>> -> memref<32x128xf32, #tpu.memory_space<hbm>>
    %dma_start3A_71 = arith.constant 0 : i32
    %dma_start3A_72 = tpu.memref_slice %arg4[%dma_start3A_64, %mul3A_63, %dma_start3A_71] : memref<10x1024x128xf32, #tpu.memory_space<hbm>> -> memref<1x32x128xf32, #tpu.memory_space<hbm>>
    %dma_start3A_73 = tpu.memref_squeeze %dma_start3A_72 : memref<1x32x128xf32, #tpu.memory_space<hbm>> -> memref<32x128xf32, #tpu.memory_space<hbm>>
    %dma_start3A_74 = arith.constant 26 : i32
    %dma_start3A_75 = arith.constant 0 : i32
    %dma_start3A_76 = tpu.memref_slice %arg6[%dma_start3A_74, %dma_start3A_75] : memref<272x128xf32, #tpu.memory_space<vmem>> -> memref<32x128xf32, #tpu.memory_space<vmem>>
    tpu.enqueue_dma source(%dma_start3A_76 : memref<32x128xf32, #tpu.memory_space<vmem>>) target(%dma_start3A_73 : memref<32x128xf32, #tpu.memory_space<hbm>>) target_semaphore(%arg7 : memref<!tpu.dma_semaphore, #tpu.memory_space<semaphore_mem>>)
    %mul3A_77 = arith.constant 32 : i32
    %mul3A_78 = arith.muli %add3A, %mul3A_77 : i32
    %dma_start3A_79 = arith.constant 2 : i32
    %dma_start3A_80 = arith.constant 52 : i32
    %dma_start3A_81 = arith.constant 0 : i32
    %dma_start3A_82 = tpu.memref_slice %arg6[%dma_start3A_80, %dma_start3A_81] : memref<272x128xf32, #tpu.memory_space<vmem>> -> memref<32x128xf32, #tpu.memory_space<vmem>>
    %dma_start3A_83 = arith.constant 0 : i32
    %dma_start3A_84 = tpu.memref_slice %arg4[%dma_start3A_79, %mul3A_78, %dma_start3A_83] : memref<10x1024x128xf32, #tpu.memory_space<hbm>> -> memref<1x32x128xf32, #tpu.memory_space<hbm>>
    %dma_start3A_85 = tpu.memref_squeeze %dma_start3A_84 : memref<1x32x128xf32, #tpu.memory_space<hbm>> -> memref<32x128xf32, #tpu.memory_space<hbm>>
    %dma_start3A_86 = arith.constant 0 : i32
    %dma_start3A_87 = tpu.memref_slice %arg4[%dma_start3A_79, %mul3A_78, %dma_start3A_86] : memref<10x1024x128xf32, #tpu.memory_space<hbm>> -> memref<1x32x128xf32, #tpu.memory_space<hbm>>
    %dma_start3A_88 = tpu.memref_squeeze %dma_start3A_87 : memref<1x32x128xf32, #tpu.memory_space<hbm>> -> memref<32x128xf32, #tpu.memory_space<hbm>>
    %dma_start3A_89 = arith.constant 52 : i32
    %dma_start3A_90 = arith.constant 0 : i32
    %dma_start3A_91 = tpu.memref_slice %arg6[%dma_start3A_89, %dma_start3A_90] : memref<272x128xf32, #tpu.memory_space<vmem>> -> memref<32x128xf32, #tpu.memory_space<vmem>>
    tpu.enqueue_dma source(%dma_start3A_91 : memref<32x128xf32, #tpu.memory_space<vmem>>) target(%dma_start3A_88 : memref<32x128xf32, #tpu.memory_space<hbm>>) target_semaphore(%arg7 : memref<!tpu.dma_semaphore, #tpu.memory_space<semaphore_mem>>)
    %mul3A_92 = arith.constant 32 : i32
    %mul3A_93 = arith.muli %add3A, %mul3A_92 : i32
    %dma_start3A_94 = arith.constant 3 : i32
    %dma_start3A_95 = arith.constant 78 : i32
    %dma_start3A_96 = arith.constant 0 : i32
    %dma_start3A_97 = tpu.memref_slice %arg6[%dma_start3A_95, %dma_start3A_96] : memref<272x128xf32, #tpu.memory_space<vmem>> -> memref<32x128xf32, #tpu.memory_space<vmem>>
    %dma_start3A_98 = arith.constant 0 : i32
    %dma_start3A_99 = tpu.memref_slice %arg4[%dma_start3A_94, %mul3A_93, %dma_start3A_98] : memref<10x1024x128xf32, #tpu.memory_space<hbm>> -> memref<1x32x128xf32, #tpu.memory_space<hbm>>
    %dma_start3A_100 = tpu.memref_squeeze %dma_start3A_99 : memref<1x32x128xf32, #tpu.memory_space<hbm>> -> memref<32x128xf32, #tpu.memory_space<hbm>>
    %dma_start3A_101 = arith.constant 0 : i32
    %dma_start3A_102 = tpu.memref_slice %arg4[%dma_start3A_94, %mul3A_93, %dma_start3A_101] : memref<10x1024x128xf32, #tpu.memory_space<hbm>> -> memref<1x32x128xf32, #tpu.memory_space<hbm>>
    %dma_start3A_103 = tpu.memref_squeeze %dma_start3A_102 : memref<1x32x128xf32, #tpu.memory_space<hbm>> -> memref<32x128xf32, #tpu.memory_space<hbm>>
    %dma_start3A_104 = arith.constant 78 : i32
    %dma_start3A_105 = arith.constant 0 : i32
    %dma_start3A_106 = tpu.memref_slice %arg6[%dma_start3A_104, %dma_start3A_105] : memref<272x128xf32, #tpu.memory_space<vmem>> -> memref<32x128xf32, #tpu.memory_space<vmem>>
    tpu.enqueue_dma source(%dma_start3A_106 : memref<32x128xf32, #tpu.memory_space<vmem>>) target(%dma_start3A_103 : memref<32x128xf32, #tpu.memory_space<hbm>>) target_semaphore(%arg7 : memref<!tpu.dma_semaphore, #tpu.memory_space<semaphore_mem>>)
    %mul3A_107 = arith.constant 32 : i32
    %mul3A_108 = arith.muli %add3A, %mul3A_107 : i32
    %dma_start3A_109 = arith.constant 4 : i32
    %dma_start3A_110 = arith.constant 104 : i32
    %dma_start3A_111 = arith.constant 0 : i32
    %dma_start3A_112 = tpu.memref_slice %arg6[%dma_start3A_110, %dma_start3A_111] : memref<272x128xf32, #tpu.memory_space<vmem>> -> memref<32x128xf32, #tpu.memory_space<vmem>>
    %dma_start3A_113 = arith.constant 0 : i32
    %dma_start3A_114 = tpu.memref_slice %arg4[%dma_start3A_109, %mul3A_108, %dma_start3A_113] : memref<10x1024x128xf32, #tpu.memory_space<hbm>> -> memref<1x32x128xf32, #tpu.memory_space<hbm>>
    %dma_start3A_115 = tpu.memref_squeeze %dma_start3A_114 : memref<1x32x128xf32, #tpu.memory_space<hbm>> -> memref<32x128xf32, #tpu.memory_space<hbm>>
    %dma_start3A_116 = arith.constant 0 : i32
    %dma_start3A_117 = tpu.memref_slice %arg4[%dma_start3A_109, %mul3A_108, %dma_start3A_116] : memref<10x1024x128xf32, #tpu.memory_space<hbm>> -> memref<1x32x128xf32, #tpu.memory_space<hbm>>
    %dma_start3A_118 = tpu.memref_squeeze %dma_start3A_117 : memref<1x32x128xf32, #tpu.memory_space<hbm>> -> memref<32x128xf32, #tpu.memory_space<hbm>>
    %dma_start3A_119 = arith.constant 104 : i32
    %dma_start3A_120 = arith.constant 0 : i32
    %dma_start3A_121 = tpu.memref_slice %arg6[%dma_start3A_119, %dma_start3A_120] : memref<272x128xf32, #tpu.memory_space<vmem>> -> memref<32x128xf32, #tpu.memory_space<vmem>>
    tpu.enqueue_dma source(%dma_start3A_121 : memref<32x128xf32, #tpu.memory_space<vmem>>) target(%dma_start3A_118 : memref<32x128xf32, #tpu.memory_space<hbm>>) target_semaphore(%arg7 : memref<!tpu.dma_semaphore, #tpu.memory_space<semaphore_mem>>)
    %mul3A_122 = arith.constant 32 : i32
    %mul3A_123 = arith.muli %add3A, %mul3A_122 : i32
    %dma_start3A_124 = arith.constant 5 : i32
    %dma_start3A_125 = arith.constant 130 : i32
    %dma_start3A_126 = arith.constant 0 : i32
    %dma_start3A_127 = tpu.memref_slice %arg6[%dma_start3A_125, %dma_start3A_126] : memref<272x128xf32, #tpu.memory_space<vmem>> -> memref<32x128xf32, #tpu.memory_space<vmem>>
    %dma_start3A_128 = arith.constant 0 : i32
    %dma_start3A_129 = tpu.memref_slice %arg4[%dma_start3A_124, %mul3A_123, %dma_start3A_128] : memref<10x1024x128xf32, #tpu.memory_space<hbm>> -> memref<1x32x128xf32, #tpu.memory_space<hbm>>
    %dma_start3A_130 = tpu.memref_squeeze %dma_start3A_129 : memref<1x32x128xf32, #tpu.memory_space<hbm>> -> memref<32x128xf32, #tpu.memory_space<hbm>>
    %dma_start3A_131 = arith.constant 0 : i32
    %dma_start3A_132 = tpu.memref_slice %arg4[%dma_start3A_124, %mul3A_123, %dma_start3A_131] : memref<10x1024x128xf32, #tpu.memory_space<hbm>> -> memref<1x32x128xf32, #tpu.memory_space<hbm>>
    %dma_start3A_133 = tpu.memref_squeeze %dma_start3A_132 : memref<1x32x128xf32, #tpu.memory_space<hbm>> -> memref<32x128xf32, #tpu.memory_space<hbm>>
    %dma_start3A_134 = arith.constant 130 : i32
    %dma_start3A_135 = arith.constant 0 : i32
    %dma_start3A_136 = tpu.memref_slice %arg6[%dma_start3A_134, %dma_start3A_135] : memref<272x128xf32, #tpu.memory_space<vmem>> -> memref<32x128xf32, #tpu.memory_space<vmem>>
    tpu.enqueue_dma source(%dma_start3A_136 : memref<32x128xf32, #tpu.memory_space<vmem>>) target(%dma_start3A_133 : memref<32x128xf32, #tpu.memory_space<hbm>>) target_semaphore(%arg7 : memref<!tpu.dma_semaphore, #tpu.memory_space<semaphore_mem>>)
    %mul3A_137 = arith.constant 32 : i32
    %mul3A_138 = arith.muli %add3A, %mul3A_137 : i32
    %dma_start3A_139 = arith.constant 6 : i32
    %dma_start3A_140 = arith.constant 156 : i32
    %dma_start3A_141 = arith.constant 0 : i32
    %dma_start3A_142 = tpu.memref_slice %arg6[%dma_start3A_140, %dma_start3A_141] : memref<272x128xf32, #tpu.memory_space<vmem>> -> memref<32x128xf32, #tpu.memory_space<vmem>>
    %dma_start3A_143 = arith.constant 0 : i32
    %dma_start3A_144 = tpu.memref_slice %arg4[%dma_start3A_139, %mul3A_138, %dma_start3A_143] : memref<10x1024x128xf32, #tpu.memory_space<hbm>> -> memref<1x32x128xf32, #tpu.memory_space<hbm>>
    %dma_start3A_145 = tpu.memref_squeeze %dma_start3A_144 : memref<1x32x128xf32, #tpu.memory_space<hbm>> -> memref<32x128xf32, #tpu.memory_space<hbm>>
    %dma_start3A_146 = arith.constant 0 : i32
    %dma_start3A_147 = tpu.memref_slice %arg4[%dma_start3A_139, %mul3A_138, %dma_start3A_146] : memref<10x1024x128xf32, #tpu.memory_space<hbm>> -> memref<1x32x128xf32, #tpu.memory_space<hbm>>
    %dma_start3A_148 = tpu.memref_squeeze %dma_start3A_147 : memref<1x32x128xf32, #tpu.memory_space<hbm>> -> memref<32x128xf32, #tpu.memory_space<hbm>>
    %dma_start3A_149 = arith.constant 156 : i32
    %dma_start3A_150 = arith.constant 0 : i32
    %dma_start3A_151 = tpu.memref_slice %arg6[%dma_start3A_149, %dma_start3A_150] : memref<272x128xf32, #tpu.memory_space<vmem>> -> memref<32x128xf32, #tpu.memory_space<vmem>>
    tpu.enqueue_dma source(%dma_start3A_151 : memref<32x128xf32, #tpu.memory_space<vmem>>) target(%dma_start3A_148 : memref<32x128xf32, #tpu.memory_space<hbm>>) target_semaphore(%arg7 : memref<!tpu.dma_semaphore, #tpu.memory_space<semaphore_mem>>)
    %mul3A_152 = arith.constant 32 : i32
    %mul3A_153 = arith.muli %add3A, %mul3A_152 : i32
    %dma_start3A_154 = arith.constant 7 : i32
    %dma_start3A_155 = arith.constant 182 : i32
    %dma_start3A_156 = arith.constant 0 : i32
    %dma_start3A_157 = tpu.memref_slice %arg6[%dma_start3A_155, %dma_start3A_156] : memref<272x128xf32, #tpu.memory_space<vmem>> -> memref<32x128xf32, #tpu.memory_space<vmem>>
    %dma_start3A_158 = arith.constant 0 : i32
    %dma_start3A_159 = tpu.memref_slice %arg4[%dma_start3A_154, %mul3A_153, %dma_start3A_158] : memref<10x1024x128xf32, #tpu.memory_space<hbm>> -> memref<1x32x128xf32, #tpu.memory_space<hbm>>
    %dma_start3A_160 = tpu.memref_squeeze %dma_start3A_159 : memref<1x32x128xf32, #tpu.memory_space<hbm>> -> memref<32x128xf32, #tpu.memory_space<hbm>>
    %dma_start3A_161 = arith.constant 0 : i32
    %dma_start3A_162 = tpu.memref_slice %arg4[%dma_start3A_154, %mul3A_153, %dma_start3A_161] : memref<10x1024x128xf32, #tpu.memory_space<hbm>> -> memref<1x32x128xf32, #tpu.memory_space<hbm>>
    %dma_start3A_163 = tpu.memref_squeeze %dma_start3A_162 : memref<1x32x128xf32, #tpu.memory_space<hbm>> -> memref<32x128xf32, #tpu.memory_space<hbm>>
    %dma_start3A_164 = arith.constant 182 : i32
    %dma_start3A_165 = arith.constant 0 : i32
    %dma_start3A_166 = tpu.memref_slice %arg6[%dma_start3A_164, %dma_start3A_165] : memref<272x128xf32, #tpu.memory_space<vmem>> -> memref<32x128xf32, #tpu.memory_space<vmem>>
    tpu.enqueue_dma source(%dma_start3A_166 : memref<32x128xf32, #tpu.memory_space<vmem>>) target(%dma_start3A_163 : memref<32x128xf32, #tpu.memory_space<hbm>>) target_semaphore(%arg7 : memref<!tpu.dma_semaphore, #tpu.memory_space<semaphore_mem>>)
    %mul3A_167 = arith.constant 32 : i32
    %mul3A_168 = arith.muli %add3A, %mul3A_167 : i32
    %dma_start3A_169 = arith.constant 8 : i32
    %dma_start3A_170 = arith.constant 208 : i32
    %dma_start3A_171 = arith.constant 0 : i32
    %dma_start3A_172 = tpu.memref_slice %arg6[%dma_start3A_170, %dma_start3A_171] : memref<272x128xf32, #tpu.memory_space<vmem>> -> memref<32x128xf32, #tpu.memory_space<vmem>>
    %dma_start3A_173 = arith.constant 0 : i32
    %dma_start3A_174 = tpu.memref_slice %arg4[%dma_start3A_169, %mul3A_168, %dma_start3A_173] : memref<10x1024x128xf32, #tpu.memory_space<hbm>> -> memref<1x32x128xf32, #tpu.memory_space<hbm>>
    %dma_start3A_175 = tpu.memref_squeeze %dma_start3A_174 : memref<1x32x128xf32, #tpu.memory_space<hbm>> -> memref<32x128xf32, #tpu.memory_space<hbm>>
    %dma_start3A_176 = arith.constant 0 : i32
    %dma_start3A_177 = tpu.memref_slice %arg4[%dma_start3A_169, %mul3A_168, %dma_start3A_176] : memref<10x1024x128xf32, #tpu.memory_space<hbm>> -> memref<1x32x128xf32, #tpu.memory_space<hbm>>
    %dma_start3A_178 = tpu.memref_squeeze %dma_start3A_177 : memref<1x32x128xf32, #tpu.memory_space<hbm>> -> memref<32x128xf32, #tpu.memory_space<hbm>>
    %dma_start3A_179 = arith.constant 208 : i32
    %dma_start3A_180 = arith.constant 0 : i32
    %dma_start3A_181 = tpu.memref_slice %arg6[%dma_start3A_179, %dma_start3A_180] : memref<272x128xf32, #tpu.memory_space<vmem>> -> memref<32x128xf32, #tpu.memory_space<vmem>>
    tpu.enqueue_dma source(%dma_start3A_181 : memref<32x128xf32, #tpu.memory_space<vmem>>) target(%dma_start3A_178 : memref<32x128xf32, #tpu.memory_space<hbm>>) target_semaphore(%arg7 : memref<!tpu.dma_semaphore, #tpu.memory_space<semaphore_mem>>)
    %mul3A_182 = arith.constant 32 : i32
    %mul3A_183 = arith.muli %add3A, %mul3A_182 : i32
    %dma_start3A_184 = arith.constant 9 : i32
    %dma_start3A_185 = arith.constant 234 : i32
    %dma_start3A_186 = arith.constant 0 : i32
    %dma_start3A_187 = tpu.memref_slice %arg6[%dma_start3A_185, %dma_start3A_186] : memref<272x128xf32, #tpu.memory_space<vmem>> -> memref<32x128xf32, #tpu.memory_space<vmem>>
    %dma_start3A_188 = arith.constant 0 : i32
    %dma_start3A_189 = tpu.memref_slice %arg4[%dma_start3A_184, %mul3A_183, %dma_start3A_188] : memref<10x1024x128xf32, #tpu.memory_space<hbm>> -> memref<1x32x128xf32, #tpu.memory_space<hbm>>
    %dma_start3A_190 = tpu.memref_squeeze %dma_start3A_189 : memref<1x32x128xf32, #tpu.memory_space<hbm>> -> memref<32x128xf32, #tpu.memory_space<hbm>>
    %dma_start3A_191 = arith.constant 0 : i32
    %dma_start3A_192 = tpu.memref_slice %arg4[%dma_start3A_184, %mul3A_183, %dma_start3A_191] : memref<10x1024x128xf32, #tpu.memory_space<hbm>> -> memref<1x32x128xf32, #tpu.memory_space<hbm>>
    %dma_start3A_193 = tpu.memref_squeeze %dma_start3A_192 : memref<1x32x128xf32, #tpu.memory_space<hbm>> -> memref<32x128xf32, #tpu.memory_space<hbm>>
    %dma_start3A_194 = arith.constant 234 : i32
    %dma_start3A_195 = arith.constant 0 : i32
    %dma_start3A_196 = tpu.memref_slice %arg6[%dma_start3A_194, %dma_start3A_195] : memref<272x128xf32, #tpu.memory_space<vmem>> -> memref<32x128xf32, #tpu.memory_space<vmem>>
    tpu.enqueue_dma source(%dma_start3A_196 : memref<32x128xf32, #tpu.memory_space<vmem>>) target(%dma_start3A_193 : memref<32x128xf32, #tpu.memory_space<hbm>>) target_semaphore(%arg7 : memref<!tpu.dma_semaphore, #tpu.memory_space<semaphore_mem>>)
    %dma_wait3A_197 = arith.constant 0 : i32
    %dma_wait3A_198 = arith.constant 0 : i32
    %dma_wait3A_199 = arith.constant 0 : i32
    %dma_wait3A_200 = tpu.memref_slice %arg6[%dma_wait3A_198, %dma_wait3A_199] : memref<272x128xf32, #tpu.memory_space<vmem>> -> memref<32x128xf32, #tpu.memory_space<vmem>>
    %dma_wait3A_201 = arith.constant 0 : i32
    %dma_wait3A_202 = tpu.memref_slice %arg4[%dma_wait3A_197, %mul3A_48, %dma_wait3A_201] : memref<10x1024x128xf32, #tpu.memory_space<hbm>> -> memref<1x32x128xf32, #tpu.memory_space<hbm>>
    %dma_wait3A_203 = tpu.memref_squeeze %dma_wait3A_202 : memref<1x32x128xf32, #tpu.memory_space<hbm>> -> memref<32x128xf32, #tpu.memory_space<hbm>>
    %dma_wait3A_204 = arith.constant 0 : i32
    %dma_wait3A_205 = tpu.memref_slice %arg4[%dma_wait3A_197, %mul3A_48, %dma_wait3A_204] : memref<10x1024x128xf32, #tpu.memory_space<hbm>> -> memref<1x32x128xf32, #tpu.memory_space<hbm>>
    %dma_wait3A_206 = tpu.memref_squeeze %dma_wait3A_205 : memref<1x32x128xf32, #tpu.memory_space<hbm>> -> memref<32x128xf32, #tpu.memory_space<hbm>>
    %dma_wait3A_207 = arith.constant 0 : i32
    %dma_wait3A_208 = arith.constant 0 : i32
    %dma_wait3A_209 = tpu.memref_slice %arg6[%dma_wait3A_207, %dma_wait3A_208] : memref<272x128xf32, #tpu.memory_space<vmem>> -> memref<32x128xf32, #tpu.memory_space<vmem>>
    tpu.wait_dma2 semaphore(%arg7 : memref<!tpu.dma_semaphore, #tpu.memory_space<semaphore_mem>>) src(%dma_wait3A_209 : memref<32x128xf32, #tpu.memory_space<vmem>>) dst(%dma_wait3A_206 : memref<32x128xf32, #tpu.memory_space<hbm>>)
    %dma_wait3A_210 = arith.constant 1 : i32
    %dma_wait3A_211 = arith.constant 26 : i32
    %dma_wait3A_212 = arith.constant 0 : i32
    %dma_wait3A_213 = tpu.memref_slice %arg6[%dma_wait3A_211, %dma_wait3A_212] : memref<272x128xf32, #tpu.memory_space<vmem>> -> memref<32x128xf32, #tpu.memory_space<vmem>>
    %dma_wait3A_214 = arith.constant 0 : i32
    %dma_wait3A_215 = tpu.memref_slice %arg4[%dma_wait3A_210, %mul3A_63, %dma_wait3A_214] : memref<10x1024x128xf32, #tpu.memory_space<hbm>> -> memref<1x32x128xf32, #tpu.memory_space<hbm>>
    %dma_wait3A_216 = tpu.memref_squeeze %dma_wait3A_215 : memref<1x32x128xf32, #tpu.memory_space<hbm>> -> memref<32x128xf32, #tpu.memory_space<hbm>>
    %dma_wait3A_217 = arith.constant 0 : i32
    %dma_wait3A_218 = tpu.memref_slice %arg4[%dma_wait3A_210, %mul3A_63, %dma_wait3A_217] : memref<10x1024x128xf32, #tpu.memory_space<hbm>> -> memref<1x32x128xf32, #tpu.memory_space<hbm>>
    %dma_wait3A_219 = tpu.memref_squeeze %dma_wait3A_218 : memref<1x32x128xf32, #tpu.memory_space<hbm>> -> memref<32x128xf32, #tpu.memory_space<hbm>>
    %dma_wait3A_220 = arith.constant 26 : i32
    %dma_wait3A_221 = arith.constant 0 : i32
    %dma_wait3A_222 = tpu.memref_slice %arg6[%dma_wait3A_220, %dma_wait3A_221] : memref<272x128xf32, #tpu.memory_space<vmem>> -> memref<32x128xf32, #tpu.memory_space<vmem>>
    tpu.wait_dma2 semaphore(%arg7 : memref<!tpu.dma_semaphore, #tpu.memory_space<semaphore_mem>>) src(%dma_wait3A_222 : memref<32x128xf32, #tpu.memory_space<vmem>>) dst(%dma_wait3A_219 : memref<32x128xf32, #tpu.memory_space<hbm>>)
    %dma_wait3A_223 = arith.constant 2 : i32
    %dma_wait3A_224 = arith.constant 52 : i32
    %dma_wait3A_225 = arith.constant 0 : i32
    %dma_wait3A_226 = tpu.memref_slice %arg6[%dma_wait3A_224, %dma_wait3A_225] : memref<272x128xf32, #tpu.memory_space<vmem>> -> memref<32x128xf32, #tpu.memory_space<vmem>>
    %dma_wait3A_227 = arith.constant 0 : i32
    %dma_wait3A_228 = tpu.memref_slice %arg4[%dma_wait3A_223, %mul3A_78, %dma_wait3A_227] : memref<10x1024x128xf32, #tpu.memory_space<hbm>> -> memref<1x32x128xf32, #tpu.memory_space<hbm>>
    %dma_wait3A_229 = tpu.memref_squeeze %dma_wait3A_228 : memref<1x32x128xf32, #tpu.memory_space<hbm>> -> memref<32x128xf32, #tpu.memory_space<hbm>>
    %dma_wait3A_230 = arith.constant 0 : i32
    %dma_wait3A_231 = tpu.memref_slice %arg4[%dma_wait3A_223, %mul3A_78, %dma_wait3A_230] : memref<10x1024x128xf32, #tpu.memory_space<hbm>> -> memref<1x32x128xf32, #tpu.memory_space<hbm>>
    %dma_wait3A_232 = tpu.memref_squeeze %dma_wait3A_231 : memref<1x32x128xf32, #tpu.memory_space<hbm>> -> memref<32x128xf32, #tpu.memory_space<hbm>>
    %dma_wait3A_233 = arith.constant 52 : i32
    %dma_wait3A_234 = arith.constant 0 : i32
    %dma_wait3A_235 = tpu.memref_slice %arg6[%dma_wait3A_233, %dma_wait3A_234] : memref<272x128xf32, #tpu.memory_space<vmem>> -> memref<32x128xf32, #tpu.memory_space<vmem>>
    tpu.wait_dma2 semaphore(%arg7 : memref<!tpu.dma_semaphore, #tpu.memory_space<semaphore_mem>>) src(%dma_wait3A_235 : memref<32x128xf32, #tpu.memory_space<vmem>>) dst(%dma_wait3A_232 : memref<32x128xf32, #tpu.memory_space<hbm>>)
    %dma_wait3A_236 = arith.constant 3 : i32
    %dma_wait3A_237 = arith.constant 78 : i32
    %dma_wait3A_238 = arith.constant 0 : i32
    %dma_wait3A_239 = tpu.memref_slice %arg6[%dma_wait3A_237, %dma_wait3A_238] : memref<272x128xf32, #tpu.memory_space<vmem>> -> memref<32x128xf32, #tpu.memory_space<vmem>>
    %dma_wait3A_240 = arith.constant 0 : i32
    %dma_wait3A_241 = tpu.memref_slice %arg4[%dma_wait3A_236, %mul3A_93, %dma_wait3A_240] : memref<10x1024x128xf32, #tpu.memory_space<hbm>> -> memref<1x32x128xf32, #tpu.memory_space<hbm>>
    %dma_wait3A_242 = tpu.memref_squeeze %dma_wait3A_241 : memref<1x32x128xf32, #tpu.memory_space<hbm>> -> memref<32x128xf32, #tpu.memory_space<hbm>>
    %dma_wait3A_243 = arith.constant 0 : i32
    %dma_wait3A_244 = tpu.memref_slice %arg4[%dma_wait3A_236, %mul3A_93, %dma_wait3A_243] : memref<10x1024x128xf32, #tpu.memory_space<hbm>> -> memref<1x32x128xf32, #tpu.memory_space<hbm>>
    %dma_wait3A_245 = tpu.memref_squeeze %dma_wait3A_244 : memref<1x32x128xf32, #tpu.memory_space<hbm>> -> memref<32x128xf32, #tpu.memory_space<hbm>>
    %dma_wait3A_246 = arith.constant 78 : i32
    %dma_wait3A_247 = arith.constant 0 : i32
    %dma_wait3A_248 = tpu.memref_slice %arg6[%dma_wait3A_246, %dma_wait3A_247] : memref<272x128xf32, #tpu.memory_space<vmem>> -> memref<32x128xf32, #tpu.memory_space<vmem>>
    tpu.wait_dma2 semaphore(%arg7 : memref<!tpu.dma_semaphore, #tpu.memory_space<semaphore_mem>>) src(%dma_wait3A_248 : memref<32x128xf32, #tpu.memory_space<vmem>>) dst(%dma_wait3A_245 : memref<32x128xf32, #tpu.memory_space<hbm>>)
    %dma_wait3A_249 = arith.constant 4 : i32
    %dma_wait3A_250 = arith.constant 104 : i32
    %dma_wait3A_251 = arith.constant 0 : i32
    %dma_wait3A_252 = tpu.memref_slice %arg6[%dma_wait3A_250, %dma_wait3A_251] : memref<272x128xf32, #tpu.memory_space<vmem>> -> memref<32x128xf32, #tpu.memory_space<vmem>>
    %dma_wait3A_253 = arith.constant 0 : i32
    %dma_wait3A_254 = tpu.memref_slice %arg4[%dma_wait3A_249, %mul3A_108, %dma_wait3A_253] : memref<10x1024x128xf32, #tpu.memory_space<hbm>> -> memref<1x32x128xf32, #tpu.memory_space<hbm>>
    %dma_wait3A_255 = tpu.memref_squeeze %dma_wait3A_254 : memref<1x32x128xf32, #tpu.memory_space<hbm>> -> memref<32x128xf32, #tpu.memory_space<hbm>>
    %dma_wait3A_256 = arith.constant 0 : i32
    %dma_wait3A_257 = tpu.memref_slice %arg4[%dma_wait3A_249, %mul3A_108, %dma_wait3A_256] : memref<10x1024x128xf32, #tpu.memory_space<hbm>> -> memref<1x32x128xf32, #tpu.memory_space<hbm>>
    %dma_wait3A_258 = tpu.memref_squeeze %dma_wait3A_257 : memref<1x32x128xf32, #tpu.memory_space<hbm>> -> memref<32x128xf32, #tpu.memory_space<hbm>>
    %dma_wait3A_259 = arith.constant 104 : i32
    %dma_wait3A_260 = arith.constant 0 : i32
    %dma_wait3A_261 = tpu.memref_slice %arg6[%dma_wait3A_259, %dma_wait3A_260] : memref<272x128xf32, #tpu.memory_space<vmem>> -> memref<32x128xf32, #tpu.memory_space<vmem>>
    tpu.wait_dma2 semaphore(%arg7 : memref<!tpu.dma_semaphore, #tpu.memory_space<semaphore_mem>>) src(%dma_wait3A_261 : memref<32x128xf32, #tpu.memory_space<vmem>>) dst(%dma_wait3A_258 : memref<32x128xf32, #tpu.memory_space<hbm>>)
    %dma_wait3A_262 = arith.constant 5 : i32
    %dma_wait3A_263 = arith.constant 130 : i32
    %dma_wait3A_264 = arith.constant 0 : i32
    %dma_wait3A_265 = tpu.memref_slice %arg6[%dma_wait3A_263, %dma_wait3A_264] : memref<272x128xf32, #tpu.memory_space<vmem>> -> memref<32x128xf32, #tpu.memory_space<vmem>>
    %dma_wait3A_266 = arith.constant 0 : i32
    %dma_wait3A_267 = tpu.memref_slice %arg4[%dma_wait3A_262, %mul3A_123, %dma_wait3A_266] : memref<10x1024x128xf32, #tpu.memory_space<hbm>> -> memref<1x32x128xf32, #tpu.memory_space<hbm>>
    %dma_wait3A_268 = tpu.memref_squeeze %dma_wait3A_267 : memref<1x32x128xf32, #tpu.memory_space<hbm>> -> memref<32x128xf32, #tpu.memory_space<hbm>>
    %dma_wait3A_269 = arith.constant 0 : i32
    %dma_wait3A_270 = tpu.memref_slice %arg4[%dma_wait3A_262, %mul3A_123, %dma_wait3A_269] : memref<10x1024x128xf32, #tpu.memory_space<hbm>> -> memref<1x32x128xf32, #tpu.memory_space<hbm>>
    %dma_wait3A_271 = tpu.memref_squeeze %dma_wait3A_270 : memref<1x32x128xf32, #tpu.memory_space<hbm>> -> memref<32x128xf32, #tpu.memory_space<hbm>>
    %dma_wait3A_272 = arith.constant 130 : i32
    %dma_wait3A_273 = arith.constant 0 : i32
    %dma_wait3A_274 = tpu.memref_slice %arg6[%dma_wait3A_272, %dma_wait3A_273] : memref<272x128xf32, #tpu.memory_space<vmem>> -> memref<32x128xf32, #tpu.memory_space<vmem>>
    tpu.wait_dma2 semaphore(%arg7 : memref<!tpu.dma_semaphore, #tpu.memory_space<semaphore_mem>>) src(%dma_wait3A_274 : memref<32x128xf32, #tpu.memory_space<vmem>>) dst(%dma_wait3A_271 : memref<32x128xf32, #tpu.memory_space<hbm>>)
    %dma_wait3A_275 = arith.constant 6 : i32
    %dma_wait3A_276 = arith.constant 156 : i32
    %dma_wait3A_277 = arith.constant 0 : i32
    %dma_wait3A_278 = tpu.memref_slice %arg6[%dma_wait3A_276, %dma_wait3A_277] : memref<272x128xf32, #tpu.memory_space<vmem>> -> memref<32x128xf32, #tpu.memory_space<vmem>>
    %dma_wait3A_279 = arith.constant 0 : i32
    %dma_wait3A_280 = tpu.memref_slice %arg4[%dma_wait3A_275, %mul3A_138, %dma_wait3A_279] : memref<10x1024x128xf32, #tpu.memory_space<hbm>> -> memref<1x32x128xf32, #tpu.memory_space<hbm>>
    %dma_wait3A_281 = tpu.memref_squeeze %dma_wait3A_280 : memref<1x32x128xf32, #tpu.memory_space<hbm>> -> memref<32x128xf32, #tpu.memory_space<hbm>>
    %dma_wait3A_282 = arith.constant 0 : i32
    %dma_wait3A_283 = tpu.memref_slice %arg4[%dma_wait3A_275, %mul3A_138, %dma_wait3A_282] : memref<10x1024x128xf32, #tpu.memory_space<hbm>> -> memref<1x32x128xf32, #tpu.memory_space<hbm>>
    %dma_wait3A_284 = tpu.memref_squeeze %dma_wait3A_283 : memref<1x32x128xf32, #tpu.memory_space<hbm>> -> memref<32x128xf32, #tpu.memory_space<hbm>>
    %dma_wait3A_285 = arith.constant 156 : i32
    %dma_wait3A_286 = arith.constant 0 : i32
    %dma_wait3A_287 = tpu.memref_slice %arg6[%dma_wait3A_285, %dma_wait3A_286] : memref<272x128xf32, #tpu.memory_space<vmem>> -> memref<32x128xf32, #tpu.memory_space<vmem>>
    tpu.wait_dma2 semaphore(%arg7 : memref<!tpu.dma_semaphore, #tpu.memory_space<semaphore_mem>>) src(%dma_wait3A_287 : memref<32x128xf32, #tpu.memory_space<vmem>>) dst(%dma_wait3A_284 : memref<32x128xf32, #tpu.memory_space<hbm>>)
    %dma_wait3A_288 = arith.constant 7 : i32
    %dma_wait3A_289 = arith.constant 182 : i32
    %dma_wait3A_290 = arith.constant 0 : i32
    %dma_wait3A_291 = tpu.memref_slice %arg6[%dma_wait3A_289, %dma_wait3A_290] : memref<272x128xf32, #tpu.memory_space<vmem>> -> memref<32x128xf32, #tpu.memory_space<vmem>>
    %dma_wait3A_292 = arith.constant 0 : i32
    %dma_wait3A_293 = tpu.memref_slice %arg4[%dma_wait3A_288, %mul3A_153, %dma_wait3A_292] : memref<10x1024x128xf32, #tpu.memory_space<hbm>> -> memref<1x32x128xf32, #tpu.memory_space<hbm>>
    %dma_wait3A_294 = tpu.memref_squeeze %dma_wait3A_293 : memref<1x32x128xf32, #tpu.memory_space<hbm>> -> memref<32x128xf32, #tpu.memory_space<hbm>>
    %dma_wait3A_295 = arith.constant 0 : i32
    %dma_wait3A_296 = tpu.memref_slice %arg4[%dma_wait3A_288, %mul3A_153, %dma_wait3A_295] : memref<10x1024x128xf32, #tpu.memory_space<hbm>> -> memref<1x32x128xf32, #tpu.memory_space<hbm>>
    %dma_wait3A_297 = tpu.memref_squeeze %dma_wait3A_296 : memref<1x32x128xf32, #tpu.memory_space<hbm>> -> memref<32x128xf32, #tpu.memory_space<hbm>>
    %dma_wait3A_298 = arith.constant 182 : i32
    %dma_wait3A_299 = arith.constant 0 : i32
    %dma_wait3A_300 = tpu.memref_slice %arg6[%dma_wait3A_298, %dma_wait3A_299] : memref<272x128xf32, #tpu.memory_space<vmem>> -> memref<32x128xf32, #tpu.memory_space<vmem>>
    tpu.wait_dma2 semaphore(%arg7 : memref<!tpu.dma_semaphore, #tpu.memory_space<semaphore_mem>>) src(%dma_wait3A_300 : memref<32x128xf32, #tpu.memory_space<vmem>>) dst(%dma_wait3A_297 : memref<32x128xf32, #tpu.memory_space<hbm>>)
    %dma_wait3A_301 = arith.constant 8 : i32
    %dma_wait3A_302 = arith.constant 208 : i32
    %dma_wait3A_303 = arith.constant 0 : i32
    %dma_wait3A_304 = tpu.memref_slice %arg6[%dma_wait3A_302, %dma_wait3A_303] : memref<272x128xf32, #tpu.memory_space<vmem>> -> memref<32x128xf32, #tpu.memory_space<vmem>>
    %dma_wait3A_305 = arith.constant 0 : i32
    %dma_wait3A_306 = tpu.memref_slice %arg4[%dma_wait3A_301, %mul3A_168, %dma_wait3A_305] : memref<10x1024x128xf32, #tpu.memory_space<hbm>> -> memref<1x32x128xf32, #tpu.memory_space<hbm>>
    %dma_wait3A_307 = tpu.memref_squeeze %dma_wait3A_306 : memref<1x32x128xf32, #tpu.memory_space<hbm>> -> memref<32x128xf32, #tpu.memory_space<hbm>>
    %dma_wait3A_308 = arith.constant 0 : i32
    %dma_wait3A_309 = tpu.memref_slice %arg4[%dma_wait3A_301, %mul3A_168, %dma_wait3A_308] : memref<10x1024x128xf32, #tpu.memory_space<hbm>> -> memref<1x32x128xf32, #tpu.memory_space<hbm>>
    %dma_wait3A_310 = tpu.memref_squeeze %dma_wait3A_309 : memref<1x32x128xf32, #tpu.memory_space<hbm>> -> memref<32x128xf32, #tpu.memory_space<hbm>>
    %dma_wait3A_311 = arith.constant 208 : i32
    %dma_wait3A_312 = arith.constant 0 : i32
    %dma_wait3A_313 = tpu.memref_slice %arg6[%dma_wait3A_311, %dma_wait3A_312] : memref<272x128xf32, #tpu.memory_space<vmem>> -> memref<32x128xf32, #tpu.memory_space<vmem>>
    tpu.wait_dma2 semaphore(%arg7 : memref<!tpu.dma_semaphore, #tpu.memory_space<semaphore_mem>>) src(%dma_wait3A_313 : memref<32x128xf32, #tpu.memory_space<vmem>>) dst(%dma_wait3A_310 : memref<32x128xf32, #tpu.memory_space<hbm>>)
    %dma_wait3A_314 = arith.constant 9 : i32
    %dma_wait3A_315 = arith.constant 234 : i32
    %dma_wait3A_316 = arith.constant 0 : i32
    %dma_wait3A_317 = tpu.memref_slice %arg6[%dma_wait3A_315, %dma_wait3A_316] : memref<272x128xf32, #tpu.memory_space<vmem>> -> memref<32x128xf32, #tpu.memory_space<vmem>>
    %dma_wait3A_318 = arith.constant 0 : i32
    %dma_wait3A_319 = tpu.memref_slice %arg4[%dma_wait3A_314, %mul3A_183, %dma_wait3A_318] : memref<10x1024x128xf32, #tpu.memory_space<hbm>> -> memref<1x32x128xf32, #tpu.memory_space<hbm>>
    %dma_wait3A_320 = tpu.memref_squeeze %dma_wait3A_319 : memref<1x32x128xf32, #tpu.memory_space<hbm>> -> memref<32x128xf32, #tpu.memory_space<hbm>>
    %dma_wait3A_321 = arith.constant 0 : i32
    %dma_wait3A_322 = tpu.memref_slice %arg4[%dma_wait3A_314, %mul3A_183, %dma_wait3A_321] : memref<10x1024x128xf32, #tpu.memory_space<hbm>> -> memref<1x32x128xf32, #tpu.memory_space<hbm>>
    %dma_wait3A_323 = tpu.memref_squeeze %dma_wait3A_322 : memref<1x32x128xf32, #tpu.memory_space<hbm>> -> memref<32x128xf32, #tpu.memory_space<hbm>>
    %dma_wait3A_324 = arith.constant 234 : i32
    %dma_wait3A_325 = arith.constant 0 : i32
    %dma_wait3A_326 = tpu.memref_slice %arg6[%dma_wait3A_324, %dma_wait3A_325] : memref<272x128xf32, #tpu.memory_space<vmem>> -> memref<32x128xf32, #tpu.memory_space<vmem>>
    tpu.wait_dma2 semaphore(%arg7 : memref<!tpu.dma_semaphore, #tpu.memory_space<semaphore_mem>>) src(%dma_wait3A_326 : memref<32x128xf32, #tpu.memory_space<vmem>>) dst(%dma_wait3A_323 : memref<32x128xf32, #tpu.memory_space<hbm>>)
    return
  }
}

module attributes {stable_mosaic.version = 14 : i64} {
  func.func @_k3_body(%arg0: i32, %arg1: memref<1x1024x128xf32, #tpu.memory_space<vmem>>, %arg2: memref<32x32xf32, #tpu.memory_space<vmem>>, %arg3: memref<32x32xf32, #tpu.memory_space<vmem>>, %arg4: memref<32x32xf32, #tpu.memory_space<vmem>>, %arg5: memref<32x1024xf32, #tpu.memory_space<vmem>>, %arg6: memref<128x256xf32, #tpu.memory_space<vmem>>, %arg7: memref<1x256xf32, #tpu.memory_space<vmem>>, %arg8: memref<256x256xf32, #tpu.memory_space<vmem>>, %arg9: memref<1x256xf32, #tpu.memory_space<vmem>>, %arg10: memref<256x128xf32, #tpu.memory_space<vmem>>, %arg11: memref<1x128xf32, #tpu.memory_space<vmem>>, %arg12: memref<128x1xf32, #tpu.memory_space<vmem>>, %arg13: memref<1x1xf32, #tpu.memory_space<vmem>>, %arg14: memref<32x1xf32, #tpu.memory_space<vmem>>, %arg15: memref<1024x128xf32, #tpu.memory_space<vmem>>) attributes {dimension_semantics = [#tpu.dimension_semantics<arbitrary>], iteration_bounds = array<i64: 10>, scalar_prefetch = 0 : i64, scratch_operands = 1 : i64, tpu.core_type = #tpu.core_type<tc>, window_params = [{transform_indices = @transform_0, window_bounds = array<i64: 1, 1024, 128>}, {pipeline_mode = #tpu.pipeline_mode<synchronous>, transform_indices = @transform_1, window_bounds = array<i64: 32, 32>}, {pipeline_mode = #tpu.pipeline_mode<synchronous>, transform_indices = @transform_2, window_bounds = array<i64: 32, 32>}, {pipeline_mode = #tpu.pipeline_mode<synchronous>, transform_indices = @transform_3, window_bounds = array<i64: 32, 32>}, {pipeline_mode = #tpu.pipeline_mode<synchronous>, transform_indices = @transform_4, window_bounds = array<i64: 32, 1024>}, {pipeline_mode = #tpu.pipeline_mode<synchronous>, transform_indices = @transform_5, window_bounds = array<i64: 128, 256>}, {pipeline_mode = #tpu.pipeline_mode<synchronous>, transform_indices = @transform_6, window_bounds = array<i64: 1, 256>}, {pipeline_mode = #tpu.pipeline_mode<synchronous>, transform_indices = @transform_7, window_bounds = array<i64: 256, 256>}, {pipeline_mode = #tpu.pipeline_mode<synchronous>, transform_indices = @transform_8, window_bounds = array<i64: 1, 256>}, {pipeline_mode = #tpu.pipeline_mode<synchronous>, transform_indices = @transform_9, window_bounds = array<i64: 256, 128>}, {pipeline_mode = #tpu.pipeline_mode<synchronous>, transform_indices = @transform_10, window_bounds = array<i64: 1, 128>}, {pipeline_mode = #tpu.pipeline_mode<synchronous>, transform_indices = @transform_11, window_bounds = array<i64: 128, 1>}, {pipeline_mode = #tpu.pipeline_mode<synchronous>, transform_indices = @transform_12, window_bounds = array<i64: 1, 1>}, {pipeline_mode = #tpu.pipeline_mode<synchronous>, transform_indices = @transform_13, window_bounds = array<i64: 32, 1>}]} {
    %eq3A = arith.constant 0 : i32
    %eq3A_0 = arith.cmpi eq, %arg0, %eq3A : i32
    %convert_element_type3A = arith.extui %eq3A_0 : i1 to i32
    %cond3A = arith.constant 0 : i32
    %cond3A_1 = arith.cmpi ne, %convert_element_type3A, %cond3A : i32
    scf.if %cond3A_1 {
      %broadcast_in_dim3A_1141 = arith.constant 0.000000e+00 : f32
      %broadcast_in_dim3A_1142 = vector.broadcast %broadcast_in_dim3A_1141 : f32 to vector<1024x128xf32>
      %swap3A_1143 = arith.constant 0 : index
      %swap3A_1144 = arith.constant 0 : index
      %swap3A_1145 = vector.load %arg15[%swap3A_1143, %swap3A_1144] : memref<1024x128xf32, #tpu.memory_space<vmem>>, vector<1024x128xf32>
      tpu.vector_store %arg15[%swap3A_1143, %swap3A_1144], %broadcast_in_dim3A_1142 {strides = array<i32>} : memref<1024x128xf32, #tpu.memory_space<vmem>>, vector<1024x128xf32>,
    } else {
    }
    %iota3A = tpu.iota {dimensions = array<i32: 0>} : vector<1024x1xi32>
    %rem3A = arith.constant 32 : i32
    %rem3A_2 = vector.broadcast %rem3A : i32 to vector<1024x1xi32>
    %rem3A_3 = arith.remsi %iota3A, %rem3A_2 : vector<1024x1xi32>
    %eq3A_4 = arith.constant 31 : i32
    %eq3A_5 = vector.broadcast %eq3A_4 : i32 to vector<1024x1xi32>
    %eq3A_6 = arith.cmpi eq, %rem3A_3, %eq3A_5 : vector<1024x1xi32>
    %get3A = arith.constant 0 : index
    %get3A_7 = arith.constant 0 : index
    %get3A_8 = vector.load %arg15[%get3A, %get3A_7] : memref<1024x128xf32, #tpu.memory_space<vmem>>, vector<1024x128xf32>
    %get3A_9 = arith.constant 0 : index
    %get3A_10 = arith.constant 0 : index
    %get3A_11 = arith.constant 0 : index
    %get3A_12 = vector.load %arg1[%get3A_9, %get3A_10, %get3A_11] : memref<1x1024x128xf32, #tpu.memory_space<vmem>>, vector<1x1024x128xf32>
    %get3A_13 = vector.shape_cast %get3A_12 : vector<1x1024x128xf32> to vector<1024x128xf32>
    %broadcast_in_dim3A = vector.shape_cast %eq3A_6 : vector<1024x1xi1> to vector<1024x1xi1>
    %broadcast_in_dim3A_14 = vector.broadcast %broadcast_in_dim3A : vector<1024x1xi1> to vector<1024x128xi1>
    %select_n3A = arith.select %broadcast_in_dim3A_14, %get3A_8, %get3A_13 : vector<1024x128xi1>, vector<1024x128xf32>
    %get3A_15 = arith.constant 0 : index
    %get3A_16 = arith.constant 0 : index
    %get3A_17 = vector.load %arg3[%get3A_15, %get3A_16] : memref<32x32xf32, #tpu.memory_space<vmem>>, vector<32x32xf32>
    %get3A_18 = arith.constant 0 : index
    %get3A_19 = arith.constant 0 : index
    %get3A_20 = vector.load %arg6[%get3A_18, %get3A_19] : memref<128x256xf32, #tpu.memory_space<vmem>>, vector<128x256xf32>
    %dot_general3A = arith.constant dense<0.000000e+00> : vector<1024x256xf32>
    %dot_general3A_21 = tpu.matmul %select_n3A, %get3A_20, %dot_general3A {dimension_numbers = #tpu.dot_dimension_numbers<[1], [0], [0], [1], [0, 0, 1, 1], [], []>, transpose_lhs_hint = false} : vector<1024x128xf32>, vector<128x256xf32>, vector<1024x256xf32> -> vector<1024x256xf32>
    %convert_element_type3A_22 = arith.truncf %dot_general3A_21 : vector<1024x256xf32> to vector<1024x256xbf16>
    %convert_element_type3A_23 = arith.extf %convert_element_type3A_22 : vector<1024x256xbf16> to vector<1024x256xf32>
    %sub3A = arith.subf %dot_general3A_21, %convert_element_type3A_23 : vector<1024x256xf32>
    %convert_element_type3A_24 = arith.truncf %sub3A : vector<1024x256xf32> to vector<1024x256xbf16>
    %convert_element_type3A_25 = arith.extf %convert_element_type3A_24 : vector<1024x256xbf16> to vector<1024x256xf32>
    %sub3A_26 = arith.subf %sub3A, %convert_element_type3A_25 : vector<1024x256xf32>
    %slice3A = vector.extract_strided_slice %convert_element_type3A_23 {offsets = [0, 0], sizes = [32, 256], strides = [1, 1]} : vector<1024x256xf32> to vector<32x256xf32>
    %dot_general3A_27 = arith.constant dense<0.000000e+00> : vector<32x256xf32>
    %dot_general3A_28 = tpu.matmul %get3A_17, %slice3A, %dot_general3A_27 {dimension_numbers = #tpu.dot_dimension_numbers<[1], [0], [0], [1], [0, 0, 1, 1], [], []>, transpose_lhs_hint = false} : vector<32x32xf32>, vector<32x256xf32>, vector<32x256xf32> -> vector<32x256xf32>
    %slice3A_29 = vector.extract_strided_slice %convert_element_type3A_25 {offsets = [0, 0], sizes = [32, 256], strides = [1, 1]} : vector<1024x256xf32> to vector<32x256xf32>
    %dot_general3A_30 = arith.constant dense<0.000000e+00> : vector<32x256xf32>
    %dot_general3A_31 = tpu.matmul %get3A_17, %slice3A_29, %dot_general3A_30 {dimension_numbers = #tpu.dot_dimension_numbers<[1], [0], [0], [1], [0, 0, 1, 1], [], []>, transpose_lhs_hint = false} : vector<32x32xf32>, vector<32x256xf32>, vector<32x256xf32> -> vector<32x256xf32>
    %add3A = arith.addf %dot_general3A_28, %dot_general3A_31 : vector<32x256xf32>
    %slice3A_32 = vector.extract_strided_slice %sub3A_26 {offsets = [0, 0], sizes = [32, 256], strides = [1, 1]} : vector<1024x256xf32> to vector<32x256xf32>
    %dot_general3A_33 = arith.constant dense<0.000000e+00> : vector<32x256xf32>
    %dot_general3A_34 = tpu.matmul %get3A_17, %slice3A_32, %dot_general3A_33 {dimension_numbers = #tpu.dot_dimension_numbers<[1], [0], [0], [1], [0, 0, 1, 1], [], []>, transpose_lhs_hint = false} : vector<32x32xf32>, vector<32x256xf32>, vector<32x256xf32> -> vector<32x256xf32>
    %add3A_35 = arith.addf %add3A, %dot_general3A_34 : vector<32x256xf32>
    %slice3A_36 = vector.extract_strided_slice %convert_element_type3A_23 {offsets = [32, 0], sizes = [32, 256], strides = [1, 1]} : vector<1024x256xf32> to vector<32x256xf32>
    %dot_general3A_37 = arith.constant dense<0.000000e+00> : vector<32x256xf32>
    %dot_general3A_38 = tpu.matmul %get3A_17, %slice3A_36, %dot_general3A_37 {dimension_numbers = #tpu.dot_dimension_numbers<[1], [0], [0], [1], [0, 0, 1, 1], [], []>, transpose_lhs_hint = false} : vector<32x32xf32>, vector<32x256xf32>, vector<32x256xf32> -> vector<32x256xf32>
    %slice3A_39 = vector.extract_strided_slice %convert_element_type3A_25 {offsets = [32, 0], sizes = [32, 256], strides = [1, 1]} : vector<1024x256xf32> to vector<32x256xf32>
    %dot_general3A_40 = arith.constant dense<0.000000e+00> : vector<32x256xf32>
    %dot_general3A_41 = tpu.matmul %get3A_17, %slice3A_39, %dot_general3A_40 {dimension_numbers = #tpu.dot_dimension_numbers<[1], [0], [0], [1], [0, 0, 1, 1], [], []>, transpose_lhs_hint = false} : vector<32x32xf32>, vector<32x256xf32>, vector<32x256xf32> -> vector<32x256xf32>
    %add3A_42 = arith.addf %dot_general3A_38, %dot_general3A_41 : vector<32x256xf32>
    %slice3A_43 = vector.extract_strided_slice %sub3A_26 {offsets = [32, 0], sizes = [32, 256], strides = [1, 1]} : vector<1024x256xf32> to vector<32x256xf32>
    %dot_general3A_44 = arith.constant dense<0.000000e+00> : vector<32x256xf32>
    %dot_general3A_45 = tpu.matmul %get3A_17, %slice3A_43, %dot_general3A_44 {dimension_numbers = #tpu.dot_dimension_numbers<[1], [0], [0], [1], [0, 0, 1, 1], [], []>, transpose_lhs_hint = false} : vector<32x32xf32>, vector<32x256xf32>, vector<32x256xf32> -> vector<32x256xf32>
    %add3A_46 = arith.addf %add3A_42, %dot_general3A_45 : vector<32x256xf32>
    %slice3A_47 = vector.extract_strided_slice %convert_element_type3A_23 {offsets = [64, 0], sizes = [32, 256], strides = [1, 1]} : vector<1024x256xf32> to vector<32x256xf32>
    %dot_general3A_48 = arith.constant dense<0.000000e+00> : vector<32x256xf32>
    %dot_general3A_49 = tpu.matmul %get3A_17, %slice3A_47, %dot_general3A_48 {dimension_numbers = #tpu.dot_dimension_numbers<[1], [0], [0], [1], [0, 0, 1, 1], [], []>, transpose_lhs_hint = false} : vector<32x32xf32>, vector<32x256xf32>, vector<32x256xf32> -> vector<32x256xf32>
    %slice3A_50 = vector.extract_strided_slice %convert_element_type3A_25 {offsets = [64, 0], sizes = [32, 256], strides = [1, 1]} : vector<1024x256xf32> to vector<32x256xf32>
    %dot_general3A_51 = arith.constant dense<0.000000e+00> : vector<32x256xf32>
    %dot_general3A_52 = tpu.matmul %get3A_17, %slice3A_50, %dot_general3A_51 {dimension_numbers = #tpu.dot_dimension_numbers<[1], [0], [0], [1], [0, 0, 1, 1], [], []>, transpose_lhs_hint = false} : vector<32x32xf32>, vector<32x256xf32>, vector<32x256xf32> -> vector<32x256xf32>
    %add3A_53 = arith.addf %dot_general3A_49, %dot_general3A_52 : vector<32x256xf32>
    %slice3A_54 = vector.extract_strided_slice %sub3A_26 {offsets = [64, 0], sizes = [32, 256], strides = [1, 1]} : vector<1024x256xf32> to vector<32x256xf32>
    %dot_general3A_55 = arith.constant dense<0.000000e+00> : vector<32x256xf32>
    %dot_general3A_56 = tpu.matmul %get3A_17, %slice3A_54, %dot_general3A_55 {dimension_numbers = #tpu.dot_dimension_numbers<[1], [0], [0], [1], [0, 0, 1, 1], [], []>, transpose_lhs_hint = false} : vector<32x32xf32>, vector<32x256xf32>, vector<32x256xf32> -> vector<32x256xf32>
    %add3A_57 = arith.addf %add3A_53, %dot_general3A_56 : vector<32x256xf32>
    %slice3A_58 = vector.extract_strided_slice %convert_element_type3A_23 {offsets = [96, 0], sizes = [32, 256], strides = [1, 1]} : vector<1024x256xf32> to vector<32x256xf32>
    %dot_general3A_59 = arith.constant dense<0.000000e+00> : vector<32x256xf32>
    %dot_general3A_60 = tpu.matmul %get3A_17, %slice3A_58, %dot_general3A_59 {dimension_numbers = #tpu.dot_dimension_numbers<[1], [0], [0], [1], [0, 0, 1, 1], [], []>, transpose_lhs_hint = false} : vector<32x32xf32>, vector<32x256xf32>, vector<32x256xf32> -> vector<32x256xf32>
    %slice3A_61 = vector.extract_strided_slice %convert_element_type3A_25 {offsets = [96, 0], sizes = [32, 256], strides = [1, 1]} : vector<1024x256xf32> to vector<32x256xf32>
    %dot_general3A_62 = arith.constant dense<0.000000e+00> : vector<32x256xf32>
    %dot_general3A_63 = tpu.matmul %get3A_17, %slice3A_61, %dot_general3A_62 {dimension_numbers = #tpu.dot_dimension_numbers<[1], [0], [0], [1], [0, 0, 1, 1], [], []>, transpose_lhs_hint = false} : vector<32x32xf32>, vector<32x256xf32>, vector<32x256xf32> -> vector<32x256xf32>
    %add3A_64 = arith.addf %dot_general3A_60, %dot_general3A_63 : vector<32x256xf32>
    %slice3A_65 = vector.extract_strided_slice %sub3A_26 {offsets = [96, 0], sizes = [32, 256], strides = [1, 1]} : vector<1024x256xf32> to vector<32x256xf32>
    %dot_general3A_66 = arith.constant dense<0.000000e+00> : vector<32x256xf32>
    %dot_general3A_67 = tpu.matmul %get3A_17, %slice3A_65, %dot_general3A_66 {dimension_numbers = #tpu.dot_dimension_numbers<[1], [0], [0], [1], [0, 0, 1, 1], [], []>, transpose_lhs_hint = false} : vector<32x32xf32>, vector<32x256xf32>, vector<32x256xf32> -> vector<32x256xf32>
    %add3A_68 = arith.addf %add3A_64, %dot_general3A_67 : vector<32x256xf32>
    %slice3A_69 = vector.extract_strided_slice %convert_element_type3A_23 {offsets = [128, 0], sizes = [32, 256], strides = [1, 1]} : vector<1024x256xf32> to vector<32x256xf32>
    %dot_general3A_70 = arith.constant dense<0.000000e+00> : vector<32x256xf32>
    %dot_general3A_71 = tpu.matmul %get3A_17, %slice3A_69, %dot_general3A_70 {dimension_numbers = #tpu.dot_dimension_numbers<[1], [0], [0], [1], [0, 0, 1, 1], [], []>, transpose_lhs_hint = false} : vector<32x32xf32>, vector<32x256xf32>, vector<32x256xf32> -> vector<32x256xf32>
    %slice3A_72 = vector.extract_strided_slice %convert_element_type3A_25 {offsets = [128, 0], sizes = [32, 256], strides = [1, 1]} : vector<1024x256xf32> to vector<32x256xf32>
    %dot_general3A_73 = arith.constant dense<0.000000e+00> : vector<32x256xf32>
    %dot_general3A_74 = tpu.matmul %get3A_17, %slice3A_72, %dot_general3A_73 {dimension_numbers = #tpu.dot_dimension_numbers<[1], [0], [0], [1], [0, 0, 1, 1], [], []>, transpose_lhs_hint = false} : vector<32x32xf32>, vector<32x256xf32>, vector<32x256xf32> -> vector<32x256xf32>
    %add3A_75 = arith.addf %dot_general3A_71, %dot_general3A_74 : vector<32x256xf32>
    %slice3A_76 = vector.extract_strided_slice %sub3A_26 {offsets = [128, 0], sizes = [32, 256], strides = [1, 1]} : vector<1024x256xf32> to vector<32x256xf32>
    %dot_general3A_77 = arith.constant dense<0.000000e+00> : vector<32x256xf32>
    %dot_general3A_78 = tpu.matmul %get3A_17, %slice3A_76, %dot_general3A_77 {dimension_numbers = #tpu.dot_dimension_numbers<[1], [0], [0], [1], [0, 0, 1, 1], [], []>, transpose_lhs_hint = false} : vector<32x32xf32>, vector<32x256xf32>, vector<32x256xf32> -> vector<32x256xf32>
    %add3A_79 = arith.addf %add3A_75, %dot_general3A_78 : vector<32x256xf32>
    %slice3A_80 = vector.extract_strided_slice %convert_element_type3A_23 {offsets = [160, 0], sizes = [32, 256], strides = [1, 1]} : vector<1024x256xf32> to vector<32x256xf32>
    %dot_general3A_81 = arith.constant dense<0.000000e+00> : vector<32x256xf32>
    %dot_general3A_82 = tpu.matmul %get3A_17, %slice3A_80, %dot_general3A_81 {dimension_numbers = #tpu.dot_dimension_numbers<[1], [0], [0], [1], [0, 0, 1, 1], [], []>, transpose_lhs_hint = false} : vector<32x32xf32>, vector<32x256xf32>, vector<32x256xf32> -> vector<32x256xf32>
    %slice3A_83 = vector.extract_strided_slice %convert_element_type3A_25 {offsets = [160, 0], sizes = [32, 256], strides = [1, 1]} : vector<1024x256xf32> to vector<32x256xf32>
    %dot_general3A_84 = arith.constant dense<0.000000e+00> : vector<32x256xf32>
    %dot_general3A_85 = tpu.matmul %get3A_17, %slice3A_83, %dot_general3A_84 {dimension_numbers = #tpu.dot_dimension_numbers<[1], [0], [0], [1], [0, 0, 1, 1], [], []>, transpose_lhs_hint = false} : vector<32x32xf32>, vector<32x256xf32>, vector<32x256xf32> -> vector<32x256xf32>
    %add3A_86 = arith.addf %dot_general3A_82, %dot_general3A_85 : vector<32x256xf32>
    %slice3A_87 = vector.extract_strided_slice %sub3A_26 {offsets = [160, 0], sizes = [32, 256], strides = [1, 1]} : vector<1024x256xf32> to vector<32x256xf32>
    %dot_general3A_88 = arith.constant dense<0.000000e+00> : vector<32x256xf32>
    %dot_general3A_89 = tpu.matmul %get3A_17, %slice3A_87, %dot_general3A_88 {dimension_numbers = #tpu.dot_dimension_numbers<[1], [0], [0], [1], [0, 0, 1, 1], [], []>, transpose_lhs_hint = false} : vector<32x32xf32>, vector<32x256xf32>, vector<32x256xf32> -> vector<32x256xf32>
    %add3A_90 = arith.addf %add3A_86, %dot_general3A_89 : vector<32x256xf32>
    %slice3A_91 = vector.extract_strided_slice %convert_element_type3A_23 {offsets = [192, 0], sizes = [32, 256], strides = [1, 1]} : vector<1024x256xf32> to vector<32x256xf32>
    %dot_general3A_92 = arith.constant dense<0.000000e+00> : vector<32x256xf32>
    %dot_general3A_93 = tpu.matmul %get3A_17, %slice3A_91, %dot_general3A_92 {dimension_numbers = #tpu.dot_dimension_numbers<[1], [0], [0], [1], [0, 0, 1, 1], [], []>, transpose_lhs_hint = false} : vector<32x32xf32>, vector<32x256xf32>, vector<32x256xf32> -> vector<32x256xf32>
    %slice3A_94 = vector.extract_strided_slice %convert_element_type3A_25 {offsets = [192, 0], sizes = [32, 256], strides = [1, 1]} : vector<1024x256xf32> to vector<32x256xf32>
    %dot_general3A_95 = arith.constant dense<0.000000e+00> : vector<32x256xf32>
    %dot_general3A_96 = tpu.matmul %get3A_17, %slice3A_94, %dot_general3A_95 {dimension_numbers = #tpu.dot_dimension_numbers<[1], [0], [0], [1], [0, 0, 1, 1], [], []>, transpose_lhs_hint = false} : vector<32x32xf32>, vector<32x256xf32>, vector<32x256xf32> -> vector<32x256xf32>
    %add3A_97 = arith.addf %dot_general3A_93, %dot_general3A_96 : vector<32x256xf32>
    %slice3A_98 = vector.extract_strided_slice %sub3A_26 {offsets = [192, 0], sizes = [32, 256], strides = [1, 1]} : vector<1024x256xf32> to vector<32x256xf32>
    %dot_general3A_99 = arith.constant dense<0.000000e+00> : vector<32x256xf32>
    %dot_general3A_100 = tpu.matmul %get3A_17, %slice3A_98, %dot_general3A_99 {dimension_numbers = #tpu.dot_dimension_numbers<[1], [0], [0], [1], [0, 0, 1, 1], [], []>, transpose_lhs_hint = false} : vector<32x32xf32>, vector<32x256xf32>, vector<32x256xf32> -> vector<32x256xf32>
    %add3A_101 = arith.addf %add3A_97, %dot_general3A_100 : vector<32x256xf32>
    %slice3A_102 = vector.extract_strided_slice %convert_element_type3A_23 {offsets = [224, 0], sizes = [32, 256], strides = [1, 1]} : vector<1024x256xf32> to vector<32x256xf32>
    %dot_general3A_103 = arith.constant dense<0.000000e+00> : vector<32x256xf32>
    %dot_general3A_104 = tpu.matmul %get3A_17, %slice3A_102, %dot_general3A_103 {dimension_numbers = #tpu.dot_dimension_numbers<[1], [0], [0], [1], [0, 0, 1, 1], [], []>, transpose_lhs_hint = false} : vector<32x32xf32>, vector<32x256xf32>, vector<32x256xf32> -> vector<32x256xf32>
    %slice3A_105 = vector.extract_strided_slice %convert_element_type3A_25 {offsets = [224, 0], sizes = [32, 256], strides = [1, 1]} : vector<1024x256xf32> to vector<32x256xf32>
    %dot_general3A_106 = arith.constant dense<0.000000e+00> : vector<32x256xf32>
    %dot_general3A_107 = tpu.matmul %get3A_17, %slice3A_105, %dot_general3A_106 {dimension_numbers = #tpu.dot_dimension_numbers<[1], [0], [0], [1], [0, 0, 1, 1], [], []>, transpose_lhs_hint = false} : vector<32x32xf32>, vector<32x256xf32>, vector<32x256xf32> -> vector<32x256xf32>
    %add3A_108 = arith.addf %dot_general3A_104, %dot_general3A_107 : vector<32x256xf32>
    %slice3A_109 = vector.extract_strided_slice %sub3A_26 {offsets = [224, 0], sizes = [32, 256], strides = [1, 1]} : vector<1024x256xf32> to vector<32x256xf32>
    %dot_general3A_110 = arith.constant dense<0.000000e+00> : vector<32x256xf32>
    %dot_general3A_111 = tpu.matmul %get3A_17, %slice3A_109, %dot_general3A_110 {dimension_numbers = #tpu.dot_dimension_numbers<[1], [0], [0], [1], [0, 0, 1, 1], [], []>, transpose_lhs_hint = false} : vector<32x32xf32>, vector<32x256xf32>, vector<32x256xf32> -> vector<32x256xf32>
    %add3A_112 = arith.addf %add3A_108, %dot_general3A_111 : vector<32x256xf32>
    %slice3A_113 = vector.extract_strided_slice %convert_element_type3A_23 {offsets = [256, 0], sizes = [32, 256], strides = [1, 1]} : vector<1024x256xf32> to vector<32x256xf32>
    %dot_general3A_114 = arith.constant dense<0.000000e+00> : vector<32x256xf32>
    %dot_general3A_115 = tpu.matmul %get3A_17, %slice3A_113, %dot_general3A_114 {dimension_numbers = #tpu.dot_dimension_numbers<[1], [0], [0], [1], [0, 0, 1, 1], [], []>, transpose_lhs_hint = false} : vector<32x32xf32>, vector<32x256xf32>, vector<32x256xf32> -> vector<32x256xf32>
    %slice3A_116 = vector.extract_strided_slice %convert_element_type3A_25 {offsets = [256, 0], sizes = [32, 256], strides = [1, 1]} : vector<1024x256xf32> to vector<32x256xf32>
    %dot_general3A_117 = arith.constant dense<0.000000e+00> : vector<32x256xf32>
    %dot_general3A_118 = tpu.matmul %get3A_17, %slice3A_116, %dot_general3A_117 {dimension_numbers = #tpu.dot_dimension_numbers<[1], [0], [0], [1], [0, 0, 1, 1], [], []>, transpose_lhs_hint = false} : vector<32x32xf32>, vector<32x256xf32>, vector<32x256xf32> -> vector<32x256xf32>
    %add3A_119 = arith.addf %dot_general3A_115, %dot_general3A_118 : vector<32x256xf32>
    %slice3A_120 = vector.extract_strided_slice %sub3A_26 {offsets = [256, 0], sizes = [32, 256], strides = [1, 1]} : vector<1024x256xf32> to vector<32x256xf32>
    %dot_general3A_121 = arith.constant dense<0.000000e+00> : vector<32x256xf32>
    %dot_general3A_122 = tpu.matmul %get3A_17, %slice3A_120, %dot_general3A_121 {dimension_numbers = #tpu.dot_dimension_numbers<[1], [0], [0], [1], [0, 0, 1, 1], [], []>, transpose_lhs_hint = false} : vector<32x32xf32>, vector<32x256xf32>, vector<32x256xf32> -> vector<32x256xf32>
    %add3A_123 = arith.addf %add3A_119, %dot_general3A_122 : vector<32x256xf32>
    %slice3A_124 = vector.extract_strided_slice %convert_element_type3A_23 {offsets = [288, 0], sizes = [32, 256], strides = [1, 1]} : vector<1024x256xf32> to vector<32x256xf32>
    %dot_general3A_125 = arith.constant dense<0.000000e+00> : vector<32x256xf32>
    %dot_general3A_126 = tpu.matmul %get3A_17, %slice3A_124, %dot_general3A_125 {dimension_numbers = #tpu.dot_dimension_numbers<[1], [0], [0], [1], [0, 0, 1, 1], [], []>, transpose_lhs_hint = false} : vector<32x32xf32>, vector<32x256xf32>, vector<32x256xf32> -> vector<32x256xf32>
    %slice3A_127 = vector.extract_strided_slice %convert_element_type3A_25 {offsets = [288, 0], sizes = [32, 256], strides = [1, 1]} : vector<1024x256xf32> to vector<32x256xf32>
    %dot_general3A_128 = arith.constant dense<0.000000e+00> : vector<32x256xf32>
    %dot_general3A_129 = tpu.matmul %get3A_17, %slice3A_127, %dot_general3A_128 {dimension_numbers = #tpu.dot_dimension_numbers<[1], [0], [0], [1], [0, 0, 1, 1], [], []>, transpose_lhs_hint = false} : vector<32x32xf32>, vector<32x256xf32>, vector<32x256xf32> -> vector<32x256xf32>
    %add3A_130 = arith.addf %dot_general3A_126, %dot_general3A_129 : vector<32x256xf32>
    %slice3A_131 = vector.extract_strided_slice %sub3A_26 {offsets = [288, 0], sizes = [32, 256], strides = [1, 1]} : vector<1024x256xf32> to vector<32x256xf32>
    %dot_general3A_132 = arith.constant dense<0.000000e+00> : vector<32x256xf32>
    %dot_general3A_133 = tpu.matmul %get3A_17, %slice3A_131, %dot_general3A_132 {dimension_numbers = #tpu.dot_dimension_numbers<[1], [0], [0], [1], [0, 0, 1, 1], [], []>, transpose_lhs_hint = false} : vector<32x32xf32>, vector<32x256xf32>, vector<32x256xf32> -> vector<32x256xf32>
    %add3A_134 = arith.addf %add3A_130, %dot_general3A_133 : vector<32x256xf32>
    %slice3A_135 = vector.extract_strided_slice %convert_element_type3A_23 {offsets = [320, 0], sizes = [32, 256], strides = [1, 1]} : vector<1024x256xf32> to vector<32x256xf32>
    %dot_general3A_136 = arith.constant dense<0.000000e+00> : vector<32x256xf32>
    %dot_general3A_137 = tpu.matmul %get3A_17, %slice3A_135, %dot_general3A_136 {dimension_numbers = #tpu.dot_dimension_numbers<[1], [0], [0], [1], [0, 0, 1, 1], [], []>, transpose_lhs_hint = false} : vector<32x32xf32>, vector<32x256xf32>, vector<32x256xf32> -> vector<32x256xf32>
    %slice3A_138 = vector.extract_strided_slice %convert_element_type3A_25 {offsets = [320, 0], sizes = [32, 256], strides = [1, 1]} : vector<1024x256xf32> to vector<32x256xf32>
    %dot_general3A_139 = arith.constant dense<0.000000e+00> : vector<32x256xf32>
    %dot_general3A_140 = tpu.matmul %get3A_17, %slice3A_138, %dot_general3A_139 {dimension_numbers = #tpu.dot_dimension_numbers<[1], [0], [0], [1], [0, 0, 1, 1], [], []>, transpose_lhs_hint = false} : vector<32x32xf32>, vector<32x256xf32>, vector<32x256xf32> -> vector<32x256xf32>
    %add3A_141 = arith.addf %dot_general3A_137, %dot_general3A_140 : vector<32x256xf32>
    %slice3A_142 = vector.extract_strided_slice %sub3A_26 {offsets = [320, 0], sizes = [32, 256], strides = [1, 1]} : vector<1024x256xf32> to vector<32x256xf32>
    %dot_general3A_143 = arith.constant dense<0.000000e+00> : vector<32x256xf32>
    %dot_general3A_144 = tpu.matmul %get3A_17, %slice3A_142, %dot_general3A_143 {dimension_numbers = #tpu.dot_dimension_numbers<[1], [0], [0], [1], [0, 0, 1, 1], [], []>, transpose_lhs_hint = false} : vector<32x32xf32>, vector<32x256xf32>, vector<32x256xf32> -> vector<32x256xf32>
    %add3A_145 = arith.addf %add3A_141, %dot_general3A_144 : vector<32x256xf32>
    %slice3A_146 = vector.extract_strided_slice %convert_element_type3A_23 {offsets = [352, 0], sizes = [32, 256], strides = [1, 1]} : vector<1024x256xf32> to vector<32x256xf32>
    %dot_general3A_147 = arith.constant dense<0.000000e+00> : vector<32x256xf32>
    %dot_general3A_148 = tpu.matmul %get3A_17, %slice3A_146, %dot_general3A_147 {dimension_numbers = #tpu.dot_dimension_numbers<[1], [0], [0], [1], [0, 0, 1, 1], [], []>, transpose_lhs_hint = false} : vector<32x32xf32>, vector<32x256xf32>, vector<32x256xf32> -> vector<32x256xf32>
    %slice3A_149 = vector.extract_strided_slice %convert_element_type3A_25 {offsets = [352, 0], sizes = [32, 256], strides = [1, 1]} : vector<1024x256xf32> to vector<32x256xf32>
    %dot_general3A_150 = arith.constant dense<0.000000e+00> : vector<32x256xf32>
    %dot_general3A_151 = tpu.matmul %get3A_17, %slice3A_149, %dot_general3A_150 {dimension_numbers = #tpu.dot_dimension_numbers<[1], [0], [0], [1], [0, 0, 1, 1], [], []>, transpose_lhs_hint = false} : vector<32x32xf32>, vector<32x256xf32>, vector<32x256xf32> -> vector<32x256xf32>
    %add3A_152 = arith.addf %dot_general3A_148, %dot_general3A_151 : vector<32x256xf32>
    %slice3A_153 = vector.extract_strided_slice %sub3A_26 {offsets = [352, 0], sizes = [32, 256], strides = [1, 1]} : vector<1024x256xf32> to vector<32x256xf32>
    %dot_general3A_154 = arith.constant dense<0.000000e+00> : vector<32x256xf32>
    %dot_general3A_155 = tpu.matmul %get3A_17, %slice3A_153, %dot_general3A_154 {dimension_numbers = #tpu.dot_dimension_numbers<[1], [0], [0], [1], [0, 0, 1, 1], [], []>, transpose_lhs_hint = false} : vector<32x32xf32>, vector<32x256xf32>, vector<32x256xf32> -> vector<32x256xf32>
    %add3A_156 = arith.addf %add3A_152, %dot_general3A_155 : vector<32x256xf32>
    %slice3A_157 = vector.extract_strided_slice %convert_element_type3A_23 {offsets = [384, 0], sizes = [32, 256], strides = [1, 1]} : vector<1024x256xf32> to vector<32x256xf32>
    %dot_general3A_158 = arith.constant dense<0.000000e+00> : vector<32x256xf32>
    %dot_general3A_159 = tpu.matmul %get3A_17, %slice3A_157, %dot_general3A_158 {dimension_numbers = #tpu.dot_dimension_numbers<[1], [0], [0], [1], [0, 0, 1, 1], [], []>, transpose_lhs_hint = false} : vector<32x32xf32>, vector<32x256xf32>, vector<32x256xf32> -> vector<32x256xf32>
    %slice3A_160 = vector.extract_strided_slice %convert_element_type3A_25 {offsets = [384, 0], sizes = [32, 256], strides = [1, 1]} : vector<1024x256xf32> to vector<32x256xf32>
    %dot_general3A_161 = arith.constant dense<0.000000e+00> : vector<32x256xf32>
    %dot_general3A_162 = tpu.matmul %get3A_17, %slice3A_160, %dot_general3A_161 {dimension_numbers = #tpu.dot_dimension_numbers<[1], [0], [0], [1], [0, 0, 1, 1], [], []>, transpose_lhs_hint = false} : vector<32x32xf32>, vector<32x256xf32>, vector<32x256xf32> -> vector<32x256xf32>
    %add3A_163 = arith.addf %dot_general3A_159, %dot_general3A_162 : vector<32x256xf32>
    %slice3A_164 = vector.extract_strided_slice %sub3A_26 {offsets = [384, 0], sizes = [32, 256], strides = [1, 1]} : vector<1024x256xf32> to vector<32x256xf32>
    %dot_general3A_165 = arith.constant dense<0.000000e+00> : vector<32x256xf32>
    %dot_general3A_166 = tpu.matmul %get3A_17, %slice3A_164, %dot_general3A_165 {dimension_numbers = #tpu.dot_dimension_numbers<[1], [0], [0], [1], [0, 0, 1, 1], [], []>, transpose_lhs_hint = false} : vector<32x32xf32>, vector<32x256xf32>, vector<32x256xf32> -> vector<32x256xf32>
    %add3A_167 = arith.addf %add3A_163, %dot_general3A_166 : vector<32x256xf32>
    %slice3A_168 = vector.extract_strided_slice %convert_element_type3A_23 {offsets = [416, 0], sizes = [32, 256], strides = [1, 1]} : vector<1024x256xf32> to vector<32x256xf32>
    %dot_general3A_169 = arith.constant dense<0.000000e+00> : vector<32x256xf32>
    %dot_general3A_170 = tpu.matmul %get3A_17, %slice3A_168, %dot_general3A_169 {dimension_numbers = #tpu.dot_dimension_numbers<[1], [0], [0], [1], [0, 0, 1, 1], [], []>, transpose_lhs_hint = false} : vector<32x32xf32>, vector<32x256xf32>, vector<32x256xf32> -> vector<32x256xf32>
    %slice3A_171 = vector.extract_strided_slice %convert_element_type3A_25 {offsets = [416, 0], sizes = [32, 256], strides = [1, 1]} : vector<1024x256xf32> to vector<32x256xf32>
    %dot_general3A_172 = arith.constant dense<0.000000e+00> : vector<32x256xf32>
    %dot_general3A_173 = tpu.matmul %get3A_17, %slice3A_171, %dot_general3A_172 {dimension_numbers = #tpu.dot_dimension_numbers<[1], [0], [0], [1], [0, 0, 1, 1], [], []>, transpose_lhs_hint = false} : vector<32x32xf32>, vector<32x256xf32>, vector<32x256xf32> -> vector<32x256xf32>
    %add3A_174 = arith.addf %dot_general3A_170, %dot_general3A_173 : vector<32x256xf32>
    %slice3A_175 = vector.extract_strided_slice %sub3A_26 {offsets = [416, 0], sizes = [32, 256], strides = [1, 1]} : vector<1024x256xf32> to vector<32x256xf32>
    %dot_general3A_176 = arith.constant dense<0.000000e+00> : vector<32x256xf32>
    %dot_general3A_177 = tpu.matmul %get3A_17, %slice3A_175, %dot_general3A_176 {dimension_numbers = #tpu.dot_dimension_numbers<[1], [0], [0], [1], [0, 0, 1, 1], [], []>, transpose_lhs_hint = false} : vector<32x32xf32>, vector<32x256xf32>, vector<32x256xf32> -> vector<32x256xf32>
    %add3A_178 = arith.addf %add3A_174, %dot_general3A_177 : vector<32x256xf32>
    %slice3A_179 = vector.extract_strided_slice %convert_element_type3A_23 {offsets = [448, 0], sizes = [32, 256], strides = [1, 1]} : vector<1024x256xf32> to vector<32x256xf32>
    %dot_general3A_180 = arith.constant dense<0.000000e+00> : vector<32x256xf32>
    %dot_general3A_181 = tpu.matmul %get3A_17, %slice3A_179, %dot_general3A_180 {dimension_numbers = #tpu.dot_dimension_numbers<[1], [0], [0], [1], [0, 0, 1, 1], [], []>, transpose_lhs_hint = false} : vector<32x32xf32>, vector<32x256xf32>, vector<32x256xf32> -> vector<32x256xf32>
    %slice3A_182 = vector.extract_strided_slice %convert_element_type3A_25 {offsets = [448, 0], sizes = [32, 256], strides = [1, 1]} : vector<1024x256xf32> to vector<32x256xf32>
    %dot_general3A_183 = arith.constant dense<0.000000e+00> : vector<32x256xf32>
    %dot_general3A_184 = tpu.matmul %get3A_17, %slice3A_182, %dot_general3A_183 {dimension_numbers = #tpu.dot_dimension_numbers<[1], [0], [0], [1], [0, 0, 1, 1], [], []>, transpose_lhs_hint = false} : vector<32x32xf32>, vector<32x256xf32>, vector<32x256xf32> -> vector<32x256xf32>
    %add3A_185 = arith.addf %dot_general3A_181, %dot_general3A_184 : vector<32x256xf32>
    %slice3A_186 = vector.extract_strided_slice %sub3A_26 {offsets = [448, 0], sizes = [32, 256], strides = [1, 1]} : vector<1024x256xf32> to vector<32x256xf32>
    %dot_general3A_187 = arith.constant dense<0.000000e+00> : vector<32x256xf32>
    %dot_general3A_188 = tpu.matmul %get3A_17, %slice3A_186, %dot_general3A_187 {dimension_numbers = #tpu.dot_dimension_numbers<[1], [0], [0], [1], [0, 0, 1, 1], [], []>, transpose_lhs_hint = false} : vector<32x32xf32>, vector<32x256xf32>, vector<32x256xf32> -> vector<32x256xf32>
    %add3A_189 = arith.addf %add3A_185, %dot_general3A_188 : vector<32x256xf32>
    %slice3A_190 = vector.extract_strided_slice %convert_element_type3A_23 {offsets = [480, 0], sizes = [32, 256], strides = [1, 1]} : vector<1024x256xf32> to vector<32x256xf32>
    %dot_general3A_191 = arith.constant dense<0.000000e+00> : vector<32x256xf32>
    %dot_general3A_192 = tpu.matmul %get3A_17, %slice3A_190, %dot_general3A_191 {dimension_numbers = #tpu.dot_dimension_numbers<[1], [0], [0], [1], [0, 0, 1, 1], [], []>, transpose_lhs_hint = false} : vector<32x32xf32>, vector<32x256xf32>, vector<32x256xf32> -> vector<32x256xf32>
    %slice3A_193 = vector.extract_strided_slice %convert_element_type3A_25 {offsets = [480, 0], sizes = [32, 256], strides = [1, 1]} : vector<1024x256xf32> to vector<32x256xf32>
    %dot_general3A_194 = arith.constant dense<0.000000e+00> : vector<32x256xf32>
    %dot_general3A_195 = tpu.matmul %get3A_17, %slice3A_193, %dot_general3A_194 {dimension_numbers = #tpu.dot_dimension_numbers<[1], [0], [0], [1], [0, 0, 1, 1], [], []>, transpose_lhs_hint = false} : vector<32x32xf32>, vector<32x256xf32>, vector<32x256xf32> -> vector<32x256xf32>
    %add3A_196 = arith.addf %dot_general3A_192, %dot_general3A_195 : vector<32x256xf32>
    %slice3A_197 = vector.extract_strided_slice %sub3A_26 {offsets = [480, 0], sizes = [32, 256], strides = [1, 1]} : vector<1024x256xf32> to vector<32x256xf32>
    %dot_general3A_198 = arith.constant dense<0.000000e+00> : vector<32x256xf32>
    %dot_general3A_199 = tpu.matmul %get3A_17, %slice3A_197, %dot_general3A_198 {dimension_numbers = #tpu.dot_dimension_numbers<[1], [0], [0], [1], [0, 0, 1, 1], [], []>, transpose_lhs_hint = false} : vector<32x32xf32>, vector<32x256xf32>, vector<32x256xf32> -> vector<32x256xf32>
    %add3A_200 = arith.addf %add3A_196, %dot_general3A_199 : vector<32x256xf32>
    %slice3A_201 = vector.extract_strided_slice %convert_element_type3A_23 {offsets = [512, 0], sizes = [32, 256], strides = [1, 1]} : vector<1024x256xf32> to vector<32x256xf32>
    %dot_general3A_202 = arith.constant dense<0.000000e+00> : vector<32x256xf32>
    %dot_general3A_203 = tpu.matmul %get3A_17, %slice3A_201, %dot_general3A_202 {dimension_numbers = #tpu.dot_dimension_numbers<[1], [0], [0], [1], [0, 0, 1, 1], [], []>, transpose_lhs_hint = false} : vector<32x32xf32>, vector<32x256xf32>, vector<32x256xf32> -> vector<32x256xf32>
    %slice3A_204 = vector.extract_strided_slice %convert_element_type3A_25 {offsets = [512, 0], sizes = [32, 256], strides = [1, 1]} : vector<1024x256xf32> to vector<32x256xf32>
    %dot_general3A_205 = arith.constant dense<0.000000e+00> : vector<32x256xf32>
    %dot_general3A_206 = tpu.matmul %get3A_17, %slice3A_204, %dot_general3A_205 {dimension_numbers = #tpu.dot_dimension_numbers<[1], [0], [0], [1], [0, 0, 1, 1], [], []>, transpose_lhs_hint = false} : vector<32x32xf32>, vector<32x256xf32>, vector<32x256xf32> -> vector<32x256xf32>
    %add3A_207 = arith.addf %dot_general3A_203, %dot_general3A_206 : vector<32x256xf32>
    %slice3A_208 = vector.extract_strided_slice %sub3A_26 {offsets = [512, 0], sizes = [32, 256], strides = [1, 1]} : vector<1024x256xf32> to vector<32x256xf32>
    %dot_general3A_209 = arith.constant dense<0.000000e+00> : vector<32x256xf32>
    %dot_general3A_210 = tpu.matmul %get3A_17, %slice3A_208, %dot_general3A_209 {dimension_numbers = #tpu.dot_dimension_numbers<[1], [0], [0], [1], [0, 0, 1, 1], [], []>, transpose_lhs_hint = false} : vector<32x32xf32>, vector<32x256xf32>, vector<32x256xf32> -> vector<32x256xf32>
    %add3A_211 = arith.addf %add3A_207, %dot_general3A_210 : vector<32x256xf32>
    %slice3A_212 = vector.extract_strided_slice %convert_element_type3A_23 {offsets = [544, 0], sizes = [32, 256], strides = [1, 1]} : vector<1024x256xf32> to vector<32x256xf32>
    %dot_general3A_213 = arith.constant dense<0.000000e+00> : vector<32x256xf32>
    %dot_general3A_214 = tpu.matmul %get3A_17, %slice3A_212, %dot_general3A_213 {dimension_numbers = #tpu.dot_dimension_numbers<[1], [0], [0], [1], [0, 0, 1, 1], [], []>, transpose_lhs_hint = false} : vector<32x32xf32>, vector<32x256xf32>, vector<32x256xf32> -> vector<32x256xf32>
    %slice3A_215 = vector.extract_strided_slice %convert_element_type3A_25 {offsets = [544, 0], sizes = [32, 256], strides = [1, 1]} : vector<1024x256xf32> to vector<32x256xf32>
    %dot_general3A_216 = arith.constant dense<0.000000e+00> : vector<32x256xf32>
    %dot_general3A_217 = tpu.matmul %get3A_17, %slice3A_215, %dot_general3A_216 {dimension_numbers = #tpu.dot_dimension_numbers<[1], [0], [0], [1], [0, 0, 1, 1], [], []>, transpose_lhs_hint = false} : vector<32x32xf32>, vector<32x256xf32>, vector<32x256xf32> -> vector<32x256xf32>
    %add3A_218 = arith.addf %dot_general3A_214, %dot_general3A_217 : vector<32x256xf32>
    %slice3A_219 = vector.extract_strided_slice %sub3A_26 {offsets = [544, 0], sizes = [32, 256], strides = [1, 1]} : vector<1024x256xf32> to vector<32x256xf32>
    %dot_general3A_220 = arith.constant dense<0.000000e+00> : vector<32x256xf32>
    %dot_general3A_221 = tpu.matmul %get3A_17, %slice3A_219, %dot_general3A_220 {dimension_numbers = #tpu.dot_dimension_numbers<[1], [0], [0], [1], [0, 0, 1, 1], [], []>, transpose_lhs_hint = false} : vector<32x32xf32>, vector<32x256xf32>, vector<32x256xf32> -> vector<32x256xf32>
    %add3A_222 = arith.addf %add3A_218, %dot_general3A_221 : vector<32x256xf32>
    %slice3A_223 = vector.extract_strided_slice %convert_element_type3A_23 {offsets = [576, 0], sizes = [32, 256], strides = [1, 1]} : vector<1024x256xf32> to vector<32x256xf32>
    %dot_general3A_224 = arith.constant dense<0.000000e+00> : vector<32x256xf32>
    %dot_general3A_225 = tpu.matmul %get3A_17, %slice3A_223, %dot_general3A_224 {dimension_numbers = #tpu.dot_dimension_numbers<[1], [0], [0], [1], [0, 0, 1, 1], [], []>, transpose_lhs_hint = false} : vector<32x32xf32>, vector<32x256xf32>, vector<32x256xf32> -> vector<32x256xf32>
    %slice3A_226 = vector.extract_strided_slice %convert_element_type3A_25 {offsets = [576, 0], sizes = [32, 256], strides = [1, 1]} : vector<1024x256xf32> to vector<32x256xf32>
    %dot_general3A_227 = arith.constant dense<0.000000e+00> : vector<32x256xf32>
    %dot_general3A_228 = tpu.matmul %get3A_17, %slice3A_226, %dot_general3A_227 {dimension_numbers = #tpu.dot_dimension_numbers<[1], [0], [0], [1], [0, 0, 1, 1], [], []>, transpose_lhs_hint = false} : vector<32x32xf32>, vector<32x256xf32>, vector<32x256xf32> -> vector<32x256xf32>
    %add3A_229 = arith.addf %dot_general3A_225, %dot_general3A_228 : vector<32x256xf32>
    %slice3A_230 = vector.extract_strided_slice %sub3A_26 {offsets = [576, 0], sizes = [32, 256], strides = [1, 1]} : vector<1024x256xf32> to vector<32x256xf32>
    %dot_general3A_231 = arith.constant dense<0.000000e+00> : vector<32x256xf32>
    %dot_general3A_232 = tpu.matmul %get3A_17, %slice3A_230, %dot_general3A_231 {dimension_numbers = #tpu.dot_dimension_numbers<[1], [0], [0], [1], [0, 0, 1, 1], [], []>, transpose_lhs_hint = false} : vector<32x32xf32>, vector<32x256xf32>, vector<32x256xf32> -> vector<32x256xf32>
    %add3A_233 = arith.addf %add3A_229, %dot_general3A_232 : vector<32x256xf32>
    %slice3A_234 = vector.extract_strided_slice %convert_element_type3A_23 {offsets = [608, 0], sizes = [32, 256], strides = [1, 1]} : vector<1024x256xf32> to vector<32x256xf32>
    %dot_general3A_235 = arith.constant dense<0.000000e+00> : vector<32x256xf32>
    %dot_general3A_236 = tpu.matmul %get3A_17, %slice3A_234, %dot_general3A_235 {dimension_numbers = #tpu.dot_dimension_numbers<[1], [0], [0], [1], [0, 0, 1, 1], [], []>, transpose_lhs_hint = false} : vector<32x32xf32>, vector<32x256xf32>, vector<32x256xf32> -> vector<32x256xf32>
    %slice3A_237 = vector.extract_strided_slice %convert_element_type3A_25 {offsets = [608, 0], sizes = [32, 256], strides = [1, 1]} : vector<1024x256xf32> to vector<32x256xf32>
    %dot_general3A_238 = arith.constant dense<0.000000e+00> : vector<32x256xf32>
    %dot_general3A_239 = tpu.matmul %get3A_17, %slice3A_237, %dot_general3A_238 {dimension_numbers = #tpu.dot_dimension_numbers<[1], [0], [0], [1], [0, 0, 1, 1], [], []>, transpose_lhs_hint = false} : vector<32x32xf32>, vector<32x256xf32>, vector<32x256xf32> -> vector<32x256xf32>
    %add3A_240 = arith.addf %dot_general3A_236, %dot_general3A_239 : vector<32x256xf32>
    %slice3A_241 = vector.extract_strided_slice %sub3A_26 {offsets = [608, 0], sizes = [32, 256], strides = [1, 1]} : vector<1024x256xf32> to vector<32x256xf32>
    %dot_general3A_242 = arith.constant dense<0.000000e+00> : vector<32x256xf32>
    %dot_general3A_243 = tpu.matmul %get3A_17, %slice3A_241, %dot_general3A_242 {dimension_numbers = #tpu.dot_dimension_numbers<[1], [0], [0], [1], [0, 0, 1, 1], [], []>, transpose_lhs_hint = false} : vector<32x32xf32>, vector<32x256xf32>, vector<32x256xf32> -> vector<32x256xf32>
    %add3A_244 = arith.addf %add3A_240, %dot_general3A_243 : vector<32x256xf32>
    %slice3A_245 = vector.extract_strided_slice %convert_element_type3A_23 {offsets = [640, 0], sizes = [32, 256], strides = [1, 1]} : vector<1024x256xf32> to vector<32x256xf32>
    %dot_general3A_246 = arith.constant dense<0.000000e+00> : vector<32x256xf32>
    %dot_general3A_247 = tpu.matmul %get3A_17, %slice3A_245, %dot_general3A_246 {dimension_numbers = #tpu.dot_dimension_numbers<[1], [0], [0], [1], [0, 0, 1, 1], [], []>, transpose_lhs_hint = false} : vector<32x32xf32>, vector<32x256xf32>, vector<32x256xf32> -> vector<32x256xf32>
    %slice3A_248 = vector.extract_strided_slice %convert_element_type3A_25 {offsets = [640, 0], sizes = [32, 256], strides = [1, 1]} : vector<1024x256xf32> to vector<32x256xf32>
    %dot_general3A_249 = arith.constant dense<0.000000e+00> : vector<32x256xf32>
    %dot_general3A_250 = tpu.matmul %get3A_17, %slice3A_248, %dot_general3A_249 {dimension_numbers = #tpu.dot_dimension_numbers<[1], [0], [0], [1], [0, 0, 1, 1], [], []>, transpose_lhs_hint = false} : vector<32x32xf32>, vector<32x256xf32>, vector<32x256xf32> -> vector<32x256xf32>
    %add3A_251 = arith.addf %dot_general3A_247, %dot_general3A_250 : vector<32x256xf32>
    %slice3A_252 = vector.extract_strided_slice %sub3A_26 {offsets = [640, 0], sizes = [32, 256], strides = [1, 1]} : vector<1024x256xf32> to vector<32x256xf32>
    %dot_general3A_253 = arith.constant dense<0.000000e+00> : vector<32x256xf32>
    %dot_general3A_254 = tpu.matmul %get3A_17, %slice3A_252, %dot_general3A_253 {dimension_numbers = #tpu.dot_dimension_numbers<[1], [0], [0], [1], [0, 0, 1, 1], [], []>, transpose_lhs_hint = false} : vector<32x32xf32>, vector<32x256xf32>, vector<32x256xf32> -> vector<32x256xf32>
    %add3A_255 = arith.addf %add3A_251, %dot_general3A_254 : vector<32x256xf32>
    %slice3A_256 = vector.extract_strided_slice %convert_element_type3A_23 {offsets = [672, 0], sizes = [32, 256], strides = [1, 1]} : vector<1024x256xf32> to vector<32x256xf32>
    %dot_general3A_257 = arith.constant dense<0.000000e+00> : vector<32x256xf32>
    %dot_general3A_258 = tpu.matmul %get3A_17, %slice3A_256, %dot_general3A_257 {dimension_numbers = #tpu.dot_dimension_numbers<[1], [0], [0], [1], [0, 0, 1, 1], [], []>, transpose_lhs_hint = false} : vector<32x32xf32>, vector<32x256xf32>, vector<32x256xf32> -> vector<32x256xf32>
    %slice3A_259 = vector.extract_strided_slice %convert_element_type3A_25 {offsets = [672, 0], sizes = [32, 256], strides = [1, 1]} : vector<1024x256xf32> to vector<32x256xf32>
    %dot_general3A_260 = arith.constant dense<0.000000e+00> : vector<32x256xf32>
    %dot_general3A_261 = tpu.matmul %get3A_17, %slice3A_259, %dot_general3A_260 {dimension_numbers = #tpu.dot_dimension_numbers<[1], [0], [0], [1], [0, 0, 1, 1], [], []>, transpose_lhs_hint = false} : vector<32x32xf32>, vector<32x256xf32>, vector<32x256xf32> -> vector<32x256xf32>
    %add3A_262 = arith.addf %dot_general3A_258, %dot_general3A_261 : vector<32x256xf32>
    %slice3A_263 = vector.extract_strided_slice %sub3A_26 {offsets = [672, 0], sizes = [32, 256], strides = [1, 1]} : vector<1024x256xf32> to vector<32x256xf32>
    %dot_general3A_264 = arith.constant dense<0.000000e+00> : vector<32x256xf32>
    %dot_general3A_265 = tpu.matmul %get3A_17, %slice3A_263, %dot_general3A_264 {dimension_numbers = #tpu.dot_dimension_numbers<[1], [0], [0], [1], [0, 0, 1, 1], [], []>, transpose_lhs_hint = false} : vector<32x32xf32>, vector<32x256xf32>, vector<32x256xf32> -> vector<32x256xf32>
    %add3A_266 = arith.addf %add3A_262, %dot_general3A_265 : vector<32x256xf32>
    %slice3A_267 = vector.extract_strided_slice %convert_element_type3A_23 {offsets = [704, 0], sizes = [32, 256], strides = [1, 1]} : vector<1024x256xf32> to vector<32x256xf32>
    %dot_general3A_268 = arith.constant dense<0.000000e+00> : vector<32x256xf32>
    %dot_general3A_269 = tpu.matmul %get3A_17, %slice3A_267, %dot_general3A_268 {dimension_numbers = #tpu.dot_dimension_numbers<[1], [0], [0], [1], [0, 0, 1, 1], [], []>, transpose_lhs_hint = false} : vector<32x32xf32>, vector<32x256xf32>, vector<32x256xf32> -> vector<32x256xf32>
    %slice3A_270 = vector.extract_strided_slice %convert_element_type3A_25 {offsets = [704, 0], sizes = [32, 256], strides = [1, 1]} : vector<1024x256xf32> to vector<32x256xf32>
    %dot_general3A_271 = arith.constant dense<0.000000e+00> : vector<32x256xf32>
    %dot_general3A_272 = tpu.matmul %get3A_17, %slice3A_270, %dot_general3A_271 {dimension_numbers = #tpu.dot_dimension_numbers<[1], [0], [0], [1], [0, 0, 1, 1], [], []>, transpose_lhs_hint = false} : vector<32x32xf32>, vector<32x256xf32>, vector<32x256xf32> -> vector<32x256xf32>
    %add3A_273 = arith.addf %dot_general3A_269, %dot_general3A_272 : vector<32x256xf32>
    %slice3A_274 = vector.extract_strided_slice %sub3A_26 {offsets = [704, 0], sizes = [32, 256], strides = [1, 1]} : vector<1024x256xf32> to vector<32x256xf32>
    %dot_general3A_275 = arith.constant dense<0.000000e+00> : vector<32x256xf32>
    %dot_general3A_276 = tpu.matmul %get3A_17, %slice3A_274, %dot_general3A_275 {dimension_numbers = #tpu.dot_dimension_numbers<[1], [0], [0], [1], [0, 0, 1, 1], [], []>, transpose_lhs_hint = false} : vector<32x32xf32>, vector<32x256xf32>, vector<32x256xf32> -> vector<32x256xf32>
    %add3A_277 = arith.addf %add3A_273, %dot_general3A_276 : vector<32x256xf32>
    %slice3A_278 = vector.extract_strided_slice %convert_element_type3A_23 {offsets = [736, 0], sizes = [32, 256], strides = [1, 1]} : vector<1024x256xf32> to vector<32x256xf32>
    %dot_general3A_279 = arith.constant dense<0.000000e+00> : vector<32x256xf32>
    %dot_general3A_280 = tpu.matmul %get3A_17, %slice3A_278, %dot_general3A_279 {dimension_numbers = #tpu.dot_dimension_numbers<[1], [0], [0], [1], [0, 0, 1, 1], [], []>, transpose_lhs_hint = false} : vector<32x32xf32>, vector<32x256xf32>, vector<32x256xf32> -> vector<32x256xf32>
    %slice3A_281 = vector.extract_strided_slice %convert_element_type3A_25 {offsets = [736, 0], sizes = [32, 256], strides = [1, 1]} : vector<1024x256xf32> to vector<32x256xf32>
    %dot_general3A_282 = arith.constant dense<0.000000e+00> : vector<32x256xf32>
    %dot_general3A_283 = tpu.matmul %get3A_17, %slice3A_281, %dot_general3A_282 {dimension_numbers = #tpu.dot_dimension_numbers<[1], [0], [0], [1], [0, 0, 1, 1], [], []>, transpose_lhs_hint = false} : vector<32x32xf32>, vector<32x256xf32>, vector<32x256xf32> -> vector<32x256xf32>
    %add3A_284 = arith.addf %dot_general3A_280, %dot_general3A_283 : vector<32x256xf32>
    %slice3A_285 = vector.extract_strided_slice %sub3A_26 {offsets = [736, 0], sizes = [32, 256], strides = [1, 1]} : vector<1024x256xf32> to vector<32x256xf32>
    %dot_general3A_286 = arith.constant dense<0.000000e+00> : vector<32x256xf32>
    %dot_general3A_287 = tpu.matmul %get3A_17, %slice3A_285, %dot_general3A_286 {dimension_numbers = #tpu.dot_dimension_numbers<[1], [0], [0], [1], [0, 0, 1, 1], [], []>, transpose_lhs_hint = false} : vector<32x32xf32>, vector<32x256xf32>, vector<32x256xf32> -> vector<32x256xf32>
    %add3A_288 = arith.addf %add3A_284, %dot_general3A_287 : vector<32x256xf32>
    %slice3A_289 = vector.extract_strided_slice %convert_element_type3A_23 {offsets = [768, 0], sizes = [32, 256], strides = [1, 1]} : vector<1024x256xf32> to vector<32x256xf32>
    %dot_general3A_290 = arith.constant dense<0.000000e+00> : vector<32x256xf32>
    %dot_general3A_291 = tpu.matmul %get3A_17, %slice3A_289, %dot_general3A_290 {dimension_numbers = #tpu.dot_dimension_numbers<[1], [0], [0], [1], [0, 0, 1, 1], [], []>, transpose_lhs_hint = false} : vector<32x32xf32>, vector<32x256xf32>, vector<32x256xf32> -> vector<32x256xf32>
    %slice3A_292 = vector.extract_strided_slice %convert_element_type3A_25 {offsets = [768, 0], sizes = [32, 256], strides = [1, 1]} : vector<1024x256xf32> to vector<32x256xf32>
    %dot_general3A_293 = arith.constant dense<0.000000e+00> : vector<32x256xf32>
    %dot_general3A_294 = tpu.matmul %get3A_17, %slice3A_292, %dot_general3A_293 {dimension_numbers = #tpu.dot_dimension_numbers<[1], [0], [0], [1], [0, 0, 1, 1], [], []>, transpose_lhs_hint = false} : vector<32x32xf32>, vector<32x256xf32>, vector<32x256xf32> -> vector<32x256xf32>
    %add3A_295 = arith.addf %dot_general3A_291, %dot_general3A_294 : vector<32x256xf32>
    %slice3A_296 = vector.extract_strided_slice %sub3A_26 {offsets = [768, 0], sizes = [32, 256], strides = [1, 1]} : vector<1024x256xf32> to vector<32x256xf32>
    %dot_general3A_297 = arith.constant dense<0.000000e+00> : vector<32x256xf32>
    %dot_general3A_298 = tpu.matmul %get3A_17, %slice3A_296, %dot_general3A_297 {dimension_numbers = #tpu.dot_dimension_numbers<[1], [0], [0], [1], [0, 0, 1, 1], [], []>, transpose_lhs_hint = false} : vector<32x32xf32>, vector<32x256xf32>, vector<32x256xf32> -> vector<32x256xf32>
    %add3A_299 = arith.addf %add3A_295, %dot_general3A_298 : vector<32x256xf32>
    %slice3A_300 = vector.extract_strided_slice %convert_element_type3A_23 {offsets = [800, 0], sizes = [32, 256], strides = [1, 1]} : vector<1024x256xf32> to vector<32x256xf32>
    %dot_general3A_301 = arith.constant dense<0.000000e+00> : vector<32x256xf32>
    %dot_general3A_302 = tpu.matmul %get3A_17, %slice3A_300, %dot_general3A_301 {dimension_numbers = #tpu.dot_dimension_numbers<[1], [0], [0], [1], [0, 0, 1, 1], [], []>, transpose_lhs_hint = false} : vector<32x32xf32>, vector<32x256xf32>, vector<32x256xf32> -> vector<32x256xf32>
    %slice3A_303 = vector.extract_strided_slice %convert_element_type3A_25 {offsets = [800, 0], sizes = [32, 256], strides = [1, 1]} : vector<1024x256xf32> to vector<32x256xf32>
    %dot_general3A_304 = arith.constant dense<0.000000e+00> : vector<32x256xf32>
    %dot_general3A_305 = tpu.matmul %get3A_17, %slice3A_303, %dot_general3A_304 {dimension_numbers = #tpu.dot_dimension_numbers<[1], [0], [0], [1], [0, 0, 1, 1], [], []>, transpose_lhs_hint = false} : vector<32x32xf32>, vector<32x256xf32>, vector<32x256xf32> -> vector<32x256xf32>
    %add3A_306 = arith.addf %dot_general3A_302, %dot_general3A_305 : vector<32x256xf32>
    %slice3A_307 = vector.extract_strided_slice %sub3A_26 {offsets = [800, 0], sizes = [32, 256], strides = [1, 1]} : vector<1024x256xf32> to vector<32x256xf32>
    %dot_general3A_308 = arith.constant dense<0.000000e+00> : vector<32x256xf32>
    %dot_general3A_309 = tpu.matmul %get3A_17, %slice3A_307, %dot_general3A_308 {dimension_numbers = #tpu.dot_dimension_numbers<[1], [0], [0], [1], [0, 0, 1, 1], [], []>, transpose_lhs_hint = false} : vector<32x32xf32>, vector<32x256xf32>, vector<32x256xf32> -> vector<32x256xf32>
    %add3A_310 = arith.addf %add3A_306, %dot_general3A_309 : vector<32x256xf32>
    %slice3A_311 = vector.extract_strided_slice %convert_element_type3A_23 {offsets = [832, 0], sizes = [32, 256], strides = [1, 1]} : vector<1024x256xf32> to vector<32x256xf32>
    %dot_general3A_312 = arith.constant dense<0.000000e+00> : vector<32x256xf32>
    %dot_general3A_313 = tpu.matmul %get3A_17, %slice3A_311, %dot_general3A_312 {dimension_numbers = #tpu.dot_dimension_numbers<[1], [0], [0], [1], [0, 0, 1, 1], [], []>, transpose_lhs_hint = false} : vector<32x32xf32>, vector<32x256xf32>, vector<32x256xf32> -> vector<32x256xf32>
    %slice3A_314 = vector.extract_strided_slice %convert_element_type3A_25 {offsets = [832, 0], sizes = [32, 256], strides = [1, 1]} : vector<1024x256xf32> to vector<32x256xf32>
    %dot_general3A_315 = arith.constant dense<0.000000e+00> : vector<32x256xf32>
    %dot_general3A_316 = tpu.matmul %get3A_17, %slice3A_314, %dot_general3A_315 {dimension_numbers = #tpu.dot_dimension_numbers<[1], [0], [0], [1], [0, 0, 1, 1], [], []>, transpose_lhs_hint = false} : vector<32x32xf32>, vector<32x256xf32>, vector<32x256xf32> -> vector<32x256xf32>
    %add3A_317 = arith.addf %dot_general3A_313, %dot_general3A_316 : vector<32x256xf32>
    %slice3A_318 = vector.extract_strided_slice %sub3A_26 {offsets = [832, 0], sizes = [32, 256], strides = [1, 1]} : vector<1024x256xf32> to vector<32x256xf32>
    %dot_general3A_319 = arith.constant dense<0.000000e+00> : vector<32x256xf32>
    %dot_general3A_320 = tpu.matmul %get3A_17, %slice3A_318, %dot_general3A_319 {dimension_numbers = #tpu.dot_dimension_numbers<[1], [0], [0], [1], [0, 0, 1, 1], [], []>, transpose_lhs_hint = false} : vector<32x32xf32>, vector<32x256xf32>, vector<32x256xf32> -> vector<32x256xf32>
    %add3A_321 = arith.addf %add3A_317, %dot_general3A_320 : vector<32x256xf32>
    %slice3A_322 = vector.extract_strided_slice %convert_element_type3A_23 {offsets = [864, 0], sizes = [32, 256], strides = [1, 1]} : vector<1024x256xf32> to vector<32x256xf32>
    %dot_general3A_323 = arith.constant dense<0.000000e+00> : vector<32x256xf32>
    %dot_general3A_324 = tpu.matmul %get3A_17, %slice3A_322, %dot_general3A_323 {dimension_numbers = #tpu.dot_dimension_numbers<[1], [0], [0], [1], [0, 0, 1, 1], [], []>, transpose_lhs_hint = false} : vector<32x32xf32>, vector<32x256xf32>, vector<32x256xf32> -> vector<32x256xf32>
    %slice3A_325 = vector.extract_strided_slice %convert_element_type3A_25 {offsets = [864, 0], sizes = [32, 256], strides = [1, 1]} : vector<1024x256xf32> to vector<32x256xf32>
    %dot_general3A_326 = arith.constant dense<0.000000e+00> : vector<32x256xf32>
    %dot_general3A_327 = tpu.matmul %get3A_17, %slice3A_325, %dot_general3A_326 {dimension_numbers = #tpu.dot_dimension_numbers<[1], [0], [0], [1], [0, 0, 1, 1], [], []>, transpose_lhs_hint = false} : vector<32x32xf32>, vector<32x256xf32>, vector<32x256xf32> -> vector<32x256xf32>
    %add3A_328 = arith.addf %dot_general3A_324, %dot_general3A_327 : vector<32x256xf32>
    %slice3A_329 = vector.extract_strided_slice %sub3A_26 {offsets = [864, 0], sizes = [32, 256], strides = [1, 1]} : vector<1024x256xf32> to vector<32x256xf32>
    %dot_general3A_330 = arith.constant dense<0.000000e+00> : vector<32x256xf32>
    %dot_general3A_331 = tpu.matmul %get3A_17, %slice3A_329, %dot_general3A_330 {dimension_numbers = #tpu.dot_dimension_numbers<[1], [0], [0], [1], [0, 0, 1, 1], [], []>, transpose_lhs_hint = false} : vector<32x32xf32>, vector<32x256xf32>, vector<32x256xf32> -> vector<32x256xf32>
    %add3A_332 = arith.addf %add3A_328, %dot_general3A_331 : vector<32x256xf32>
    %slice3A_333 = vector.extract_strided_slice %convert_element_type3A_23 {offsets = [896, 0], sizes = [32, 256], strides = [1, 1]} : vector<1024x256xf32> to vector<32x256xf32>
    %dot_general3A_334 = arith.constant dense<0.000000e+00> : vector<32x256xf32>
    %dot_general3A_335 = tpu.matmul %get3A_17, %slice3A_333, %dot_general3A_334 {dimension_numbers = #tpu.dot_dimension_numbers<[1], [0], [0], [1], [0, 0, 1, 1], [], []>, transpose_lhs_hint = false} : vector<32x32xf32>, vector<32x256xf32>, vector<32x256xf32> -> vector<32x256xf32>
    %slice3A_336 = vector.extract_strided_slice %convert_element_type3A_25 {offsets = [896, 0], sizes = [32, 256], strides = [1, 1]} : vector<1024x256xf32> to vector<32x256xf32>
    %dot_general3A_337 = arith.constant dense<0.000000e+00> : vector<32x256xf32>
    %dot_general3A_338 = tpu.matmul %get3A_17, %slice3A_336, %dot_general3A_337 {dimension_numbers = #tpu.dot_dimension_numbers<[1], [0], [0], [1], [0, 0, 1, 1], [], []>, transpose_lhs_hint = false} : vector<32x32xf32>, vector<32x256xf32>, vector<32x256xf32> -> vector<32x256xf32>
    %add3A_339 = arith.addf %dot_general3A_335, %dot_general3A_338 : vector<32x256xf32>
    %slice3A_340 = vector.extract_strided_slice %sub3A_26 {offsets = [896, 0], sizes = [32, 256], strides = [1, 1]} : vector<1024x256xf32> to vector<32x256xf32>
    %dot_general3A_341 = arith.constant dense<0.000000e+00> : vector<32x256xf32>
    %dot_general3A_342 = tpu.matmul %get3A_17, %slice3A_340, %dot_general3A_341 {dimension_numbers = #tpu.dot_dimension_numbers<[1], [0], [0], [1], [0, 0, 1, 1], [], []>, transpose_lhs_hint = false} : vector<32x32xf32>, vector<32x256xf32>, vector<32x256xf32> -> vector<32x256xf32>
    %add3A_343 = arith.addf %add3A_339, %dot_general3A_342 : vector<32x256xf32>
    %slice3A_344 = vector.extract_strided_slice %convert_element_type3A_23 {offsets = [928, 0], sizes = [32, 256], strides = [1, 1]} : vector<1024x256xf32> to vector<32x256xf32>
    %dot_general3A_345 = arith.constant dense<0.000000e+00> : vector<32x256xf32>
    %dot_general3A_346 = tpu.matmul %get3A_17, %slice3A_344, %dot_general3A_345 {dimension_numbers = #tpu.dot_dimension_numbers<[1], [0], [0], [1], [0, 0, 1, 1], [], []>, transpose_lhs_hint = false} : vector<32x32xf32>, vector<32x256xf32>, vector<32x256xf32> -> vector<32x256xf32>
    %slice3A_347 = vector.extract_strided_slice %convert_element_type3A_25 {offsets = [928, 0], sizes = [32, 256], strides = [1, 1]} : vector<1024x256xf32> to vector<32x256xf32>
    %dot_general3A_348 = arith.constant dense<0.000000e+00> : vector<32x256xf32>
    %dot_general3A_349 = tpu.matmul %get3A_17, %slice3A_347, %dot_general3A_348 {dimension_numbers = #tpu.dot_dimension_numbers<[1], [0], [0], [1], [0, 0, 1, 1], [], []>, transpose_lhs_hint = false} : vector<32x32xf32>, vector<32x256xf32>, vector<32x256xf32> -> vector<32x256xf32>
    %add3A_350 = arith.addf %dot_general3A_346, %dot_general3A_349 : vector<32x256xf32>
    %slice3A_351 = vector.extract_strided_slice %sub3A_26 {offsets = [928, 0], sizes = [32, 256], strides = [1, 1]} : vector<1024x256xf32> to vector<32x256xf32>
    %dot_general3A_352 = arith.constant dense<0.000000e+00> : vector<32x256xf32>
    %dot_general3A_353 = tpu.matmul %get3A_17, %slice3A_351, %dot_general3A_352 {dimension_numbers = #tpu.dot_dimension_numbers<[1], [0], [0], [1], [0, 0, 1, 1], [], []>, transpose_lhs_hint = false} : vector<32x32xf32>, vector<32x256xf32>, vector<32x256xf32> -> vector<32x256xf32>
    %add3A_354 = arith.addf %add3A_350, %dot_general3A_353 : vector<32x256xf32>
    %slice3A_355 = vector.extract_strided_slice %convert_element_type3A_23 {offsets = [960, 0], sizes = [32, 256], strides = [1, 1]} : vector<1024x256xf32> to vector<32x256xf32>
    %dot_general3A_356 = arith.constant dense<0.000000e+00> : vector<32x256xf32>
    %dot_general3A_357 = tpu.matmul %get3A_17, %slice3A_355, %dot_general3A_356 {dimension_numbers = #tpu.dot_dimension_numbers<[1], [0], [0], [1], [0, 0, 1, 1], [], []>, transpose_lhs_hint = false} : vector<32x32xf32>, vector<32x256xf32>, vector<32x256xf32> -> vector<32x256xf32>
    %slice3A_358 = vector.extract_strided_slice %convert_element_type3A_25 {offsets = [960, 0], sizes = [32, 256], strides = [1, 1]} : vector<1024x256xf32> to vector<32x256xf32>
    %dot_general3A_359 = arith.constant dense<0.000000e+00> : vector<32x256xf32>
    %dot_general3A_360 = tpu.matmul %get3A_17, %slice3A_358, %dot_general3A_359 {dimension_numbers = #tpu.dot_dimension_numbers<[1], [0], [0], [1], [0, 0, 1, 1], [], []>, transpose_lhs_hint = false} : vector<32x32xf32>, vector<32x256xf32>, vector<32x256xf32> -> vector<32x256xf32>
    %add3A_361 = arith.addf %dot_general3A_357, %dot_general3A_360 : vector<32x256xf32>
    %slice3A_362 = vector.extract_strided_slice %sub3A_26 {offsets = [960, 0], sizes = [32, 256], strides = [1, 1]} : vector<1024x256xf32> to vector<32x256xf32>
    %dot_general3A_363 = arith.constant dense<0.000000e+00> : vector<32x256xf32>
    %dot_general3A_364 = tpu.matmul %get3A_17, %slice3A_362, %dot_general3A_363 {dimension_numbers = #tpu.dot_dimension_numbers<[1], [0], [0], [1], [0, 0, 1, 1], [], []>, transpose_lhs_hint = false} : vector<32x32xf32>, vector<32x256xf32>, vector<32x256xf32> -> vector<32x256xf32>
    %add3A_365 = arith.addf %add3A_361, %dot_general3A_364 : vector<32x256xf32>
    %slice3A_366 = vector.extract_strided_slice %convert_element_type3A_23 {offsets = [992, 0], sizes = [32, 256], strides = [1, 1]} : vector<1024x256xf32> to vector<32x256xf32>
    %dot_general3A_367 = arith.constant dense<0.000000e+00> : vector<32x256xf32>
    %dot_general3A_368 = tpu.matmul %get3A_17, %slice3A_366, %dot_general3A_367 {dimension_numbers = #tpu.dot_dimension_numbers<[1], [0], [0], [1], [0, 0, 1, 1], [], []>, transpose_lhs_hint = false} : vector<32x32xf32>, vector<32x256xf32>, vector<32x256xf32> -> vector<32x256xf32>
    %slice3A_369 = vector.extract_strided_slice %convert_element_type3A_25 {offsets = [992, 0], sizes = [32, 256], strides = [1, 1]} : vector<1024x256xf32> to vector<32x256xf32>
    %dot_general3A_370 = arith.constant dense<0.000000e+00> : vector<32x256xf32>
    %dot_general3A_371 = tpu.matmul %get3A_17, %slice3A_369, %dot_general3A_370 {dimension_numbers = #tpu.dot_dimension_numbers<[1], [0], [0], [1], [0, 0, 1, 1], [], []>, transpose_lhs_hint = false} : vector<32x32xf32>, vector<32x256xf32>, vector<32x256xf32> -> vector<32x256xf32>
    %add3A_372 = arith.addf %dot_general3A_368, %dot_general3A_371 : vector<32x256xf32>
    %slice3A_373 = vector.extract_strided_slice %sub3A_26 {offsets = [992, 0], sizes = [32, 256], strides = [1, 1]} : vector<1024x256xf32> to vector<32x256xf32>
    %dot_general3A_374 = arith.constant dense<0.000000e+00> : vector<32x256xf32>
    %dot_general3A_375 = tpu.matmul %get3A_17, %slice3A_373, %dot_general3A_374 {dimension_numbers = #tpu.dot_dimension_numbers<[1], [0], [0], [1], [0, 0, 1, 1], [], []>, transpose_lhs_hint = false} : vector<32x32xf32>, vector<32x256xf32>, vector<32x256xf32> -> vector<32x256xf32>
    %add3A_376 = arith.addf %add3A_372, %dot_general3A_375 : vector<32x256xf32>
    %concatenate3A = tpu.concatenate %add3A_35, %add3A_46, %add3A_57, %add3A_68, %add3A_79, %add3A_90, %add3A_101, %add3A_112, %add3A_123, %add3A_134, %add3A_145, %add3A_156, %add3A_167, %add3A_178, %add3A_189, %add3A_200, %add3A_211, %add3A_222, %add3A_233, %add3A_244, %add3A_255, %add3A_266, %add3A_277, %add3A_288, %add3A_299, %add3A_310, %add3A_321, %add3A_332, %add3A_343, %add3A_354, %add3A_365, %add3A_376 in 0 : vector<32x256xf32>, vector<32x256xf32>, vector<32x256xf32>, vector<32x256xf32>, vector<32x256xf32>, vector<32x256xf32>, vector<32x256xf32>, vector<32x256xf32>, vector<32x256xf32>, vector<32x256xf32>, vector<32x256xf32>, vector<32x256xf32>, vector<32x256xf32>, vector<32x256xf32>, vector<32x256xf32>, vector<32x256xf32>, vector<32x256xf32>, vector<32x256xf32>, vector<32x256xf32>, vector<32x256xf32>, vector<32x256xf32>, vector<32x256xf32>, vector<32x256xf32>, vector<32x256xf32>, vector<32x256xf32>, vector<32x256xf32>, vector<32x256xf32>, vector<32x256xf32>, vector<32x256xf32>, vector<32x256xf32>, vector<32x256xf32>, vector<32x256xf32> -> vector<1024x256xf32>
    %get3A_377 = arith.constant 0 : index
    %get3A_378 = arith.constant 0 : index
    %get3A_379 = vector.load %arg7[%get3A_377, %get3A_378] : memref<1x256xf32, #tpu.memory_space<vmem>>, vector<1x256xf32>
    %add3A_380 = vector.broadcast %get3A_379 : vector<1x256xf32> to vector<1024x256xf32>
    %add3A_381 = arith.addf %concatenate3A, %add3A_380 : vector<1024x256xf32>
    %max3A = arith.constant 0.000000e+00 : f32
    %max3A_382 = vector.broadcast %max3A : f32 to vector<1024x256xf32>
    %max3A_383 = arith.maximumf %add3A_381, %max3A_382 : vector<1024x256xf32>
    %get3A_384 = arith.constant 0 : index
    %get3A_385 = arith.constant 0 : index
    %get3A_386 = vector.load %arg2[%get3A_384, %get3A_385] : memref<32x32xf32, #tpu.memory_space<vmem>>, vector<32x32xf32>
    %get3A_387 = arith.constant 0 : index
    %get3A_388 = arith.constant 0 : index
    %get3A_389 = vector.load %arg8[%get3A_387, %get3A_388] : memref<256x256xf32, #tpu.memory_space<vmem>>, vector<256x256xf32>
    %dot_general3A_390 = arith.constant dense<0.000000e+00> : vector<1024x256xf32>
    %dot_general3A_391 = tpu.matmul %max3A_383, %get3A_389, %dot_general3A_390 {dimension_numbers = #tpu.dot_dimension_numbers<[1], [0], [0], [1], [0, 0, 1, 1], [], []>, transpose_lhs_hint = false} : vector<1024x256xf32>, vector<256x256xf32>, vector<1024x256xf32> -> vector<1024x256xf32>
    %convert_element_type3A_392 = arith.truncf %dot_general3A_391 : vector<1024x256xf32> to vector<1024x256xbf16>
    %convert_element_type3A_393 = arith.extf %convert_element_type3A_392 : vector<1024x256xbf16> to vector<1024x256xf32>
    %sub3A_394 = arith.subf %dot_general3A_391, %convert_element_type3A_393 : vector<1024x256xf32>
    %convert_element_type3A_395 = arith.truncf %sub3A_394 : vector<1024x256xf32> to vector<1024x256xbf16>
    %convert_element_type3A_396 = arith.extf %convert_element_type3A_395 : vector<1024x256xbf16> to vector<1024x256xf32>
    %sub3A_397 = arith.subf %sub3A_394, %convert_element_type3A_396 : vector<1024x256xf32>
    %slice3A_398 = vector.extract_strided_slice %convert_element_type3A_393 {offsets = [0, 0], sizes = [32, 256], strides = [1, 1]} : vector<1024x256xf32> to vector<32x256xf32>
    %dot_general3A_399 = arith.constant dense<0.000000e+00> : vector<32x256xf32>
    %dot_general3A_400 = tpu.matmul %get3A_386, %slice3A_398, %dot_general3A_399 {dimension_numbers = #tpu.dot_dimension_numbers<[1], [0], [0], [1], [0, 0, 1, 1], [], []>, transpose_lhs_hint = false} : vector<32x32xf32>, vector<32x256xf32>, vector<32x256xf32> -> vector<32x256xf32>
    %slice3A_401 = vector.extract_strided_slice %convert_element_type3A_396 {offsets = [0, 0], sizes = [32, 256], strides = [1, 1]} : vector<1024x256xf32> to vector<32x256xf32>
    %dot_general3A_402 = arith.constant dense<0.000000e+00> : vector<32x256xf32>
    %dot_general3A_403 = tpu.matmul %get3A_386, %slice3A_401, %dot_general3A_402 {dimension_numbers = #tpu.dot_dimension_numbers<[1], [0], [0], [1], [0, 0, 1, 1], [], []>, transpose_lhs_hint = false} : vector<32x32xf32>, vector<32x256xf32>, vector<32x256xf32> -> vector<32x256xf32>
    %add3A_404 = arith.addf %dot_general3A_400, %dot_general3A_403 : vector<32x256xf32>
    %slice3A_405 = vector.extract_strided_slice %sub3A_397 {offsets = [0, 0], sizes = [32, 256], strides = [1, 1]} : vector<1024x256xf32> to vector<32x256xf32>
    %dot_general3A_406 = arith.constant dense<0.000000e+00> : vector<32x256xf32>
    %dot_general3A_407 = tpu.matmul %get3A_386, %slice3A_405, %dot_general3A_406 {dimension_numbers = #tpu.dot_dimension_numbers<[1], [0], [0], [1], [0, 0, 1, 1], [], []>, transpose_lhs_hint = false} : vector<32x32xf32>, vector<32x256xf32>, vector<32x256xf32> -> vector<32x256xf32>
    %add3A_408 = arith.addf %add3A_404, %dot_general3A_407 : vector<32x256xf32>
    %slice3A_409 = vector.extract_strided_slice %convert_element_type3A_393 {offsets = [32, 0], sizes = [32, 256], strides = [1, 1]} : vector<1024x256xf32> to vector<32x256xf32>
    %dot_general3A_410 = arith.constant dense<0.000000e+00> : vector<32x256xf32>
    %dot_general3A_411 = tpu.matmul %get3A_386, %slice3A_409, %dot_general3A_410 {dimension_numbers = #tpu.dot_dimension_numbers<[1], [0], [0], [1], [0, 0, 1, 1], [], []>, transpose_lhs_hint = false} : vector<32x32xf32>, vector<32x256xf32>, vector<32x256xf32> -> vector<32x256xf32>
    %slice3A_412 = vector.extract_strided_slice %convert_element_type3A_396 {offsets = [32, 0], sizes = [32, 256], strides = [1, 1]} : vector<1024x256xf32> to vector<32x256xf32>
    %dot_general3A_413 = arith.constant dense<0.000000e+00> : vector<32x256xf32>
    %dot_general3A_414 = tpu.matmul %get3A_386, %slice3A_412, %dot_general3A_413 {dimension_numbers = #tpu.dot_dimension_numbers<[1], [0], [0], [1], [0, 0, 1, 1], [], []>, transpose_lhs_hint = false} : vector<32x32xf32>, vector<32x256xf32>, vector<32x256xf32> -> vector<32x256xf32>
    %add3A_415 = arith.addf %dot_general3A_411, %dot_general3A_414 : vector<32x256xf32>
    %slice3A_416 = vector.extract_strided_slice %sub3A_397 {offsets = [32, 0], sizes = [32, 256], strides = [1, 1]} : vector<1024x256xf32> to vector<32x256xf32>
    %dot_general3A_417 = arith.constant dense<0.000000e+00> : vector<32x256xf32>
    %dot_general3A_418 = tpu.matmul %get3A_386, %slice3A_416, %dot_general3A_417 {dimension_numbers = #tpu.dot_dimension_numbers<[1], [0], [0], [1], [0, 0, 1, 1], [], []>, transpose_lhs_hint = false} : vector<32x32xf32>, vector<32x256xf32>, vector<32x256xf32> -> vector<32x256xf32>
    %add3A_419 = arith.addf %add3A_415, %dot_general3A_418 : vector<32x256xf32>
    %slice3A_420 = vector.extract_strided_slice %convert_element_type3A_393 {offsets = [64, 0], sizes = [32, 256], strides = [1, 1]} : vector<1024x256xf32> to vector<32x256xf32>
    %dot_general3A_421 = arith.constant dense<0.000000e+00> : vector<32x256xf32>
    %dot_general3A_422 = tpu.matmul %get3A_386, %slice3A_420, %dot_general3A_421 {dimension_numbers = #tpu.dot_dimension_numbers<[1], [0], [0], [1], [0, 0, 1, 1], [], []>, transpose_lhs_hint = false} : vector<32x32xf32>, vector<32x256xf32>, vector<32x256xf32> -> vector<32x256xf32>
    %slice3A_423 = vector.extract_strided_slice %convert_element_type3A_396 {offsets = [64, 0], sizes = [32, 256], strides = [1, 1]} : vector<1024x256xf32> to vector<32x256xf32>
    %dot_general3A_424 = arith.constant dense<0.000000e+00> : vector<32x256xf32>
    %dot_general3A_425 = tpu.matmul %get3A_386, %slice3A_423, %dot_general3A_424 {dimension_numbers = #tpu.dot_dimension_numbers<[1], [0], [0], [1], [0, 0, 1, 1], [], []>, transpose_lhs_hint = false} : vector<32x32xf32>, vector<32x256xf32>, vector<32x256xf32> -> vector<32x256xf32>
    %add3A_426 = arith.addf %dot_general3A_422, %dot_general3A_425 : vector<32x256xf32>
    %slice3A_427 = vector.extract_strided_slice %sub3A_397 {offsets = [64, 0], sizes = [32, 256], strides = [1, 1]} : vector<1024x256xf32> to vector<32x256xf32>
    %dot_general3A_428 = arith.constant dense<0.000000e+00> : vector<32x256xf32>
    %dot_general3A_429 = tpu.matmul %get3A_386, %slice3A_427, %dot_general3A_428 {dimension_numbers = #tpu.dot_dimension_numbers<[1], [0], [0], [1], [0, 0, 1, 1], [], []>, transpose_lhs_hint = false} : vector<32x32xf32>, vector<32x256xf32>, vector<32x256xf32> -> vector<32x256xf32>
    %add3A_430 = arith.addf %add3A_426, %dot_general3A_429 : vector<32x256xf32>
    %slice3A_431 = vector.extract_strided_slice %convert_element_type3A_393 {offsets = [96, 0], sizes = [32, 256], strides = [1, 1]} : vector<1024x256xf32> to vector<32x256xf32>
    %dot_general3A_432 = arith.constant dense<0.000000e+00> : vector<32x256xf32>
    %dot_general3A_433 = tpu.matmul %get3A_386, %slice3A_431, %dot_general3A_432 {dimension_numbers = #tpu.dot_dimension_numbers<[1], [0], [0], [1], [0, 0, 1, 1], [], []>, transpose_lhs_hint = false} : vector<32x32xf32>, vector<32x256xf32>, vector<32x256xf32> -> vector<32x256xf32>
    %slice3A_434 = vector.extract_strided_slice %convert_element_type3A_396 {offsets = [96, 0], sizes = [32, 256], strides = [1, 1]} : vector<1024x256xf32> to vector<32x256xf32>
    %dot_general3A_435 = arith.constant dense<0.000000e+00> : vector<32x256xf32>
    %dot_general3A_436 = tpu.matmul %get3A_386, %slice3A_434, %dot_general3A_435 {dimension_numbers = #tpu.dot_dimension_numbers<[1], [0], [0], [1], [0, 0, 1, 1], [], []>, transpose_lhs_hint = false} : vector<32x32xf32>, vector<32x256xf32>, vector<32x256xf32> -> vector<32x256xf32>
    %add3A_437 = arith.addf %dot_general3A_433, %dot_general3A_436 : vector<32x256xf32>
    %slice3A_438 = vector.extract_strided_slice %sub3A_397 {offsets = [96, 0], sizes = [32, 256], strides = [1, 1]} : vector<1024x256xf32> to vector<32x256xf32>
    %dot_general3A_439 = arith.constant dense<0.000000e+00> : vector<32x256xf32>
    %dot_general3A_440 = tpu.matmul %get3A_386, %slice3A_438, %dot_general3A_439 {dimension_numbers = #tpu.dot_dimension_numbers<[1], [0], [0], [1], [0, 0, 1, 1], [], []>, transpose_lhs_hint = false} : vector<32x32xf32>, vector<32x256xf32>, vector<32x256xf32> -> vector<32x256xf32>
    %add3A_441 = arith.addf %add3A_437, %dot_general3A_440 : vector<32x256xf32>
    %slice3A_442 = vector.extract_strided_slice %convert_element_type3A_393 {offsets = [128, 0], sizes = [32, 256], strides = [1, 1]} : vector<1024x256xf32> to vector<32x256xf32>
    %dot_general3A_443 = arith.constant dense<0.000000e+00> : vector<32x256xf32>
    %dot_general3A_444 = tpu.matmul %get3A_386, %slice3A_442, %dot_general3A_443 {dimension_numbers = #tpu.dot_dimension_numbers<[1], [0], [0], [1], [0, 0, 1, 1], [], []>, transpose_lhs_hint = false} : vector<32x32xf32>, vector<32x256xf32>, vector<32x256xf32> -> vector<32x256xf32>
    %slice3A_445 = vector.extract_strided_slice %convert_element_type3A_396 {offsets = [128, 0], sizes = [32, 256], strides = [1, 1]} : vector<1024x256xf32> to vector<32x256xf32>
    %dot_general3A_446 = arith.constant dense<0.000000e+00> : vector<32x256xf32>
    %dot_general3A_447 = tpu.matmul %get3A_386, %slice3A_445, %dot_general3A_446 {dimension_numbers = #tpu.dot_dimension_numbers<[1], [0], [0], [1], [0, 0, 1, 1], [], []>, transpose_lhs_hint = false} : vector<32x32xf32>, vector<32x256xf32>, vector<32x256xf32> -> vector<32x256xf32>
    %add3A_448 = arith.addf %dot_general3A_444, %dot_general3A_447 : vector<32x256xf32>
    %slice3A_449 = vector.extract_strided_slice %sub3A_397 {offsets = [128, 0], sizes = [32, 256], strides = [1, 1]} : vector<1024x256xf32> to vector<32x256xf32>
    %dot_general3A_450 = arith.constant dense<0.000000e+00> : vector<32x256xf32>
    %dot_general3A_451 = tpu.matmul %get3A_386, %slice3A_449, %dot_general3A_450 {dimension_numbers = #tpu.dot_dimension_numbers<[1], [0], [0], [1], [0, 0, 1, 1], [], []>, transpose_lhs_hint = false} : vector<32x32xf32>, vector<32x256xf32>, vector<32x256xf32> -> vector<32x256xf32>
    %add3A_452 = arith.addf %add3A_448, %dot_general3A_451 : vector<32x256xf32>
    %slice3A_453 = vector.extract_strided_slice %convert_element_type3A_393 {offsets = [160, 0], sizes = [32, 256], strides = [1, 1]} : vector<1024x256xf32> to vector<32x256xf32>
    %dot_general3A_454 = arith.constant dense<0.000000e+00> : vector<32x256xf32>
    %dot_general3A_455 = tpu.matmul %get3A_386, %slice3A_453, %dot_general3A_454 {dimension_numbers = #tpu.dot_dimension_numbers<[1], [0], [0], [1], [0, 0, 1, 1], [], []>, transpose_lhs_hint = false} : vector<32x32xf32>, vector<32x256xf32>, vector<32x256xf32> -> vector<32x256xf32>
    %slice3A_456 = vector.extract_strided_slice %convert_element_type3A_396 {offsets = [160, 0], sizes = [32, 256], strides = [1, 1]} : vector<1024x256xf32> to vector<32x256xf32>
    %dot_general3A_457 = arith.constant dense<0.000000e+00> : vector<32x256xf32>
    %dot_general3A_458 = tpu.matmul %get3A_386, %slice3A_456, %dot_general3A_457 {dimension_numbers = #tpu.dot_dimension_numbers<[1], [0], [0], [1], [0, 0, 1, 1], [], []>, transpose_lhs_hint = false} : vector<32x32xf32>, vector<32x256xf32>, vector<32x256xf32> -> vector<32x256xf32>
    %add3A_459 = arith.addf %dot_general3A_455, %dot_general3A_458 : vector<32x256xf32>
    %slice3A_460 = vector.extract_strided_slice %sub3A_397 {offsets = [160, 0], sizes = [32, 256], strides = [1, 1]} : vector<1024x256xf32> to vector<32x256xf32>
    %dot_general3A_461 = arith.constant dense<0.000000e+00> : vector<32x256xf32>
    %dot_general3A_462 = tpu.matmul %get3A_386, %slice3A_460, %dot_general3A_461 {dimension_numbers = #tpu.dot_dimension_numbers<[1], [0], [0], [1], [0, 0, 1, 1], [], []>, transpose_lhs_hint = false} : vector<32x32xf32>, vector<32x256xf32>, vector<32x256xf32> -> vector<32x256xf32>
    %add3A_463 = arith.addf %add3A_459, %dot_general3A_462 : vector<32x256xf32>
    %slice3A_464 = vector.extract_strided_slice %convert_element_type3A_393 {offsets = [192, 0], sizes = [32, 256], strides = [1, 1]} : vector<1024x256xf32> to vector<32x256xf32>
    %dot_general3A_465 = arith.constant dense<0.000000e+00> : vector<32x256xf32>
    %dot_general3A_466 = tpu.matmul %get3A_386, %slice3A_464, %dot_general3A_465 {dimension_numbers = #tpu.dot_dimension_numbers<[1], [0], [0], [1], [0, 0, 1, 1], [], []>, transpose_lhs_hint = false} : vector<32x32xf32>, vector<32x256xf32>, vector<32x256xf32> -> vector<32x256xf32>
    %slice3A_467 = vector.extract_strided_slice %convert_element_type3A_396 {offsets = [192, 0], sizes = [32, 256], strides = [1, 1]} : vector<1024x256xf32> to vector<32x256xf32>
    %dot_general3A_468 = arith.constant dense<0.000000e+00> : vector<32x256xf32>
    %dot_general3A_469 = tpu.matmul %get3A_386, %slice3A_467, %dot_general3A_468 {dimension_numbers = #tpu.dot_dimension_numbers<[1], [0], [0], [1], [0, 0, 1, 1], [], []>, transpose_lhs_hint = false} : vector<32x32xf32>, vector<32x256xf32>, vector<32x256xf32> -> vector<32x256xf32>
    %add3A_470 = arith.addf %dot_general3A_466, %dot_general3A_469 : vector<32x256xf32>
    %slice3A_471 = vector.extract_strided_slice %sub3A_397 {offsets = [192, 0], sizes = [32, 256], strides = [1, 1]} : vector<1024x256xf32> to vector<32x256xf32>
    %dot_general3A_472 = arith.constant dense<0.000000e+00> : vector<32x256xf32>
    %dot_general3A_473 = tpu.matmul %get3A_386, %slice3A_471, %dot_general3A_472 {dimension_numbers = #tpu.dot_dimension_numbers<[1], [0], [0], [1], [0, 0, 1, 1], [], []>, transpose_lhs_hint = false} : vector<32x32xf32>, vector<32x256xf32>, vector<32x256xf32> -> vector<32x256xf32>
    %add3A_474 = arith.addf %add3A_470, %dot_general3A_473 : vector<32x256xf32>
    %slice3A_475 = vector.extract_strided_slice %convert_element_type3A_393 {offsets = [224, 0], sizes = [32, 256], strides = [1, 1]} : vector<1024x256xf32> to vector<32x256xf32>
    %dot_general3A_476 = arith.constant dense<0.000000e+00> : vector<32x256xf32>
    %dot_general3A_477 = tpu.matmul %get3A_386, %slice3A_475, %dot_general3A_476 {dimension_numbers = #tpu.dot_dimension_numbers<[1], [0], [0], [1], [0, 0, 1, 1], [], []>, transpose_lhs_hint = false} : vector<32x32xf32>, vector<32x256xf32>, vector<32x256xf32> -> vector<32x256xf32>
    %slice3A_478 = vector.extract_strided_slice %convert_element_type3A_396 {offsets = [224, 0], sizes = [32, 256], strides = [1, 1]} : vector<1024x256xf32> to vector<32x256xf32>
    %dot_general3A_479 = arith.constant dense<0.000000e+00> : vector<32x256xf32>
    %dot_general3A_480 = tpu.matmul %get3A_386, %slice3A_478, %dot_general3A_479 {dimension_numbers = #tpu.dot_dimension_numbers<[1], [0], [0], [1], [0, 0, 1, 1], [], []>, transpose_lhs_hint = false} : vector<32x32xf32>, vector<32x256xf32>, vector<32x256xf32> -> vector<32x256xf32>
    %add3A_481 = arith.addf %dot_general3A_477, %dot_general3A_480 : vector<32x256xf32>
    %slice3A_482 = vector.extract_strided_slice %sub3A_397 {offsets = [224, 0], sizes = [32, 256], strides = [1, 1]} : vector<1024x256xf32> to vector<32x256xf32>
    %dot_general3A_483 = arith.constant dense<0.000000e+00> : vector<32x256xf32>
    %dot_general3A_484 = tpu.matmul %get3A_386, %slice3A_482, %dot_general3A_483 {dimension_numbers = #tpu.dot_dimension_numbers<[1], [0], [0], [1], [0, 0, 1, 1], [], []>, transpose_lhs_hint = false} : vector<32x32xf32>, vector<32x256xf32>, vector<32x256xf32> -> vector<32x256xf32>
    %add3A_485 = arith.addf %add3A_481, %dot_general3A_484 : vector<32x256xf32>
    %slice3A_486 = vector.extract_strided_slice %convert_element_type3A_393 {offsets = [256, 0], sizes = [32, 256], strides = [1, 1]} : vector<1024x256xf32> to vector<32x256xf32>
    %dot_general3A_487 = arith.constant dense<0.000000e+00> : vector<32x256xf32>
    %dot_general3A_488 = tpu.matmul %get3A_386, %slice3A_486, %dot_general3A_487 {dimension_numbers = #tpu.dot_dimension_numbers<[1], [0], [0], [1], [0, 0, 1, 1], [], []>, transpose_lhs_hint = false} : vector<32x32xf32>, vector<32x256xf32>, vector<32x256xf32> -> vector<32x256xf32>
    %slice3A_489 = vector.extract_strided_slice %convert_element_type3A_396 {offsets = [256, 0], sizes = [32, 256], strides = [1, 1]} : vector<1024x256xf32> to vector<32x256xf32>
    %dot_general3A_490 = arith.constant dense<0.000000e+00> : vector<32x256xf32>
    %dot_general3A_491 = tpu.matmul %get3A_386, %slice3A_489, %dot_general3A_490 {dimension_numbers = #tpu.dot_dimension_numbers<[1], [0], [0], [1], [0, 0, 1, 1], [], []>, transpose_lhs_hint = false} : vector<32x32xf32>, vector<32x256xf32>, vector<32x256xf32> -> vector<32x256xf32>
    %add3A_492 = arith.addf %dot_general3A_488, %dot_general3A_491 : vector<32x256xf32>
    %slice3A_493 = vector.extract_strided_slice %sub3A_397 {offsets = [256, 0], sizes = [32, 256], strides = [1, 1]} : vector<1024x256xf32> to vector<32x256xf32>
    %dot_general3A_494 = arith.constant dense<0.000000e+00> : vector<32x256xf32>
    %dot_general3A_495 = tpu.matmul %get3A_386, %slice3A_493, %dot_general3A_494 {dimension_numbers = #tpu.dot_dimension_numbers<[1], [0], [0], [1], [0, 0, 1, 1], [], []>, transpose_lhs_hint = false} : vector<32x32xf32>, vector<32x256xf32>, vector<32x256xf32> -> vector<32x256xf32>
    %add3A_496 = arith.addf %add3A_492, %dot_general3A_495 : vector<32x256xf32>
    %slice3A_497 = vector.extract_strided_slice %convert_element_type3A_393 {offsets = [288, 0], sizes = [32, 256], strides = [1, 1]} : vector<1024x256xf32> to vector<32x256xf32>
    %dot_general3A_498 = arith.constant dense<0.000000e+00> : vector<32x256xf32>
    %dot_general3A_499 = tpu.matmul %get3A_386, %slice3A_497, %dot_general3A_498 {dimension_numbers = #tpu.dot_dimension_numbers<[1], [0], [0], [1], [0, 0, 1, 1], [], []>, transpose_lhs_hint = false} : vector<32x32xf32>, vector<32x256xf32>, vector<32x256xf32> -> vector<32x256xf32>
    %slice3A_500 = vector.extract_strided_slice %convert_element_type3A_396 {offsets = [288, 0], sizes = [32, 256], strides = [1, 1]} : vector<1024x256xf32> to vector<32x256xf32>
    %dot_general3A_501 = arith.constant dense<0.000000e+00> : vector<32x256xf32>
    %dot_general3A_502 = tpu.matmul %get3A_386, %slice3A_500, %dot_general3A_501 {dimension_numbers = #tpu.dot_dimension_numbers<[1], [0], [0], [1], [0, 0, 1, 1], [], []>, transpose_lhs_hint = false} : vector<32x32xf32>, vector<32x256xf32>, vector<32x256xf32> -> vector<32x256xf32>
    %add3A_503 = arith.addf %dot_general3A_499, %dot_general3A_502 : vector<32x256xf32>
    %slice3A_504 = vector.extract_strided_slice %sub3A_397 {offsets = [288, 0], sizes = [32, 256], strides = [1, 1]} : vector<1024x256xf32> to vector<32x256xf32>
    %dot_general3A_505 = arith.constant dense<0.000000e+00> : vector<32x256xf32>
    %dot_general3A_506 = tpu.matmul %get3A_386, %slice3A_504, %dot_general3A_505 {dimension_numbers = #tpu.dot_dimension_numbers<[1], [0], [0], [1], [0, 0, 1, 1], [], []>, transpose_lhs_hint = false} : vector<32x32xf32>, vector<32x256xf32>, vector<32x256xf32> -> vector<32x256xf32>
    %add3A_507 = arith.addf %add3A_503, %dot_general3A_506 : vector<32x256xf32>
    %slice3A_508 = vector.extract_strided_slice %convert_element_type3A_393 {offsets = [320, 0], sizes = [32, 256], strides = [1, 1]} : vector<1024x256xf32> to vector<32x256xf32>
    %dot_general3A_509 = arith.constant dense<0.000000e+00> : vector<32x256xf32>
    %dot_general3A_510 = tpu.matmul %get3A_386, %slice3A_508, %dot_general3A_509 {dimension_numbers = #tpu.dot_dimension_numbers<[1], [0], [0], [1], [0, 0, 1, 1], [], []>, transpose_lhs_hint = false} : vector<32x32xf32>, vector<32x256xf32>, vector<32x256xf32> -> vector<32x256xf32>
    %slice3A_511 = vector.extract_strided_slice %convert_element_type3A_396 {offsets = [320, 0], sizes = [32, 256], strides = [1, 1]} : vector<1024x256xf32> to vector<32x256xf32>
    %dot_general3A_512 = arith.constant dense<0.000000e+00> : vector<32x256xf32>
    %dot_general3A_513 = tpu.matmul %get3A_386, %slice3A_511, %dot_general3A_512 {dimension_numbers = #tpu.dot_dimension_numbers<[1], [0], [0], [1], [0, 0, 1, 1], [], []>, transpose_lhs_hint = false} : vector<32x32xf32>, vector<32x256xf32>, vector<32x256xf32> -> vector<32x256xf32>
    %add3A_514 = arith.addf %dot_general3A_510, %dot_general3A_513 : vector<32x256xf32>
    %slice3A_515 = vector.extract_strided_slice %sub3A_397 {offsets = [320, 0], sizes = [32, 256], strides = [1, 1]} : vector<1024x256xf32> to vector<32x256xf32>
    %dot_general3A_516 = arith.constant dense<0.000000e+00> : vector<32x256xf32>
    %dot_general3A_517 = tpu.matmul %get3A_386, %slice3A_515, %dot_general3A_516 {dimension_numbers = #tpu.dot_dimension_numbers<[1], [0], [0], [1], [0, 0, 1, 1], [], []>, transpose_lhs_hint = false} : vector<32x32xf32>, vector<32x256xf32>, vector<32x256xf32> -> vector<32x256xf32>
    %add3A_518 = arith.addf %add3A_514, %dot_general3A_517 : vector<32x256xf32>
    %slice3A_519 = vector.extract_strided_slice %convert_element_type3A_393 {offsets = [352, 0], sizes = [32, 256], strides = [1, 1]} : vector<1024x256xf32> to vector<32x256xf32>
    %dot_general3A_520 = arith.constant dense<0.000000e+00> : vector<32x256xf32>
    %dot_general3A_521 = tpu.matmul %get3A_386, %slice3A_519, %dot_general3A_520 {dimension_numbers = #tpu.dot_dimension_numbers<[1], [0], [0], [1], [0, 0, 1, 1], [], []>, transpose_lhs_hint = false} : vector<32x32xf32>, vector<32x256xf32>, vector<32x256xf32> -> vector<32x256xf32>
    %slice3A_522 = vector.extract_strided_slice %convert_element_type3A_396 {offsets = [352, 0], sizes = [32, 256], strides = [1, 1]} : vector<1024x256xf32> to vector<32x256xf32>
    %dot_general3A_523 = arith.constant dense<0.000000e+00> : vector<32x256xf32>
    %dot_general3A_524 = tpu.matmul %get3A_386, %slice3A_522, %dot_general3A_523 {dimension_numbers = #tpu.dot_dimension_numbers<[1], [0], [0], [1], [0, 0, 1, 1], [], []>, transpose_lhs_hint = false} : vector<32x32xf32>, vector<32x256xf32>, vector<32x256xf32> -> vector<32x256xf32>
    %add3A_525 = arith.addf %dot_general3A_521, %dot_general3A_524 : vector<32x256xf32>
    %slice3A_526 = vector.extract_strided_slice %sub3A_397 {offsets = [352, 0], sizes = [32, 256], strides = [1, 1]} : vector<1024x256xf32> to vector<32x256xf32>
    %dot_general3A_527 = arith.constant dense<0.000000e+00> : vector<32x256xf32>
    %dot_general3A_528 = tpu.matmul %get3A_386, %slice3A_526, %dot_general3A_527 {dimension_numbers = #tpu.dot_dimension_numbers<[1], [0], [0], [1], [0, 0, 1, 1], [], []>, transpose_lhs_hint = false} : vector<32x32xf32>, vector<32x256xf32>, vector<32x256xf32> -> vector<32x256xf32>
    %add3A_529 = arith.addf %add3A_525, %dot_general3A_528 : vector<32x256xf32>
    %slice3A_530 = vector.extract_strided_slice %convert_element_type3A_393 {offsets = [384, 0], sizes = [32, 256], strides = [1, 1]} : vector<1024x256xf32> to vector<32x256xf32>
    %dot_general3A_531 = arith.constant dense<0.000000e+00> : vector<32x256xf32>
    %dot_general3A_532 = tpu.matmul %get3A_386, %slice3A_530, %dot_general3A_531 {dimension_numbers = #tpu.dot_dimension_numbers<[1], [0], [0], [1], [0, 0, 1, 1], [], []>, transpose_lhs_hint = false} : vector<32x32xf32>, vector<32x256xf32>, vector<32x256xf32> -> vector<32x256xf32>
    %slice3A_533 = vector.extract_strided_slice %convert_element_type3A_396 {offsets = [384, 0], sizes = [32, 256], strides = [1, 1]} : vector<1024x256xf32> to vector<32x256xf32>
    %dot_general3A_534 = arith.constant dense<0.000000e+00> : vector<32x256xf32>
    %dot_general3A_535 = tpu.matmul %get3A_386, %slice3A_533, %dot_general3A_534 {dimension_numbers = #tpu.dot_dimension_numbers<[1], [0], [0], [1], [0, 0, 1, 1], [], []>, transpose_lhs_hint = false} : vector<32x32xf32>, vector<32x256xf32>, vector<32x256xf32> -> vector<32x256xf32>
    %add3A_536 = arith.addf %dot_general3A_532, %dot_general3A_535 : vector<32x256xf32>
    %slice3A_537 = vector.extract_strided_slice %sub3A_397 {offsets = [384, 0], sizes = [32, 256], strides = [1, 1]} : vector<1024x256xf32> to vector<32x256xf32>
    %dot_general3A_538 = arith.constant dense<0.000000e+00> : vector<32x256xf32>
    %dot_general3A_539 = tpu.matmul %get3A_386, %slice3A_537, %dot_general3A_538 {dimension_numbers = #tpu.dot_dimension_numbers<[1], [0], [0], [1], [0, 0, 1, 1], [], []>, transpose_lhs_hint = false} : vector<32x32xf32>, vector<32x256xf32>, vector<32x256xf32> -> vector<32x256xf32>
    %add3A_540 = arith.addf %add3A_536, %dot_general3A_539 : vector<32x256xf32>
    %slice3A_541 = vector.extract_strided_slice %convert_element_type3A_393 {offsets = [416, 0], sizes = [32, 256], strides = [1, 1]} : vector<1024x256xf32> to vector<32x256xf32>
    %dot_general3A_542 = arith.constant dense<0.000000e+00> : vector<32x256xf32>
    %dot_general3A_543 = tpu.matmul %get3A_386, %slice3A_541, %dot_general3A_542 {dimension_numbers = #tpu.dot_dimension_numbers<[1], [0], [0], [1], [0, 0, 1, 1], [], []>, transpose_lhs_hint = false} : vector<32x32xf32>, vector<32x256xf32>, vector<32x256xf32> -> vector<32x256xf32>
    %slice3A_544 = vector.extract_strided_slice %convert_element_type3A_396 {offsets = [416, 0], sizes = [32, 256], strides = [1, 1]} : vector<1024x256xf32> to vector<32x256xf32>
    %dot_general3A_545 = arith.constant dense<0.000000e+00> : vector<32x256xf32>
    %dot_general3A_546 = tpu.matmul %get3A_386, %slice3A_544, %dot_general3A_545 {dimension_numbers = #tpu.dot_dimension_numbers<[1], [0], [0], [1], [0, 0, 1, 1], [], []>, transpose_lhs_hint = false} : vector<32x32xf32>, vector<32x256xf32>, vector<32x256xf32> -> vector<32x256xf32>
    %add3A_547 = arith.addf %dot_general3A_543, %dot_general3A_546 : vector<32x256xf32>
    %slice3A_548 = vector.extract_strided_slice %sub3A_397 {offsets = [416, 0], sizes = [32, 256], strides = [1, 1]} : vector<1024x256xf32> to vector<32x256xf32>
    %dot_general3A_549 = arith.constant dense<0.000000e+00> : vector<32x256xf32>
    %dot_general3A_550 = tpu.matmul %get3A_386, %slice3A_548, %dot_general3A_549 {dimension_numbers = #tpu.dot_dimension_numbers<[1], [0], [0], [1], [0, 0, 1, 1], [], []>, transpose_lhs_hint = false} : vector<32x32xf32>, vector<32x256xf32>, vector<32x256xf32> -> vector<32x256xf32>
    %add3A_551 = arith.addf %add3A_547, %dot_general3A_550 : vector<32x256xf32>
    %slice3A_552 = vector.extract_strided_slice %convert_element_type3A_393 {offsets = [448, 0], sizes = [32, 256], strides = [1, 1]} : vector<1024x256xf32> to vector<32x256xf32>
    %dot_general3A_553 = arith.constant dense<0.000000e+00> : vector<32x256xf32>
    %dot_general3A_554 = tpu.matmul %get3A_386, %slice3A_552, %dot_general3A_553 {dimension_numbers = #tpu.dot_dimension_numbers<[1], [0], [0], [1], [0, 0, 1, 1], [], []>, transpose_lhs_hint = false} : vector<32x32xf32>, vector<32x256xf32>, vector<32x256xf32> -> vector<32x256xf32>
    %slice3A_555 = vector.extract_strided_slice %convert_element_type3A_396 {offsets = [448, 0], sizes = [32, 256], strides = [1, 1]} : vector<1024x256xf32> to vector<32x256xf32>
    %dot_general3A_556 = arith.constant dense<0.000000e+00> : vector<32x256xf32>
    %dot_general3A_557 = tpu.matmul %get3A_386, %slice3A_555, %dot_general3A_556 {dimension_numbers = #tpu.dot_dimension_numbers<[1], [0], [0], [1], [0, 0, 1, 1], [], []>, transpose_lhs_hint = false} : vector<32x32xf32>, vector<32x256xf32>, vector<32x256xf32> -> vector<32x256xf32>
    %add3A_558 = arith.addf %dot_general3A_554, %dot_general3A_557 : vector<32x256xf32>
    %slice3A_559 = vector.extract_strided_slice %sub3A_397 {offsets = [448, 0], sizes = [32, 256], strides = [1, 1]} : vector<1024x256xf32> to vector<32x256xf32>
    %dot_general3A_560 = arith.constant dense<0.000000e+00> : vector<32x256xf32>
    %dot_general3A_561 = tpu.matmul %get3A_386, %slice3A_559, %dot_general3A_560 {dimension_numbers = #tpu.dot_dimension_numbers<[1], [0], [0], [1], [0, 0, 1, 1], [], []>, transpose_lhs_hint = false} : vector<32x32xf32>, vector<32x256xf32>, vector<32x256xf32> -> vector<32x256xf32>
    %add3A_562 = arith.addf %add3A_558, %dot_general3A_561 : vector<32x256xf32>
    %slice3A_563 = vector.extract_strided_slice %convert_element_type3A_393 {offsets = [480, 0], sizes = [32, 256], strides = [1, 1]} : vector<1024x256xf32> to vector<32x256xf32>
    %dot_general3A_564 = arith.constant dense<0.000000e+00> : vector<32x256xf32>
    %dot_general3A_565 = tpu.matmul %get3A_386, %slice3A_563, %dot_general3A_564 {dimension_numbers = #tpu.dot_dimension_numbers<[1], [0], [0], [1], [0, 0, 1, 1], [], []>, transpose_lhs_hint = false} : vector<32x32xf32>, vector<32x256xf32>, vector<32x256xf32> -> vector<32x256xf32>
    %slice3A_566 = vector.extract_strided_slice %convert_element_type3A_396 {offsets = [480, 0], sizes = [32, 256], strides = [1, 1]} : vector<1024x256xf32> to vector<32x256xf32>
    %dot_general3A_567 = arith.constant dense<0.000000e+00> : vector<32x256xf32>
    %dot_general3A_568 = tpu.matmul %get3A_386, %slice3A_566, %dot_general3A_567 {dimension_numbers = #tpu.dot_dimension_numbers<[1], [0], [0], [1], [0, 0, 1, 1], [], []>, transpose_lhs_hint = false} : vector<32x32xf32>, vector<32x256xf32>, vector<32x256xf32> -> vector<32x256xf32>
    %add3A_569 = arith.addf %dot_general3A_565, %dot_general3A_568 : vector<32x256xf32>
    %slice3A_570 = vector.extract_strided_slice %sub3A_397 {offsets = [480, 0], sizes = [32, 256], strides = [1, 1]} : vector<1024x256xf32> to vector<32x256xf32>
    %dot_general3A_571 = arith.constant dense<0.000000e+00> : vector<32x256xf32>
    %dot_general3A_572 = tpu.matmul %get3A_386, %slice3A_570, %dot_general3A_571 {dimension_numbers = #tpu.dot_dimension_numbers<[1], [0], [0], [1], [0, 0, 1, 1], [], []>, transpose_lhs_hint = false} : vector<32x32xf32>, vector<32x256xf32>, vector<32x256xf32> -> vector<32x256xf32>
    %add3A_573 = arith.addf %add3A_569, %dot_general3A_572 : vector<32x256xf32>
    %slice3A_574 = vector.extract_strided_slice %convert_element_type3A_393 {offsets = [512, 0], sizes = [32, 256], strides = [1, 1]} : vector<1024x256xf32> to vector<32x256xf32>
    %dot_general3A_575 = arith.constant dense<0.000000e+00> : vector<32x256xf32>
    %dot_general3A_576 = tpu.matmul %get3A_386, %slice3A_574, %dot_general3A_575 {dimension_numbers = #tpu.dot_dimension_numbers<[1], [0], [0], [1], [0, 0, 1, 1], [], []>, transpose_lhs_hint = false} : vector<32x32xf32>, vector<32x256xf32>, vector<32x256xf32> -> vector<32x256xf32>
    %slice3A_577 = vector.extract_strided_slice %convert_element_type3A_396 {offsets = [512, 0], sizes = [32, 256], strides = [1, 1]} : vector<1024x256xf32> to vector<32x256xf32>
    %dot_general3A_578 = arith.constant dense<0.000000e+00> : vector<32x256xf32>
    %dot_general3A_579 = tpu.matmul %get3A_386, %slice3A_577, %dot_general3A_578 {dimension_numbers = #tpu.dot_dimension_numbers<[1], [0], [0], [1], [0, 0, 1, 1], [], []>, transpose_lhs_hint = false} : vector<32x32xf32>, vector<32x256xf32>, vector<32x256xf32> -> vector<32x256xf32>
    %add3A_580 = arith.addf %dot_general3A_576, %dot_general3A_579 : vector<32x256xf32>
    %slice3A_581 = vector.extract_strided_slice %sub3A_397 {offsets = [512, 0], sizes = [32, 256], strides = [1, 1]} : vector<1024x256xf32> to vector<32x256xf32>
    %dot_general3A_582 = arith.constant dense<0.000000e+00> : vector<32x256xf32>
    %dot_general3A_583 = tpu.matmul %get3A_386, %slice3A_581, %dot_general3A_582 {dimension_numbers = #tpu.dot_dimension_numbers<[1], [0], [0], [1], [0, 0, 1, 1], [], []>, transpose_lhs_hint = false} : vector<32x32xf32>, vector<32x256xf32>, vector<32x256xf32> -> vector<32x256xf32>
    %add3A_584 = arith.addf %add3A_580, %dot_general3A_583 : vector<32x256xf32>
    %slice3A_585 = vector.extract_strided_slice %convert_element_type3A_393 {offsets = [544, 0], sizes = [32, 256], strides = [1, 1]} : vector<1024x256xf32> to vector<32x256xf32>
    %dot_general3A_586 = arith.constant dense<0.000000e+00> : vector<32x256xf32>
    %dot_general3A_587 = tpu.matmul %get3A_386, %slice3A_585, %dot_general3A_586 {dimension_numbers = #tpu.dot_dimension_numbers<[1], [0], [0], [1], [0, 0, 1, 1], [], []>, transpose_lhs_hint = false} : vector<32x32xf32>, vector<32x256xf32>, vector<32x256xf32> -> vector<32x256xf32>
    %slice3A_588 = vector.extract_strided_slice %convert_element_type3A_396 {offsets = [544, 0], sizes = [32, 256], strides = [1, 1]} : vector<1024x256xf32> to vector<32x256xf32>
    %dot_general3A_589 = arith.constant dense<0.000000e+00> : vector<32x256xf32>
    %dot_general3A_590 = tpu.matmul %get3A_386, %slice3A_588, %dot_general3A_589 {dimension_numbers = #tpu.dot_dimension_numbers<[1], [0], [0], [1], [0, 0, 1, 1], [], []>, transpose_lhs_hint = false} : vector<32x32xf32>, vector<32x256xf32>, vector<32x256xf32> -> vector<32x256xf32>
    %add3A_591 = arith.addf %dot_general3A_587, %dot_general3A_590 : vector<32x256xf32>
    %slice3A_592 = vector.extract_strided_slice %sub3A_397 {offsets = [544, 0], sizes = [32, 256], strides = [1, 1]} : vector<1024x256xf32> to vector<32x256xf32>
    %dot_general3A_593 = arith.constant dense<0.000000e+00> : vector<32x256xf32>
    %dot_general3A_594 = tpu.matmul %get3A_386, %slice3A_592, %dot_general3A_593 {dimension_numbers = #tpu.dot_dimension_numbers<[1], [0], [0], [1], [0, 0, 1, 1], [], []>, transpose_lhs_hint = false} : vector<32x32xf32>, vector<32x256xf32>, vector<32x256xf32> -> vector<32x256xf32>
    %add3A_595 = arith.addf %add3A_591, %dot_general3A_594 : vector<32x256xf32>
    %slice3A_596 = vector.extract_strided_slice %convert_element_type3A_393 {offsets = [576, 0], sizes = [32, 256], strides = [1, 1]} : vector<1024x256xf32> to vector<32x256xf32>
    %dot_general3A_597 = arith.constant dense<0.000000e+00> : vector<32x256xf32>
    %dot_general3A_598 = tpu.matmul %get3A_386, %slice3A_596, %dot_general3A_597 {dimension_numbers = #tpu.dot_dimension_numbers<[1], [0], [0], [1], [0, 0, 1, 1], [], []>, transpose_lhs_hint = false} : vector<32x32xf32>, vector<32x256xf32>, vector<32x256xf32> -> vector<32x256xf32>
    %slice3A_599 = vector.extract_strided_slice %convert_element_type3A_396 {offsets = [576, 0], sizes = [32, 256], strides = [1, 1]} : vector<1024x256xf32> to vector<32x256xf32>
    %dot_general3A_600 = arith.constant dense<0.000000e+00> : vector<32x256xf32>
    %dot_general3A_601 = tpu.matmul %get3A_386, %slice3A_599, %dot_general3A_600 {dimension_numbers = #tpu.dot_dimension_numbers<[1], [0], [0], [1], [0, 0, 1, 1], [], []>, transpose_lhs_hint = false} : vector<32x32xf32>, vector<32x256xf32>, vector<32x256xf32> -> vector<32x256xf32>
    %add3A_602 = arith.addf %dot_general3A_598, %dot_general3A_601 : vector<32x256xf32>
    %slice3A_603 = vector.extract_strided_slice %sub3A_397 {offsets = [576, 0], sizes = [32, 256], strides = [1, 1]} : vector<1024x256xf32> to vector<32x256xf32>
    %dot_general3A_604 = arith.constant dense<0.000000e+00> : vector<32x256xf32>
    %dot_general3A_605 = tpu.matmul %get3A_386, %slice3A_603, %dot_general3A_604 {dimension_numbers = #tpu.dot_dimension_numbers<[1], [0], [0], [1], [0, 0, 1, 1], [], []>, transpose_lhs_hint = false} : vector<32x32xf32>, vector<32x256xf32>, vector<32x256xf32> -> vector<32x256xf32>
    %add3A_606 = arith.addf %add3A_602, %dot_general3A_605 : vector<32x256xf32>
    %slice3A_607 = vector.extract_strided_slice %convert_element_type3A_393 {offsets = [608, 0], sizes = [32, 256], strides = [1, 1]} : vector<1024x256xf32> to vector<32x256xf32>
    %dot_general3A_608 = arith.constant dense<0.000000e+00> : vector<32x256xf32>
    %dot_general3A_609 = tpu.matmul %get3A_386, %slice3A_607, %dot_general3A_608 {dimension_numbers = #tpu.dot_dimension_numbers<[1], [0], [0], [1], [0, 0, 1, 1], [], []>, transpose_lhs_hint = false} : vector<32x32xf32>, vector<32x256xf32>, vector<32x256xf32> -> vector<32x256xf32>
    %slice3A_610 = vector.extract_strided_slice %convert_element_type3A_396 {offsets = [608, 0], sizes = [32, 256], strides = [1, 1]} : vector<1024x256xf32> to vector<32x256xf32>
    %dot_general3A_611 = arith.constant dense<0.000000e+00> : vector<32x256xf32>
    %dot_general3A_612 = tpu.matmul %get3A_386, %slice3A_610, %dot_general3A_611 {dimension_numbers = #tpu.dot_dimension_numbers<[1], [0], [0], [1], [0, 0, 1, 1], [], []>, transpose_lhs_hint = false} : vector<32x32xf32>, vector<32x256xf32>, vector<32x256xf32> -> vector<32x256xf32>
    %add3A_613 = arith.addf %dot_general3A_609, %dot_general3A_612 : vector<32x256xf32>
    %slice3A_614 = vector.extract_strided_slice %sub3A_397 {offsets = [608, 0], sizes = [32, 256], strides = [1, 1]} : vector<1024x256xf32> to vector<32x256xf32>
    %dot_general3A_615 = arith.constant dense<0.000000e+00> : vector<32x256xf32>
    %dot_general3A_616 = tpu.matmul %get3A_386, %slice3A_614, %dot_general3A_615 {dimension_numbers = #tpu.dot_dimension_numbers<[1], [0], [0], [1], [0, 0, 1, 1], [], []>, transpose_lhs_hint = false} : vector<32x32xf32>, vector<32x256xf32>, vector<32x256xf32> -> vector<32x256xf32>
    %add3A_617 = arith.addf %add3A_613, %dot_general3A_616 : vector<32x256xf32>
    %slice3A_618 = vector.extract_strided_slice %convert_element_type3A_393 {offsets = [640, 0], sizes = [32, 256], strides = [1, 1]} : vector<1024x256xf32> to vector<32x256xf32>
    %dot_general3A_619 = arith.constant dense<0.000000e+00> : vector<32x256xf32>
    %dot_general3A_620 = tpu.matmul %get3A_386, %slice3A_618, %dot_general3A_619 {dimension_numbers = #tpu.dot_dimension_numbers<[1], [0], [0], [1], [0, 0, 1, 1], [], []>, transpose_lhs_hint = false} : vector<32x32xf32>, vector<32x256xf32>, vector<32x256xf32> -> vector<32x256xf32>
    %slice3A_621 = vector.extract_strided_slice %convert_element_type3A_396 {offsets = [640, 0], sizes = [32, 256], strides = [1, 1]} : vector<1024x256xf32> to vector<32x256xf32>
    %dot_general3A_622 = arith.constant dense<0.000000e+00> : vector<32x256xf32>
    %dot_general3A_623 = tpu.matmul %get3A_386, %slice3A_621, %dot_general3A_622 {dimension_numbers = #tpu.dot_dimension_numbers<[1], [0], [0], [1], [0, 0, 1, 1], [], []>, transpose_lhs_hint = false} : vector<32x32xf32>, vector<32x256xf32>, vector<32x256xf32> -> vector<32x256xf32>
    %add3A_624 = arith.addf %dot_general3A_620, %dot_general3A_623 : vector<32x256xf32>
    %slice3A_625 = vector.extract_strided_slice %sub3A_397 {offsets = [640, 0], sizes = [32, 256], strides = [1, 1]} : vector<1024x256xf32> to vector<32x256xf32>
    %dot_general3A_626 = arith.constant dense<0.000000e+00> : vector<32x256xf32>
    %dot_general3A_627 = tpu.matmul %get3A_386, %slice3A_625, %dot_general3A_626 {dimension_numbers = #tpu.dot_dimension_numbers<[1], [0], [0], [1], [0, 0, 1, 1], [], []>, transpose_lhs_hint = false} : vector<32x32xf32>, vector<32x256xf32>, vector<32x256xf32> -> vector<32x256xf32>
    %add3A_628 = arith.addf %add3A_624, %dot_general3A_627 : vector<32x256xf32>
    %slice3A_629 = vector.extract_strided_slice %convert_element_type3A_393 {offsets = [672, 0], sizes = [32, 256], strides = [1, 1]} : vector<1024x256xf32> to vector<32x256xf32>
    %dot_general3A_630 = arith.constant dense<0.000000e+00> : vector<32x256xf32>
    %dot_general3A_631 = tpu.matmul %get3A_386, %slice3A_629, %dot_general3A_630 {dimension_numbers = #tpu.dot_dimension_numbers<[1], [0], [0], [1], [0, 0, 1, 1], [], []>, transpose_lhs_hint = false} : vector<32x32xf32>, vector<32x256xf32>, vector<32x256xf32> -> vector<32x256xf32>
    %slice3A_632 = vector.extract_strided_slice %convert_element_type3A_396 {offsets = [672, 0], sizes = [32, 256], strides = [1, 1]} : vector<1024x256xf32> to vector<32x256xf32>
    %dot_general3A_633 = arith.constant dense<0.000000e+00> : vector<32x256xf32>
    %dot_general3A_634 = tpu.matmul %get3A_386, %slice3A_632, %dot_general3A_633 {dimension_numbers = #tpu.dot_dimension_numbers<[1], [0], [0], [1], [0, 0, 1, 1], [], []>, transpose_lhs_hint = false} : vector<32x32xf32>, vector<32x256xf32>, vector<32x256xf32> -> vector<32x256xf32>
    %add3A_635 = arith.addf %dot_general3A_631, %dot_general3A_634 : vector<32x256xf32>
    %slice3A_636 = vector.extract_strided_slice %sub3A_397 {offsets = [672, 0], sizes = [32, 256], strides = [1, 1]} : vector<1024x256xf32> to vector<32x256xf32>
    %dot_general3A_637 = arith.constant dense<0.000000e+00> : vector<32x256xf32>
    %dot_general3A_638 = tpu.matmul %get3A_386, %slice3A_636, %dot_general3A_637 {dimension_numbers = #tpu.dot_dimension_numbers<[1], [0], [0], [1], [0, 0, 1, 1], [], []>, transpose_lhs_hint = false} : vector<32x32xf32>, vector<32x256xf32>, vector<32x256xf32> -> vector<32x256xf32>
    %add3A_639 = arith.addf %add3A_635, %dot_general3A_638 : vector<32x256xf32>
    %slice3A_640 = vector.extract_strided_slice %convert_element_type3A_393 {offsets = [704, 0], sizes = [32, 256], strides = [1, 1]} : vector<1024x256xf32> to vector<32x256xf32>
    %dot_general3A_641 = arith.constant dense<0.000000e+00> : vector<32x256xf32>
    %dot_general3A_642 = tpu.matmul %get3A_386, %slice3A_640, %dot_general3A_641 {dimension_numbers = #tpu.dot_dimension_numbers<[1], [0], [0], [1], [0, 0, 1, 1], [], []>, transpose_lhs_hint = false} : vector<32x32xf32>, vector<32x256xf32>, vector<32x256xf32> -> vector<32x256xf32>
    %slice3A_643 = vector.extract_strided_slice %convert_element_type3A_396 {offsets = [704, 0], sizes = [32, 256], strides = [1, 1]} : vector<1024x256xf32> to vector<32x256xf32>
    %dot_general3A_644 = arith.constant dense<0.000000e+00> : vector<32x256xf32>
    %dot_general3A_645 = tpu.matmul %get3A_386, %slice3A_643, %dot_general3A_644 {dimension_numbers = #tpu.dot_dimension_numbers<[1], [0], [0], [1], [0, 0, 1, 1], [], []>, transpose_lhs_hint = false} : vector<32x32xf32>, vector<32x256xf32>, vector<32x256xf32> -> vector<32x256xf32>
    %add3A_646 = arith.addf %dot_general3A_642, %dot_general3A_645 : vector<32x256xf32>
    %slice3A_647 = vector.extract_strided_slice %sub3A_397 {offsets = [704, 0], sizes = [32, 256], strides = [1, 1]} : vector<1024x256xf32> to vector<32x256xf32>
    %dot_general3A_648 = arith.constant dense<0.000000e+00> : vector<32x256xf32>
    %dot_general3A_649 = tpu.matmul %get3A_386, %slice3A_647, %dot_general3A_648 {dimension_numbers = #tpu.dot_dimension_numbers<[1], [0], [0], [1], [0, 0, 1, 1], [], []>, transpose_lhs_hint = false} : vector<32x32xf32>, vector<32x256xf32>, vector<32x256xf32> -> vector<32x256xf32>
    %add3A_650 = arith.addf %add3A_646, %dot_general3A_649 : vector<32x256xf32>
    %slice3A_651 = vector.extract_strided_slice %convert_element_type3A_393 {offsets = [736, 0], sizes = [32, 256], strides = [1, 1]} : vector<1024x256xf32> to vector<32x256xf32>
    %dot_general3A_652 = arith.constant dense<0.000000e+00> : vector<32x256xf32>
    %dot_general3A_653 = tpu.matmul %get3A_386, %slice3A_651, %dot_general3A_652 {dimension_numbers = #tpu.dot_dimension_numbers<[1], [0], [0], [1], [0, 0, 1, 1], [], []>, transpose_lhs_hint = false} : vector<32x32xf32>, vector<32x256xf32>, vector<32x256xf32> -> vector<32x256xf32>
    %slice3A_654 = vector.extract_strided_slice %convert_element_type3A_396 {offsets = [736, 0], sizes = [32, 256], strides = [1, 1]} : vector<1024x256xf32> to vector<32x256xf32>
    %dot_general3A_655 = arith.constant dense<0.000000e+00> : vector<32x256xf32>
    %dot_general3A_656 = tpu.matmul %get3A_386, %slice3A_654, %dot_general3A_655 {dimension_numbers = #tpu.dot_dimension_numbers<[1], [0], [0], [1], [0, 0, 1, 1], [], []>, transpose_lhs_hint = false} : vector<32x32xf32>, vector<32x256xf32>, vector<32x256xf32> -> vector<32x256xf32>
    %add3A_657 = arith.addf %dot_general3A_653, %dot_general3A_656 : vector<32x256xf32>
    %slice3A_658 = vector.extract_strided_slice %sub3A_397 {offsets = [736, 0], sizes = [32, 256], strides = [1, 1]} : vector<1024x256xf32> to vector<32x256xf32>
    %dot_general3A_659 = arith.constant dense<0.000000e+00> : vector<32x256xf32>
    %dot_general3A_660 = tpu.matmul %get3A_386, %slice3A_658, %dot_general3A_659 {dimension_numbers = #tpu.dot_dimension_numbers<[1], [0], [0], [1], [0, 0, 1, 1], [], []>, transpose_lhs_hint = false} : vector<32x32xf32>, vector<32x256xf32>, vector<32x256xf32> -> vector<32x256xf32>
    %add3A_661 = arith.addf %add3A_657, %dot_general3A_660 : vector<32x256xf32>
    %slice3A_662 = vector.extract_strided_slice %convert_element_type3A_393 {offsets = [768, 0], sizes = [32, 256], strides = [1, 1]} : vector<1024x256xf32> to vector<32x256xf32>
    %dot_general3A_663 = arith.constant dense<0.000000e+00> : vector<32x256xf32>
    %dot_general3A_664 = tpu.matmul %get3A_386, %slice3A_662, %dot_general3A_663 {dimension_numbers = #tpu.dot_dimension_numbers<[1], [0], [0], [1], [0, 0, 1, 1], [], []>, transpose_lhs_hint = false} : vector<32x32xf32>, vector<32x256xf32>, vector<32x256xf32> -> vector<32x256xf32>
    %slice3A_665 = vector.extract_strided_slice %convert_element_type3A_396 {offsets = [768, 0], sizes = [32, 256], strides = [1, 1]} : vector<1024x256xf32> to vector<32x256xf32>
    %dot_general3A_666 = arith.constant dense<0.000000e+00> : vector<32x256xf32>
    %dot_general3A_667 = tpu.matmul %get3A_386, %slice3A_665, %dot_general3A_666 {dimension_numbers = #tpu.dot_dimension_numbers<[1], [0], [0], [1], [0, 0, 1, 1], [], []>, transpose_lhs_hint = false} : vector<32x32xf32>, vector<32x256xf32>, vector<32x256xf32> -> vector<32x256xf32>
    %add3A_668 = arith.addf %dot_general3A_664, %dot_general3A_667 : vector<32x256xf32>
    %slice3A_669 = vector.extract_strided_slice %sub3A_397 {offsets = [768, 0], sizes = [32, 256], strides = [1, 1]} : vector<1024x256xf32> to vector<32x256xf32>
    %dot_general3A_670 = arith.constant dense<0.000000e+00> : vector<32x256xf32>
    %dot_general3A_671 = tpu.matmul %get3A_386, %slice3A_669, %dot_general3A_670 {dimension_numbers = #tpu.dot_dimension_numbers<[1], [0], [0], [1], [0, 0, 1, 1], [], []>, transpose_lhs_hint = false} : vector<32x32xf32>, vector<32x256xf32>, vector<32x256xf32> -> vector<32x256xf32>
    %add3A_672 = arith.addf %add3A_668, %dot_general3A_671 : vector<32x256xf32>
    %slice3A_673 = vector.extract_strided_slice %convert_element_type3A_393 {offsets = [800, 0], sizes = [32, 256], strides = [1, 1]} : vector<1024x256xf32> to vector<32x256xf32>
    %dot_general3A_674 = arith.constant dense<0.000000e+00> : vector<32x256xf32>
    %dot_general3A_675 = tpu.matmul %get3A_386, %slice3A_673, %dot_general3A_674 {dimension_numbers = #tpu.dot_dimension_numbers<[1], [0], [0], [1], [0, 0, 1, 1], [], []>, transpose_lhs_hint = false} : vector<32x32xf32>, vector<32x256xf32>, vector<32x256xf32> -> vector<32x256xf32>
    %slice3A_676 = vector.extract_strided_slice %convert_element_type3A_396 {offsets = [800, 0], sizes = [32, 256], strides = [1, 1]} : vector<1024x256xf32> to vector<32x256xf32>
    %dot_general3A_677 = arith.constant dense<0.000000e+00> : vector<32x256xf32>
    %dot_general3A_678 = tpu.matmul %get3A_386, %slice3A_676, %dot_general3A_677 {dimension_numbers = #tpu.dot_dimension_numbers<[1], [0], [0], [1], [0, 0, 1, 1], [], []>, transpose_lhs_hint = false} : vector<32x32xf32>, vector<32x256xf32>, vector<32x256xf32> -> vector<32x256xf32>
    %add3A_679 = arith.addf %dot_general3A_675, %dot_general3A_678 : vector<32x256xf32>
    %slice3A_680 = vector.extract_strided_slice %sub3A_397 {offsets = [800, 0], sizes = [32, 256], strides = [1, 1]} : vector<1024x256xf32> to vector<32x256xf32>
    %dot_general3A_681 = arith.constant dense<0.000000e+00> : vector<32x256xf32>
    %dot_general3A_682 = tpu.matmul %get3A_386, %slice3A_680, %dot_general3A_681 {dimension_numbers = #tpu.dot_dimension_numbers<[1], [0], [0], [1], [0, 0, 1, 1], [], []>, transpose_lhs_hint = false} : vector<32x32xf32>, vector<32x256xf32>, vector<32x256xf32> -> vector<32x256xf32>
    %add3A_683 = arith.addf %add3A_679, %dot_general3A_682 : vector<32x256xf32>
    %slice3A_684 = vector.extract_strided_slice %convert_element_type3A_393 {offsets = [832, 0], sizes = [32, 256], strides = [1, 1]} : vector<1024x256xf32> to vector<32x256xf32>
    %dot_general3A_685 = arith.constant dense<0.000000e+00> : vector<32x256xf32>
    %dot_general3A_686 = tpu.matmul %get3A_386, %slice3A_684, %dot_general3A_685 {dimension_numbers = #tpu.dot_dimension_numbers<[1], [0], [0], [1], [0, 0, 1, 1], [], []>, transpose_lhs_hint = false} : vector<32x32xf32>, vector<32x256xf32>, vector<32x256xf32> -> vector<32x256xf32>
    %slice3A_687 = vector.extract_strided_slice %convert_element_type3A_396 {offsets = [832, 0], sizes = [32, 256], strides = [1, 1]} : vector<1024x256xf32> to vector<32x256xf32>
    %dot_general3A_688 = arith.constant dense<0.000000e+00> : vector<32x256xf32>
    %dot_general3A_689 = tpu.matmul %get3A_386, %slice3A_687, %dot_general3A_688 {dimension_numbers = #tpu.dot_dimension_numbers<[1], [0], [0], [1], [0, 0, 1, 1], [], []>, transpose_lhs_hint = false} : vector<32x32xf32>, vector<32x256xf32>, vector<32x256xf32> -> vector<32x256xf32>
    %add3A_690 = arith.addf %dot_general3A_686, %dot_general3A_689 : vector<32x256xf32>
    %slice3A_691 = vector.extract_strided_slice %sub3A_397 {offsets = [832, 0], sizes = [32, 256], strides = [1, 1]} : vector<1024x256xf32> to vector<32x256xf32>
    %dot_general3A_692 = arith.constant dense<0.000000e+00> : vector<32x256xf32>
    %dot_general3A_693 = tpu.matmul %get3A_386, %slice3A_691, %dot_general3A_692 {dimension_numbers = #tpu.dot_dimension_numbers<[1], [0], [0], [1], [0, 0, 1, 1], [], []>, transpose_lhs_hint = false} : vector<32x32xf32>, vector<32x256xf32>, vector<32x256xf32> -> vector<32x256xf32>
    %add3A_694 = arith.addf %add3A_690, %dot_general3A_693 : vector<32x256xf32>
    %slice3A_695 = vector.extract_strided_slice %convert_element_type3A_393 {offsets = [864, 0], sizes = [32, 256], strides = [1, 1]} : vector<1024x256xf32> to vector<32x256xf32>
    %dot_general3A_696 = arith.constant dense<0.000000e+00> : vector<32x256xf32>
    %dot_general3A_697 = tpu.matmul %get3A_386, %slice3A_695, %dot_general3A_696 {dimension_numbers = #tpu.dot_dimension_numbers<[1], [0], [0], [1], [0, 0, 1, 1], [], []>, transpose_lhs_hint = false} : vector<32x32xf32>, vector<32x256xf32>, vector<32x256xf32> -> vector<32x256xf32>
    %slice3A_698 = vector.extract_strided_slice %convert_element_type3A_396 {offsets = [864, 0], sizes = [32, 256], strides = [1, 1]} : vector<1024x256xf32> to vector<32x256xf32>
    %dot_general3A_699 = arith.constant dense<0.000000e+00> : vector<32x256xf32>
    %dot_general3A_700 = tpu.matmul %get3A_386, %slice3A_698, %dot_general3A_699 {dimension_numbers = #tpu.dot_dimension_numbers<[1], [0], [0], [1], [0, 0, 1, 1], [], []>, transpose_lhs_hint = false} : vector<32x32xf32>, vector<32x256xf32>, vector<32x256xf32> -> vector<32x256xf32>
    %add3A_701 = arith.addf %dot_general3A_697, %dot_general3A_700 : vector<32x256xf32>
    %slice3A_702 = vector.extract_strided_slice %sub3A_397 {offsets = [864, 0], sizes = [32, 256], strides = [1, 1]} : vector<1024x256xf32> to vector<32x256xf32>
    %dot_general3A_703 = arith.constant dense<0.000000e+00> : vector<32x256xf32>
    %dot_general3A_704 = tpu.matmul %get3A_386, %slice3A_702, %dot_general3A_703 {dimension_numbers = #tpu.dot_dimension_numbers<[1], [0], [0], [1], [0, 0, 1, 1], [], []>, transpose_lhs_hint = false} : vector<32x32xf32>, vector<32x256xf32>, vector<32x256xf32> -> vector<32x256xf32>
    %add3A_705 = arith.addf %add3A_701, %dot_general3A_704 : vector<32x256xf32>
    %slice3A_706 = vector.extract_strided_slice %convert_element_type3A_393 {offsets = [896, 0], sizes = [32, 256], strides = [1, 1]} : vector<1024x256xf32> to vector<32x256xf32>
    %dot_general3A_707 = arith.constant dense<0.000000e+00> : vector<32x256xf32>
    %dot_general3A_708 = tpu.matmul %get3A_386, %slice3A_706, %dot_general3A_707 {dimension_numbers = #tpu.dot_dimension_numbers<[1], [0], [0], [1], [0, 0, 1, 1], [], []>, transpose_lhs_hint = false} : vector<32x32xf32>, vector<32x256xf32>, vector<32x256xf32> -> vector<32x256xf32>
    %slice3A_709 = vector.extract_strided_slice %convert_element_type3A_396 {offsets = [896, 0], sizes = [32, 256], strides = [1, 1]} : vector<1024x256xf32> to vector<32x256xf32>
    %dot_general3A_710 = arith.constant dense<0.000000e+00> : vector<32x256xf32>
    %dot_general3A_711 = tpu.matmul %get3A_386, %slice3A_709, %dot_general3A_710 {dimension_numbers = #tpu.dot_dimension_numbers<[1], [0], [0], [1], [0, 0, 1, 1], [], []>, transpose_lhs_hint = false} : vector<32x32xf32>, vector<32x256xf32>, vector<32x256xf32> -> vector<32x256xf32>
    %add3A_712 = arith.addf %dot_general3A_708, %dot_general3A_711 : vector<32x256xf32>
    %slice3A_713 = vector.extract_strided_slice %sub3A_397 {offsets = [896, 0], sizes = [32, 256], strides = [1, 1]} : vector<1024x256xf32> to vector<32x256xf32>
    %dot_general3A_714 = arith.constant dense<0.000000e+00> : vector<32x256xf32>
    %dot_general3A_715 = tpu.matmul %get3A_386, %slice3A_713, %dot_general3A_714 {dimension_numbers = #tpu.dot_dimension_numbers<[1], [0], [0], [1], [0, 0, 1, 1], [], []>, transpose_lhs_hint = false} : vector<32x32xf32>, vector<32x256xf32>, vector<32x256xf32> -> vector<32x256xf32>
    %add3A_716 = arith.addf %add3A_712, %dot_general3A_715 : vector<32x256xf32>
    %slice3A_717 = vector.extract_strided_slice %convert_element_type3A_393 {offsets = [928, 0], sizes = [32, 256], strides = [1, 1]} : vector<1024x256xf32> to vector<32x256xf32>
    %dot_general3A_718 = arith.constant dense<0.000000e+00> : vector<32x256xf32>
    %dot_general3A_719 = tpu.matmul %get3A_386, %slice3A_717, %dot_general3A_718 {dimension_numbers = #tpu.dot_dimension_numbers<[1], [0], [0], [1], [0, 0, 1, 1], [], []>, transpose_lhs_hint = false} : vector<32x32xf32>, vector<32x256xf32>, vector<32x256xf32> -> vector<32x256xf32>
    %slice3A_720 = vector.extract_strided_slice %convert_element_type3A_396 {offsets = [928, 0], sizes = [32, 256], strides = [1, 1]} : vector<1024x256xf32> to vector<32x256xf32>
    %dot_general3A_721 = arith.constant dense<0.000000e+00> : vector<32x256xf32>
    %dot_general3A_722 = tpu.matmul %get3A_386, %slice3A_720, %dot_general3A_721 {dimension_numbers = #tpu.dot_dimension_numbers<[1], [0], [0], [1], [0, 0, 1, 1], [], []>, transpose_lhs_hint = false} : vector<32x32xf32>, vector<32x256xf32>, vector<32x256xf32> -> vector<32x256xf32>
    %add3A_723 = arith.addf %dot_general3A_719, %dot_general3A_722 : vector<32x256xf32>
    %slice3A_724 = vector.extract_strided_slice %sub3A_397 {offsets = [928, 0], sizes = [32, 256], strides = [1, 1]} : vector<1024x256xf32> to vector<32x256xf32>
    %dot_general3A_725 = arith.constant dense<0.000000e+00> : vector<32x256xf32>
    %dot_general3A_726 = tpu.matmul %get3A_386, %slice3A_724, %dot_general3A_725 {dimension_numbers = #tpu.dot_dimension_numbers<[1], [0], [0], [1], [0, 0, 1, 1], [], []>, transpose_lhs_hint = false} : vector<32x32xf32>, vector<32x256xf32>, vector<32x256xf32> -> vector<32x256xf32>
    %add3A_727 = arith.addf %add3A_723, %dot_general3A_726 : vector<32x256xf32>
    %slice3A_728 = vector.extract_strided_slice %convert_element_type3A_393 {offsets = [960, 0], sizes = [32, 256], strides = [1, 1]} : vector<1024x256xf32> to vector<32x256xf32>
    %dot_general3A_729 = arith.constant dense<0.000000e+00> : vector<32x256xf32>
    %dot_general3A_730 = tpu.matmul %get3A_386, %slice3A_728, %dot_general3A_729 {dimension_numbers = #tpu.dot_dimension_numbers<[1], [0], [0], [1], [0, 0, 1, 1], [], []>, transpose_lhs_hint = false} : vector<32x32xf32>, vector<32x256xf32>, vector<32x256xf32> -> vector<32x256xf32>
    %slice3A_731 = vector.extract_strided_slice %convert_element_type3A_396 {offsets = [960, 0], sizes = [32, 256], strides = [1, 1]} : vector<1024x256xf32> to vector<32x256xf32>
    %dot_general3A_732 = arith.constant dense<0.000000e+00> : vector<32x256xf32>
    %dot_general3A_733 = tpu.matmul %get3A_386, %slice3A_731, %dot_general3A_732 {dimension_numbers = #tpu.dot_dimension_numbers<[1], [0], [0], [1], [0, 0, 1, 1], [], []>, transpose_lhs_hint = false} : vector<32x32xf32>, vector<32x256xf32>, vector<32x256xf32> -> vector<32x256xf32>
    %add3A_734 = arith.addf %dot_general3A_730, %dot_general3A_733 : vector<32x256xf32>
    %slice3A_735 = vector.extract_strided_slice %sub3A_397 {offsets = [960, 0], sizes = [32, 256], strides = [1, 1]} : vector<1024x256xf32> to vector<32x256xf32>
    %dot_general3A_736 = arith.constant dense<0.000000e+00> : vector<32x256xf32>
    %dot_general3A_737 = tpu.matmul %get3A_386, %slice3A_735, %dot_general3A_736 {dimension_numbers = #tpu.dot_dimension_numbers<[1], [0], [0], [1], [0, 0, 1, 1], [], []>, transpose_lhs_hint = false} : vector<32x32xf32>, vector<32x256xf32>, vector<32x256xf32> -> vector<32x256xf32>
    %add3A_738 = arith.addf %add3A_734, %dot_general3A_737 : vector<32x256xf32>
    %slice3A_739 = vector.extract_strided_slice %convert_element_type3A_393 {offsets = [992, 0], sizes = [32, 256], strides = [1, 1]} : vector<1024x256xf32> to vector<32x256xf32>
    %dot_general3A_740 = arith.constant dense<0.000000e+00> : vector<32x256xf32>
    %dot_general3A_741 = tpu.matmul %get3A_386, %slice3A_739, %dot_general3A_740 {dimension_numbers = #tpu.dot_dimension_numbers<[1], [0], [0], [1], [0, 0, 1, 1], [], []>, transpose_lhs_hint = false} : vector<32x32xf32>, vector<32x256xf32>, vector<32x256xf32> -> vector<32x256xf32>
    %slice3A_742 = vector.extract_strided_slice %convert_element_type3A_396 {offsets = [992, 0], sizes = [32, 256], strides = [1, 1]} : vector<1024x256xf32> to vector<32x256xf32>
    %dot_general3A_743 = arith.constant dense<0.000000e+00> : vector<32x256xf32>
    %dot_general3A_744 = tpu.matmul %get3A_386, %slice3A_742, %dot_general3A_743 {dimension_numbers = #tpu.dot_dimension_numbers<[1], [0], [0], [1], [0, 0, 1, 1], [], []>, transpose_lhs_hint = false} : vector<32x32xf32>, vector<32x256xf32>, vector<32x256xf32> -> vector<32x256xf32>
    %add3A_745 = arith.addf %dot_general3A_741, %dot_general3A_744 : vector<32x256xf32>
    %slice3A_746 = vector.extract_strided_slice %sub3A_397 {offsets = [992, 0], sizes = [32, 256], strides = [1, 1]} : vector<1024x256xf32> to vector<32x256xf32>
    %dot_general3A_747 = arith.constant dense<0.000000e+00> : vector<32x256xf32>
    %dot_general3A_748 = tpu.matmul %get3A_386, %slice3A_746, %dot_general3A_747 {dimension_numbers = #tpu.dot_dimension_numbers<[1], [0], [0], [1], [0, 0, 1, 1], [], []>, transpose_lhs_hint = false} : vector<32x32xf32>, vector<32x256xf32>, vector<32x256xf32> -> vector<32x256xf32>
    %add3A_749 = arith.addf %add3A_745, %dot_general3A_748 : vector<32x256xf32>
    %concatenate3A_750 = tpu.concatenate %add3A_408, %add3A_419, %add3A_430, %add3A_441, %add3A_452, %add3A_463, %add3A_474, %add3A_485, %add3A_496, %add3A_507, %add3A_518, %add3A_529, %add3A_540, %add3A_551, %add3A_562, %add3A_573, %add3A_584, %add3A_595, %add3A_606, %add3A_617, %add3A_628, %add3A_639, %add3A_650, %add3A_661, %add3A_672, %add3A_683, %add3A_694, %add3A_705, %add3A_716, %add3A_727, %add3A_738, %add3A_749 in 0 : vector<32x256xf32>, vector<32x256xf32>, vector<32x256xf32>, vector<32x256xf32>, vector<32x256xf32>, vector<32x256xf32>, vector<32x256xf32>, vector<32x256xf32>, vector<32x256xf32>, vector<32x256xf32>, vector<32x256xf32>, vector<32x256xf32>, vector<32x256xf32>, vector<32x256xf32>, vector<32x256xf32>, vector<32x256xf32>, vector<32x256xf32>, vector<32x256xf32>, vector<32x256xf32>, vector<32x256xf32>, vector<32x256xf32>, vector<32x256xf32>, vector<32x256xf32>, vector<32x256xf32>, vector<32x256xf32>, vector<32x256xf32>, vector<32x256xf32>, vector<32x256xf32>, vector<32x256xf32>, vector<32x256xf32>, vector<32x256xf32>, vector<32x256xf32> -> vector<1024x256xf32>
    %get3A_751 = arith.constant 0 : index
    %get3A_752 = arith.constant 0 : index
    %get3A_753 = vector.load %arg9[%get3A_751, %get3A_752] : memref<1x256xf32, #tpu.memory_space<vmem>>, vector<1x256xf32>
    %add3A_754 = vector.broadcast %get3A_753 : vector<1x256xf32> to vector<1024x256xf32>
    %add3A_755 = arith.addf %concatenate3A_750, %add3A_754 : vector<1024x256xf32>
    %max3A_756 = arith.constant 0.000000e+00 : f32
    %max3A_757 = vector.broadcast %max3A_756 : f32 to vector<1024x256xf32>
    %max3A_758 = arith.maximumf %add3A_755, %max3A_757 : vector<1024x256xf32>
    %get3A_759 = arith.constant 0 : index
    %get3A_760 = arith.constant 0 : index
    %get3A_761 = vector.load %arg4[%get3A_759, %get3A_760] : memref<32x32xf32, #tpu.memory_space<vmem>>, vector<32x32xf32>
    %get3A_762 = arith.constant 0 : index
    %get3A_763 = arith.constant 0 : index
    %get3A_764 = vector.load %arg10[%get3A_762, %get3A_763] : memref<256x128xf32, #tpu.memory_space<vmem>>, vector<256x128xf32>
    %dot_general3A_765 = arith.constant dense<0.000000e+00> : vector<1024x128xf32>
    %dot_general3A_766 = tpu.matmul %max3A_758, %get3A_764, %dot_general3A_765 {dimension_numbers = #tpu.dot_dimension_numbers<[1], [0], [0], [1], [0, 0, 1, 1], [], []>, transpose_lhs_hint = false} : vector<1024x256xf32>, vector<256x128xf32>, vector<1024x128xf32> -> vector<1024x128xf32>
    %convert_element_type3A_767 = arith.truncf %dot_general3A_766 : vector<1024x128xf32> to vector<1024x128xbf16>
    %convert_element_type3A_768 = arith.extf %convert_element_type3A_767 : vector<1024x128xbf16> to vector<1024x128xf32>
    %sub3A_769 = arith.subf %dot_general3A_766, %convert_element_type3A_768 : vector<1024x128xf32>
    %convert_element_type3A_770 = arith.truncf %sub3A_769 : vector<1024x128xf32> to vector<1024x128xbf16>
    %convert_element_type3A_771 = arith.extf %convert_element_type3A_770 : vector<1024x128xbf16> to vector<1024x128xf32>
    %sub3A_772 = arith.subf %sub3A_769, %convert_element_type3A_771 : vector<1024x128xf32>
    %slice3A_773 = vector.extract_strided_slice %convert_element_type3A_768 {offsets = [0, 0], sizes = [32, 128], strides = [1, 1]} : vector<1024x128xf32> to vector<32x128xf32>
    %dot_general3A_774 = arith.constant dense<0.000000e+00> : vector<32x128xf32>
    %dot_general3A_775 = tpu.matmul %get3A_761, %slice3A_773, %dot_general3A_774 {dimension_numbers = #tpu.dot_dimension_numbers<[1], [0], [0], [1], [0, 0, 1, 1], [], []>, transpose_lhs_hint = false} : vector<32x32xf32>, vector<32x128xf32>, vector<32x128xf32> -> vector<32x128xf32>
    %slice3A_776 = vector.extract_strided_slice %convert_element_type3A_771 {offsets = [0, 0], sizes = [32, 128], strides = [1, 1]} : vector<1024x128xf32> to vector<32x128xf32>
    %dot_general3A_777 = arith.constant dense<0.000000e+00> : vector<32x128xf32>
    %dot_general3A_778 = tpu.matmul %get3A_761, %slice3A_776, %dot_general3A_777 {dimension_numbers = #tpu.dot_dimension_numbers<[1], [0], [0], [1], [0, 0, 1, 1], [], []>, transpose_lhs_hint = false} : vector<32x32xf32>, vector<32x128xf32>, vector<32x128xf32> -> vector<32x128xf32>
    %add3A_779 = arith.addf %dot_general3A_775, %dot_general3A_778 : vector<32x128xf32>
    %slice3A_780 = vector.extract_strided_slice %sub3A_772 {offsets = [0, 0], sizes = [32, 128], strides = [1, 1]} : vector<1024x128xf32> to vector<32x128xf32>
    %dot_general3A_781 = arith.constant dense<0.000000e+00> : vector<32x128xf32>
    %dot_general3A_782 = tpu.matmul %get3A_761, %slice3A_780, %dot_general3A_781 {dimension_numbers = #tpu.dot_dimension_numbers<[1], [0], [0], [1], [0, 0, 1, 1], [], []>, transpose_lhs_hint = false} : vector<32x32xf32>, vector<32x128xf32>, vector<32x128xf32> -> vector<32x128xf32>
    %add3A_783 = arith.addf %add3A_779, %dot_general3A_782 : vector<32x128xf32>
    %slice3A_784 = vector.extract_strided_slice %convert_element_type3A_768 {offsets = [32, 0], sizes = [32, 128], strides = [1, 1]} : vector<1024x128xf32> to vector<32x128xf32>
    %dot_general3A_785 = arith.constant dense<0.000000e+00> : vector<32x128xf32>
    %dot_general3A_786 = tpu.matmul %get3A_761, %slice3A_784, %dot_general3A_785 {dimension_numbers = #tpu.dot_dimension_numbers<[1], [0], [0], [1], [0, 0, 1, 1], [], []>, transpose_lhs_hint = false} : vector<32x32xf32>, vector<32x128xf32>, vector<32x128xf32> -> vector<32x128xf32>
    %slice3A_787 = vector.extract_strided_slice %convert_element_type3A_771 {offsets = [32, 0], sizes = [32, 128], strides = [1, 1]} : vector<1024x128xf32> to vector<32x128xf32>
    %dot_general3A_788 = arith.constant dense<0.000000e+00> : vector<32x128xf32>
    %dot_general3A_789 = tpu.matmul %get3A_761, %slice3A_787, %dot_general3A_788 {dimension_numbers = #tpu.dot_dimension_numbers<[1], [0], [0], [1], [0, 0, 1, 1], [], []>, transpose_lhs_hint = false} : vector<32x32xf32>, vector<32x128xf32>, vector<32x128xf32> -> vector<32x128xf32>
    %add3A_790 = arith.addf %dot_general3A_786, %dot_general3A_789 : vector<32x128xf32>
    %slice3A_791 = vector.extract_strided_slice %sub3A_772 {offsets = [32, 0], sizes = [32, 128], strides = [1, 1]} : vector<1024x128xf32> to vector<32x128xf32>
    %dot_general3A_792 = arith.constant dense<0.000000e+00> : vector<32x128xf32>
    %dot_general3A_793 = tpu.matmul %get3A_761, %slice3A_791, %dot_general3A_792 {dimension_numbers = #tpu.dot_dimension_numbers<[1], [0], [0], [1], [0, 0, 1, 1], [], []>, transpose_lhs_hint = false} : vector<32x32xf32>, vector<32x128xf32>, vector<32x128xf32> -> vector<32x128xf32>
    %add3A_794 = arith.addf %add3A_790, %dot_general3A_793 : vector<32x128xf32>
    %slice3A_795 = vector.extract_strided_slice %convert_element_type3A_768 {offsets = [64, 0], sizes = [32, 128], strides = [1, 1]} : vector<1024x128xf32> to vector<32x128xf32>
    %dot_general3A_796 = arith.constant dense<0.000000e+00> : vector<32x128xf32>
    %dot_general3A_797 = tpu.matmul %get3A_761, %slice3A_795, %dot_general3A_796 {dimension_numbers = #tpu.dot_dimension_numbers<[1], [0], [0], [1], [0, 0, 1, 1], [], []>, transpose_lhs_hint = false} : vector<32x32xf32>, vector<32x128xf32>, vector<32x128xf32> -> vector<32x128xf32>
    %slice3A_798 = vector.extract_strided_slice %convert_element_type3A_771 {offsets = [64, 0], sizes = [32, 128], strides = [1, 1]} : vector<1024x128xf32> to vector<32x128xf32>
    %dot_general3A_799 = arith.constant dense<0.000000e+00> : vector<32x128xf32>
    %dot_general3A_800 = tpu.matmul %get3A_761, %slice3A_798, %dot_general3A_799 {dimension_numbers = #tpu.dot_dimension_numbers<[1], [0], [0], [1], [0, 0, 1, 1], [], []>, transpose_lhs_hint = false} : vector<32x32xf32>, vector<32x128xf32>, vector<32x128xf32> -> vector<32x128xf32>
    %add3A_801 = arith.addf %dot_general3A_797, %dot_general3A_800 : vector<32x128xf32>
    %slice3A_802 = vector.extract_strided_slice %sub3A_772 {offsets = [64, 0], sizes = [32, 128], strides = [1, 1]} : vector<1024x128xf32> to vector<32x128xf32>
    %dot_general3A_803 = arith.constant dense<0.000000e+00> : vector<32x128xf32>
    %dot_general3A_804 = tpu.matmul %get3A_761, %slice3A_802, %dot_general3A_803 {dimension_numbers = #tpu.dot_dimension_numbers<[1], [0], [0], [1], [0, 0, 1, 1], [], []>, transpose_lhs_hint = false} : vector<32x32xf32>, vector<32x128xf32>, vector<32x128xf32> -> vector<32x128xf32>
    %add3A_805 = arith.addf %add3A_801, %dot_general3A_804 : vector<32x128xf32>
    %slice3A_806 = vector.extract_strided_slice %convert_element_type3A_768 {offsets = [96, 0], sizes = [32, 128], strides = [1, 1]} : vector<1024x128xf32> to vector<32x128xf32>
    %dot_general3A_807 = arith.constant dense<0.000000e+00> : vector<32x128xf32>
    %dot_general3A_808 = tpu.matmul %get3A_761, %slice3A_806, %dot_general3A_807 {dimension_numbers = #tpu.dot_dimension_numbers<[1], [0], [0], [1], [0, 0, 1, 1], [], []>, transpose_lhs_hint = false} : vector<32x32xf32>, vector<32x128xf32>, vector<32x128xf32> -> vector<32x128xf32>
    %slice3A_809 = vector.extract_strided_slice %convert_element_type3A_771 {offsets = [96, 0], sizes = [32, 128], strides = [1, 1]} : vector<1024x128xf32> to vector<32x128xf32>
    %dot_general3A_810 = arith.constant dense<0.000000e+00> : vector<32x128xf32>
    %dot_general3A_811 = tpu.matmul %get3A_761, %slice3A_809, %dot_general3A_810 {dimension_numbers = #tpu.dot_dimension_numbers<[1], [0], [0], [1], [0, 0, 1, 1], [], []>, transpose_lhs_hint = false} : vector<32x32xf32>, vector<32x128xf32>, vector<32x128xf32> -> vector<32x128xf32>
    %add3A_812 = arith.addf %dot_general3A_808, %dot_general3A_811 : vector<32x128xf32>
    %slice3A_813 = vector.extract_strided_slice %sub3A_772 {offsets = [96, 0], sizes = [32, 128], strides = [1, 1]} : vector<1024x128xf32> to vector<32x128xf32>
    %dot_general3A_814 = arith.constant dense<0.000000e+00> : vector<32x128xf32>
    %dot_general3A_815 = tpu.matmul %get3A_761, %slice3A_813, %dot_general3A_814 {dimension_numbers = #tpu.dot_dimension_numbers<[1], [0], [0], [1], [0, 0, 1, 1], [], []>, transpose_lhs_hint = false} : vector<32x32xf32>, vector<32x128xf32>, vector<32x128xf32> -> vector<32x128xf32>
    %add3A_816 = arith.addf %add3A_812, %dot_general3A_815 : vector<32x128xf32>
    %slice3A_817 = vector.extract_strided_slice %convert_element_type3A_768 {offsets = [128, 0], sizes = [32, 128], strides = [1, 1]} : vector<1024x128xf32> to vector<32x128xf32>
    %dot_general3A_818 = arith.constant dense<0.000000e+00> : vector<32x128xf32>
    %dot_general3A_819 = tpu.matmul %get3A_761, %slice3A_817, %dot_general3A_818 {dimension_numbers = #tpu.dot_dimension_numbers<[1], [0], [0], [1], [0, 0, 1, 1], [], []>, transpose_lhs_hint = false} : vector<32x32xf32>, vector<32x128xf32>, vector<32x128xf32> -> vector<32x128xf32>
    %slice3A_820 = vector.extract_strided_slice %convert_element_type3A_771 {offsets = [128, 0], sizes = [32, 128], strides = [1, 1]} : vector<1024x128xf32> to vector<32x128xf32>
    %dot_general3A_821 = arith.constant dense<0.000000e+00> : vector<32x128xf32>
    %dot_general3A_822 = tpu.matmul %get3A_761, %slice3A_820, %dot_general3A_821 {dimension_numbers = #tpu.dot_dimension_numbers<[1], [0], [0], [1], [0, 0, 1, 1], [], []>, transpose_lhs_hint = false} : vector<32x32xf32>, vector<32x128xf32>, vector<32x128xf32> -> vector<32x128xf32>
    %add3A_823 = arith.addf %dot_general3A_819, %dot_general3A_822 : vector<32x128xf32>
    %slice3A_824 = vector.extract_strided_slice %sub3A_772 {offsets = [128, 0], sizes = [32, 128], strides = [1, 1]} : vector<1024x128xf32> to vector<32x128xf32>
    %dot_general3A_825 = arith.constant dense<0.000000e+00> : vector<32x128xf32>
    %dot_general3A_826 = tpu.matmul %get3A_761, %slice3A_824, %dot_general3A_825 {dimension_numbers = #tpu.dot_dimension_numbers<[1], [0], [0], [1], [0, 0, 1, 1], [], []>, transpose_lhs_hint = false} : vector<32x32xf32>, vector<32x128xf32>, vector<32x128xf32> -> vector<32x128xf32>
    %add3A_827 = arith.addf %add3A_823, %dot_general3A_826 : vector<32x128xf32>
    %slice3A_828 = vector.extract_strided_slice %convert_element_type3A_768 {offsets = [160, 0], sizes = [32, 128], strides = [1, 1]} : vector<1024x128xf32> to vector<32x128xf32>
    %dot_general3A_829 = arith.constant dense<0.000000e+00> : vector<32x128xf32>
    %dot_general3A_830 = tpu.matmul %get3A_761, %slice3A_828, %dot_general3A_829 {dimension_numbers = #tpu.dot_dimension_numbers<[1], [0], [0], [1], [0, 0, 1, 1], [], []>, transpose_lhs_hint = false} : vector<32x32xf32>, vector<32x128xf32>, vector<32x128xf32> -> vector<32x128xf32>
    %slice3A_831 = vector.extract_strided_slice %convert_element_type3A_771 {offsets = [160, 0], sizes = [32, 128], strides = [1, 1]} : vector<1024x128xf32> to vector<32x128xf32>
    %dot_general3A_832 = arith.constant dense<0.000000e+00> : vector<32x128xf32>
    %dot_general3A_833 = tpu.matmul %get3A_761, %slice3A_831, %dot_general3A_832 {dimension_numbers = #tpu.dot_dimension_numbers<[1], [0], [0], [1], [0, 0, 1, 1], [], []>, transpose_lhs_hint = false} : vector<32x32xf32>, vector<32x128xf32>, vector<32x128xf32> -> vector<32x128xf32>
    %add3A_834 = arith.addf %dot_general3A_830, %dot_general3A_833 : vector<32x128xf32>
    %slice3A_835 = vector.extract_strided_slice %sub3A_772 {offsets = [160, 0], sizes = [32, 128], strides = [1, 1]} : vector<1024x128xf32> to vector<32x128xf32>
    %dot_general3A_836 = arith.constant dense<0.000000e+00> : vector<32x128xf32>
    %dot_general3A_837 = tpu.matmul %get3A_761, %slice3A_835, %dot_general3A_836 {dimension_numbers = #tpu.dot_dimension_numbers<[1], [0], [0], [1], [0, 0, 1, 1], [], []>, transpose_lhs_hint = false} : vector<32x32xf32>, vector<32x128xf32>, vector<32x128xf32> -> vector<32x128xf32>
    %add3A_838 = arith.addf %add3A_834, %dot_general3A_837 : vector<32x128xf32>
    %slice3A_839 = vector.extract_strided_slice %convert_element_type3A_768 {offsets = [192, 0], sizes = [32, 128], strides = [1, 1]} : vector<1024x128xf32> to vector<32x128xf32>
    %dot_general3A_840 = arith.constant dense<0.000000e+00> : vector<32x128xf32>
    %dot_general3A_841 = tpu.matmul %get3A_761, %slice3A_839, %dot_general3A_840 {dimension_numbers = #tpu.dot_dimension_numbers<[1], [0], [0], [1], [0, 0, 1, 1], [], []>, transpose_lhs_hint = false} : vector<32x32xf32>, vector<32x128xf32>, vector<32x128xf32> -> vector<32x128xf32>
    %slice3A_842 = vector.extract_strided_slice %convert_element_type3A_771 {offsets = [192, 0], sizes = [32, 128], strides = [1, 1]} : vector<1024x128xf32> to vector<32x128xf32>
    %dot_general3A_843 = arith.constant dense<0.000000e+00> : vector<32x128xf32>
    %dot_general3A_844 = tpu.matmul %get3A_761, %slice3A_842, %dot_general3A_843 {dimension_numbers = #tpu.dot_dimension_numbers<[1], [0], [0], [1], [0, 0, 1, 1], [], []>, transpose_lhs_hint = false} : vector<32x32xf32>, vector<32x128xf32>, vector<32x128xf32> -> vector<32x128xf32>
    %add3A_845 = arith.addf %dot_general3A_841, %dot_general3A_844 : vector<32x128xf32>
    %slice3A_846 = vector.extract_strided_slice %sub3A_772 {offsets = [192, 0], sizes = [32, 128], strides = [1, 1]} : vector<1024x128xf32> to vector<32x128xf32>
    %dot_general3A_847 = arith.constant dense<0.000000e+00> : vector<32x128xf32>
    %dot_general3A_848 = tpu.matmul %get3A_761, %slice3A_846, %dot_general3A_847 {dimension_numbers = #tpu.dot_dimension_numbers<[1], [0], [0], [1], [0, 0, 1, 1], [], []>, transpose_lhs_hint = false} : vector<32x32xf32>, vector<32x128xf32>, vector<32x128xf32> -> vector<32x128xf32>
    %add3A_849 = arith.addf %add3A_845, %dot_general3A_848 : vector<32x128xf32>
    %slice3A_850 = vector.extract_strided_slice %convert_element_type3A_768 {offsets = [224, 0], sizes = [32, 128], strides = [1, 1]} : vector<1024x128xf32> to vector<32x128xf32>
    %dot_general3A_851 = arith.constant dense<0.000000e+00> : vector<32x128xf32>
    %dot_general3A_852 = tpu.matmul %get3A_761, %slice3A_850, %dot_general3A_851 {dimension_numbers = #tpu.dot_dimension_numbers<[1], [0], [0], [1], [0, 0, 1, 1], [], []>, transpose_lhs_hint = false} : vector<32x32xf32>, vector<32x128xf32>, vector<32x128xf32> -> vector<32x128xf32>
    %slice3A_853 = vector.extract_strided_slice %convert_element_type3A_771 {offsets = [224, 0], sizes = [32, 128], strides = [1, 1]} : vector<1024x128xf32> to vector<32x128xf32>
    %dot_general3A_854 = arith.constant dense<0.000000e+00> : vector<32x128xf32>
    %dot_general3A_855 = tpu.matmul %get3A_761, %slice3A_853, %dot_general3A_854 {dimension_numbers = #tpu.dot_dimension_numbers<[1], [0], [0], [1], [0, 0, 1, 1], [], []>, transpose_lhs_hint = false} : vector<32x32xf32>, vector<32x128xf32>, vector<32x128xf32> -> vector<32x128xf32>
    %add3A_856 = arith.addf %dot_general3A_852, %dot_general3A_855 : vector<32x128xf32>
    %slice3A_857 = vector.extract_strided_slice %sub3A_772 {offsets = [224, 0], sizes = [32, 128], strides = [1, 1]} : vector<1024x128xf32> to vector<32x128xf32>
    %dot_general3A_858 = arith.constant dense<0.000000e+00> : vector<32x128xf32>
    %dot_general3A_859 = tpu.matmul %get3A_761, %slice3A_857, %dot_general3A_858 {dimension_numbers = #tpu.dot_dimension_numbers<[1], [0], [0], [1], [0, 0, 1, 1], [], []>, transpose_lhs_hint = false} : vector<32x32xf32>, vector<32x128xf32>, vector<32x128xf32> -> vector<32x128xf32>
    %add3A_860 = arith.addf %add3A_856, %dot_general3A_859 : vector<32x128xf32>
    %slice3A_861 = vector.extract_strided_slice %convert_element_type3A_768 {offsets = [256, 0], sizes = [32, 128], strides = [1, 1]} : vector<1024x128xf32> to vector<32x128xf32>
    %dot_general3A_862 = arith.constant dense<0.000000e+00> : vector<32x128xf32>
    %dot_general3A_863 = tpu.matmul %get3A_761, %slice3A_861, %dot_general3A_862 {dimension_numbers = #tpu.dot_dimension_numbers<[1], [0], [0], [1], [0, 0, 1, 1], [], []>, transpose_lhs_hint = false} : vector<32x32xf32>, vector<32x128xf32>, vector<32x128xf32> -> vector<32x128xf32>
    %slice3A_864 = vector.extract_strided_slice %convert_element_type3A_771 {offsets = [256, 0], sizes = [32, 128], strides = [1, 1]} : vector<1024x128xf32> to vector<32x128xf32>
    %dot_general3A_865 = arith.constant dense<0.000000e+00> : vector<32x128xf32>
    %dot_general3A_866 = tpu.matmul %get3A_761, %slice3A_864, %dot_general3A_865 {dimension_numbers = #tpu.dot_dimension_numbers<[1], [0], [0], [1], [0, 0, 1, 1], [], []>, transpose_lhs_hint = false} : vector<32x32xf32>, vector<32x128xf32>, vector<32x128xf32> -> vector<32x128xf32>
    %add3A_867 = arith.addf %dot_general3A_863, %dot_general3A_866 : vector<32x128xf32>
    %slice3A_868 = vector.extract_strided_slice %sub3A_772 {offsets = [256, 0], sizes = [32, 128], strides = [1, 1]} : vector<1024x128xf32> to vector<32x128xf32>
    %dot_general3A_869 = arith.constant dense<0.000000e+00> : vector<32x128xf32>
    %dot_general3A_870 = tpu.matmul %get3A_761, %slice3A_868, %dot_general3A_869 {dimension_numbers = #tpu.dot_dimension_numbers<[1], [0], [0], [1], [0, 0, 1, 1], [], []>, transpose_lhs_hint = false} : vector<32x32xf32>, vector<32x128xf32>, vector<32x128xf32> -> vector<32x128xf32>
    %add3A_871 = arith.addf %add3A_867, %dot_general3A_870 : vector<32x128xf32>
    %slice3A_872 = vector.extract_strided_slice %convert_element_type3A_768 {offsets = [288, 0], sizes = [32, 128], strides = [1, 1]} : vector<1024x128xf32> to vector<32x128xf32>
    %dot_general3A_873 = arith.constant dense<0.000000e+00> : vector<32x128xf32>
    %dot_general3A_874 = tpu.matmul %get3A_761, %slice3A_872, %dot_general3A_873 {dimension_numbers = #tpu.dot_dimension_numbers<[1], [0], [0], [1], [0, 0, 1, 1], [], []>, transpose_lhs_hint = false} : vector<32x32xf32>, vector<32x128xf32>, vector<32x128xf32> -> vector<32x128xf32>
    %slice3A_875 = vector.extract_strided_slice %convert_element_type3A_771 {offsets = [288, 0], sizes = [32, 128], strides = [1, 1]} : vector<1024x128xf32> to vector<32x128xf32>
    %dot_general3A_876 = arith.constant dense<0.000000e+00> : vector<32x128xf32>
    %dot_general3A_877 = tpu.matmul %get3A_761, %slice3A_875, %dot_general3A_876 {dimension_numbers = #tpu.dot_dimension_numbers<[1], [0], [0], [1], [0, 0, 1, 1], [], []>, transpose_lhs_hint = false} : vector<32x32xf32>, vector<32x128xf32>, vector<32x128xf32> -> vector<32x128xf32>
    %add3A_878 = arith.addf %dot_general3A_874, %dot_general3A_877 : vector<32x128xf32>
    %slice3A_879 = vector.extract_strided_slice %sub3A_772 {offsets = [288, 0], sizes = [32, 128], strides = [1, 1]} : vector<1024x128xf32> to vector<32x128xf32>
    %dot_general3A_880 = arith.constant dense<0.000000e+00> : vector<32x128xf32>
    %dot_general3A_881 = tpu.matmul %get3A_761, %slice3A_879, %dot_general3A_880 {dimension_numbers = #tpu.dot_dimension_numbers<[1], [0], [0], [1], [0, 0, 1, 1], [], []>, transpose_lhs_hint = false} : vector<32x32xf32>, vector<32x128xf32>, vector<32x128xf32> -> vector<32x128xf32>
    %add3A_882 = arith.addf %add3A_878, %dot_general3A_881 : vector<32x128xf32>
    %slice3A_883 = vector.extract_strided_slice %convert_element_type3A_768 {offsets = [320, 0], sizes = [32, 128], strides = [1, 1]} : vector<1024x128xf32> to vector<32x128xf32>
    %dot_general3A_884 = arith.constant dense<0.000000e+00> : vector<32x128xf32>
    %dot_general3A_885 = tpu.matmul %get3A_761, %slice3A_883, %dot_general3A_884 {dimension_numbers = #tpu.dot_dimension_numbers<[1], [0], [0], [1], [0, 0, 1, 1], [], []>, transpose_lhs_hint = false} : vector<32x32xf32>, vector<32x128xf32>, vector<32x128xf32> -> vector<32x128xf32>
    %slice3A_886 = vector.extract_strided_slice %convert_element_type3A_771 {offsets = [320, 0], sizes = [32, 128], strides = [1, 1]} : vector<1024x128xf32> to vector<32x128xf32>
    %dot_general3A_887 = arith.constant dense<0.000000e+00> : vector<32x128xf32>
    %dot_general3A_888 = tpu.matmul %get3A_761, %slice3A_886, %dot_general3A_887 {dimension_numbers = #tpu.dot_dimension_numbers<[1], [0], [0], [1], [0, 0, 1, 1], [], []>, transpose_lhs_hint = false} : vector<32x32xf32>, vector<32x128xf32>, vector<32x128xf32> -> vector<32x128xf32>
    %add3A_889 = arith.addf %dot_general3A_885, %dot_general3A_888 : vector<32x128xf32>
    %slice3A_890 = vector.extract_strided_slice %sub3A_772 {offsets = [320, 0], sizes = [32, 128], strides = [1, 1]} : vector<1024x128xf32> to vector<32x128xf32>
    %dot_general3A_891 = arith.constant dense<0.000000e+00> : vector<32x128xf32>
    %dot_general3A_892 = tpu.matmul %get3A_761, %slice3A_890, %dot_general3A_891 {dimension_numbers = #tpu.dot_dimension_numbers<[1], [0], [0], [1], [0, 0, 1, 1], [], []>, transpose_lhs_hint = false} : vector<32x32xf32>, vector<32x128xf32>, vector<32x128xf32> -> vector<32x128xf32>
    %add3A_893 = arith.addf %add3A_889, %dot_general3A_892 : vector<32x128xf32>
    %slice3A_894 = vector.extract_strided_slice %convert_element_type3A_768 {offsets = [352, 0], sizes = [32, 128], strides = [1, 1]} : vector<1024x128xf32> to vector<32x128xf32>
    %dot_general3A_895 = arith.constant dense<0.000000e+00> : vector<32x128xf32>
    %dot_general3A_896 = tpu.matmul %get3A_761, %slice3A_894, %dot_general3A_895 {dimension_numbers = #tpu.dot_dimension_numbers<[1], [0], [0], [1], [0, 0, 1, 1], [], []>, transpose_lhs_hint = false} : vector<32x32xf32>, vector<32x128xf32>, vector<32x128xf32> -> vector<32x128xf32>
    %slice3A_897 = vector.extract_strided_slice %convert_element_type3A_771 {offsets = [352, 0], sizes = [32, 128], strides = [1, 1]} : vector<1024x128xf32> to vector<32x128xf32>
    %dot_general3A_898 = arith.constant dense<0.000000e+00> : vector<32x128xf32>
    %dot_general3A_899 = tpu.matmul %get3A_761, %slice3A_897, %dot_general3A_898 {dimension_numbers = #tpu.dot_dimension_numbers<[1], [0], [0], [1], [0, 0, 1, 1], [], []>, transpose_lhs_hint = false} : vector<32x32xf32>, vector<32x128xf32>, vector<32x128xf32> -> vector<32x128xf32>
    %add3A_900 = arith.addf %dot_general3A_896, %dot_general3A_899 : vector<32x128xf32>
    %slice3A_901 = vector.extract_strided_slice %sub3A_772 {offsets = [352, 0], sizes = [32, 128], strides = [1, 1]} : vector<1024x128xf32> to vector<32x128xf32>
    %dot_general3A_902 = arith.constant dense<0.000000e+00> : vector<32x128xf32>
    %dot_general3A_903 = tpu.matmul %get3A_761, %slice3A_901, %dot_general3A_902 {dimension_numbers = #tpu.dot_dimension_numbers<[1], [0], [0], [1], [0, 0, 1, 1], [], []>, transpose_lhs_hint = false} : vector<32x32xf32>, vector<32x128xf32>, vector<32x128xf32> -> vector<32x128xf32>
    %add3A_904 = arith.addf %add3A_900, %dot_general3A_903 : vector<32x128xf32>
    %slice3A_905 = vector.extract_strided_slice %convert_element_type3A_768 {offsets = [384, 0], sizes = [32, 128], strides = [1, 1]} : vector<1024x128xf32> to vector<32x128xf32>
    %dot_general3A_906 = arith.constant dense<0.000000e+00> : vector<32x128xf32>
    %dot_general3A_907 = tpu.matmul %get3A_761, %slice3A_905, %dot_general3A_906 {dimension_numbers = #tpu.dot_dimension_numbers<[1], [0], [0], [1], [0, 0, 1, 1], [], []>, transpose_lhs_hint = false} : vector<32x32xf32>, vector<32x128xf32>, vector<32x128xf32> -> vector<32x128xf32>
    %slice3A_908 = vector.extract_strided_slice %convert_element_type3A_771 {offsets = [384, 0], sizes = [32, 128], strides = [1, 1]} : vector<1024x128xf32> to vector<32x128xf32>
    %dot_general3A_909 = arith.constant dense<0.000000e+00> : vector<32x128xf32>
    %dot_general3A_910 = tpu.matmul %get3A_761, %slice3A_908, %dot_general3A_909 {dimension_numbers = #tpu.dot_dimension_numbers<[1], [0], [0], [1], [0, 0, 1, 1], [], []>, transpose_lhs_hint = false} : vector<32x32xf32>, vector<32x128xf32>, vector<32x128xf32> -> vector<32x128xf32>
    %add3A_911 = arith.addf %dot_general3A_907, %dot_general3A_910 : vector<32x128xf32>
    %slice3A_912 = vector.extract_strided_slice %sub3A_772 {offsets = [384, 0], sizes = [32, 128], strides = [1, 1]} : vector<1024x128xf32> to vector<32x128xf32>
    %dot_general3A_913 = arith.constant dense<0.000000e+00> : vector<32x128xf32>
    %dot_general3A_914 = tpu.matmul %get3A_761, %slice3A_912, %dot_general3A_913 {dimension_numbers = #tpu.dot_dimension_numbers<[1], [0], [0], [1], [0, 0, 1, 1], [], []>, transpose_lhs_hint = false} : vector<32x32xf32>, vector<32x128xf32>, vector<32x128xf32> -> vector<32x128xf32>
    %add3A_915 = arith.addf %add3A_911, %dot_general3A_914 : vector<32x128xf32>
    %slice3A_916 = vector.extract_strided_slice %convert_element_type3A_768 {offsets = [416, 0], sizes = [32, 128], strides = [1, 1]} : vector<1024x128xf32> to vector<32x128xf32>
    %dot_general3A_917 = arith.constant dense<0.000000e+00> : vector<32x128xf32>
    %dot_general3A_918 = tpu.matmul %get3A_761, %slice3A_916, %dot_general3A_917 {dimension_numbers = #tpu.dot_dimension_numbers<[1], [0], [0], [1], [0, 0, 1, 1], [], []>, transpose_lhs_hint = false} : vector<32x32xf32>, vector<32x128xf32>, vector<32x128xf32> -> vector<32x128xf32>
    %slice3A_919 = vector.extract_strided_slice %convert_element_type3A_771 {offsets = [416, 0], sizes = [32, 128], strides = [1, 1]} : vector<1024x128xf32> to vector<32x128xf32>
    %dot_general3A_920 = arith.constant dense<0.000000e+00> : vector<32x128xf32>
    %dot_general3A_921 = tpu.matmul %get3A_761, %slice3A_919, %dot_general3A_920 {dimension_numbers = #tpu.dot_dimension_numbers<[1], [0], [0], [1], [0, 0, 1, 1], [], []>, transpose_lhs_hint = false} : vector<32x32xf32>, vector<32x128xf32>, vector<32x128xf32> -> vector<32x128xf32>
    %add3A_922 = arith.addf %dot_general3A_918, %dot_general3A_921 : vector<32x128xf32>
    %slice3A_923 = vector.extract_strided_slice %sub3A_772 {offsets = [416, 0], sizes = [32, 128], strides = [1, 1]} : vector<1024x128xf32> to vector<32x128xf32>
    %dot_general3A_924 = arith.constant dense<0.000000e+00> : vector<32x128xf32>
    %dot_general3A_925 = tpu.matmul %get3A_761, %slice3A_923, %dot_general3A_924 {dimension_numbers = #tpu.dot_dimension_numbers<[1], [0], [0], [1], [0, 0, 1, 1], [], []>, transpose_lhs_hint = false} : vector<32x32xf32>, vector<32x128xf32>, vector<32x128xf32> -> vector<32x128xf32>
    %add3A_926 = arith.addf %add3A_922, %dot_general3A_925 : vector<32x128xf32>
    %slice3A_927 = vector.extract_strided_slice %convert_element_type3A_768 {offsets = [448, 0], sizes = [32, 128], strides = [1, 1]} : vector<1024x128xf32> to vector<32x128xf32>
    %dot_general3A_928 = arith.constant dense<0.000000e+00> : vector<32x128xf32>
    %dot_general3A_929 = tpu.matmul %get3A_761, %slice3A_927, %dot_general3A_928 {dimension_numbers = #tpu.dot_dimension_numbers<[1], [0], [0], [1], [0, 0, 1, 1], [], []>, transpose_lhs_hint = false} : vector<32x32xf32>, vector<32x128xf32>, vector<32x128xf32> -> vector<32x128xf32>
    %slice3A_930 = vector.extract_strided_slice %convert_element_type3A_771 {offsets = [448, 0], sizes = [32, 128], strides = [1, 1]} : vector<1024x128xf32> to vector<32x128xf32>
    %dot_general3A_931 = arith.constant dense<0.000000e+00> : vector<32x128xf32>
    %dot_general3A_932 = tpu.matmul %get3A_761, %slice3A_930, %dot_general3A_931 {dimension_numbers = #tpu.dot_dimension_numbers<[1], [0], [0], [1], [0, 0, 1, 1], [], []>, transpose_lhs_hint = false} : vector<32x32xf32>, vector<32x128xf32>, vector<32x128xf32> -> vector<32x128xf32>
    %add3A_933 = arith.addf %dot_general3A_929, %dot_general3A_932 : vector<32x128xf32>
    %slice3A_934 = vector.extract_strided_slice %sub3A_772 {offsets = [448, 0], sizes = [32, 128], strides = [1, 1]} : vector<1024x128xf32> to vector<32x128xf32>
    %dot_general3A_935 = arith.constant dense<0.000000e+00> : vector<32x128xf32>
    %dot_general3A_936 = tpu.matmul %get3A_761, %slice3A_934, %dot_general3A_935 {dimension_numbers = #tpu.dot_dimension_numbers<[1], [0], [0], [1], [0, 0, 1, 1], [], []>, transpose_lhs_hint = false} : vector<32x32xf32>, vector<32x128xf32>, vector<32x128xf32> -> vector<32x128xf32>
    %add3A_937 = arith.addf %add3A_933, %dot_general3A_936 : vector<32x128xf32>
    %slice3A_938 = vector.extract_strided_slice %convert_element_type3A_768 {offsets = [480, 0], sizes = [32, 128], strides = [1, 1]} : vector<1024x128xf32> to vector<32x128xf32>
    %dot_general3A_939 = arith.constant dense<0.000000e+00> : vector<32x128xf32>
    %dot_general3A_940 = tpu.matmul %get3A_761, %slice3A_938, %dot_general3A_939 {dimension_numbers = #tpu.dot_dimension_numbers<[1], [0], [0], [1], [0, 0, 1, 1], [], []>, transpose_lhs_hint = false} : vector<32x32xf32>, vector<32x128xf32>, vector<32x128xf32> -> vector<32x128xf32>
    %slice3A_941 = vector.extract_strided_slice %convert_element_type3A_771 {offsets = [480, 0], sizes = [32, 128], strides = [1, 1]} : vector<1024x128xf32> to vector<32x128xf32>
    %dot_general3A_942 = arith.constant dense<0.000000e+00> : vector<32x128xf32>
    %dot_general3A_943 = tpu.matmul %get3A_761, %slice3A_941, %dot_general3A_942 {dimension_numbers = #tpu.dot_dimension_numbers<[1], [0], [0], [1], [0, 0, 1, 1], [], []>, transpose_lhs_hint = false} : vector<32x32xf32>, vector<32x128xf32>, vector<32x128xf32> -> vector<32x128xf32>
    %add3A_944 = arith.addf %dot_general3A_940, %dot_general3A_943 : vector<32x128xf32>
    %slice3A_945 = vector.extract_strided_slice %sub3A_772 {offsets = [480, 0], sizes = [32, 128], strides = [1, 1]} : vector<1024x128xf32> to vector<32x128xf32>
    %dot_general3A_946 = arith.constant dense<0.000000e+00> : vector<32x128xf32>
    %dot_general3A_947 = tpu.matmul %get3A_761, %slice3A_945, %dot_general3A_946 {dimension_numbers = #tpu.dot_dimension_numbers<[1], [0], [0], [1], [0, 0, 1, 1], [], []>, transpose_lhs_hint = false} : vector<32x32xf32>, vector<32x128xf32>, vector<32x128xf32> -> vector<32x128xf32>
    %add3A_948 = arith.addf %add3A_944, %dot_general3A_947 : vector<32x128xf32>
    %slice3A_949 = vector.extract_strided_slice %convert_element_type3A_768 {offsets = [512, 0], sizes = [32, 128], strides = [1, 1]} : vector<1024x128xf32> to vector<32x128xf32>
    %dot_general3A_950 = arith.constant dense<0.000000e+00> : vector<32x128xf32>
    %dot_general3A_951 = tpu.matmul %get3A_761, %slice3A_949, %dot_general3A_950 {dimension_numbers = #tpu.dot_dimension_numbers<[1], [0], [0], [1], [0, 0, 1, 1], [], []>, transpose_lhs_hint = false} : vector<32x32xf32>, vector<32x128xf32>, vector<32x128xf32> -> vector<32x128xf32>
    %slice3A_952 = vector.extract_strided_slice %convert_element_type3A_771 {offsets = [512, 0], sizes = [32, 128], strides = [1, 1]} : vector<1024x128xf32> to vector<32x128xf32>
    %dot_general3A_953 = arith.constant dense<0.000000e+00> : vector<32x128xf32>
    %dot_general3A_954 = tpu.matmul %get3A_761, %slice3A_952, %dot_general3A_953 {dimension_numbers = #tpu.dot_dimension_numbers<[1], [0], [0], [1], [0, 0, 1, 1], [], []>, transpose_lhs_hint = false} : vector<32x32xf32>, vector<32x128xf32>, vector<32x128xf32> -> vector<32x128xf32>
    %add3A_955 = arith.addf %dot_general3A_951, %dot_general3A_954 : vector<32x128xf32>
    %slice3A_956 = vector.extract_strided_slice %sub3A_772 {offsets = [512, 0], sizes = [32, 128], strides = [1, 1]} : vector<1024x128xf32> to vector<32x128xf32>
    %dot_general3A_957 = arith.constant dense<0.000000e+00> : vector<32x128xf32>
    %dot_general3A_958 = tpu.matmul %get3A_761, %slice3A_956, %dot_general3A_957 {dimension_numbers = #tpu.dot_dimension_numbers<[1], [0], [0], [1], [0, 0, 1, 1], [], []>, transpose_lhs_hint = false} : vector<32x32xf32>, vector<32x128xf32>, vector<32x128xf32> -> vector<32x128xf32>
    %add3A_959 = arith.addf %add3A_955, %dot_general3A_958 : vector<32x128xf32>
    %slice3A_960 = vector.extract_strided_slice %convert_element_type3A_768 {offsets = [544, 0], sizes = [32, 128], strides = [1, 1]} : vector<1024x128xf32> to vector<32x128xf32>
    %dot_general3A_961 = arith.constant dense<0.000000e+00> : vector<32x128xf32>
    %dot_general3A_962 = tpu.matmul %get3A_761, %slice3A_960, %dot_general3A_961 {dimension_numbers = #tpu.dot_dimension_numbers<[1], [0], [0], [1], [0, 0, 1, 1], [], []>, transpose_lhs_hint = false} : vector<32x32xf32>, vector<32x128xf32>, vector<32x128xf32> -> vector<32x128xf32>
    %slice3A_963 = vector.extract_strided_slice %convert_element_type3A_771 {offsets = [544, 0], sizes = [32, 128], strides = [1, 1]} : vector<1024x128xf32> to vector<32x128xf32>
    %dot_general3A_964 = arith.constant dense<0.000000e+00> : vector<32x128xf32>
    %dot_general3A_965 = tpu.matmul %get3A_761, %slice3A_963, %dot_general3A_964 {dimension_numbers = #tpu.dot_dimension_numbers<[1], [0], [0], [1], [0, 0, 1, 1], [], []>, transpose_lhs_hint = false} : vector<32x32xf32>, vector<32x128xf32>, vector<32x128xf32> -> vector<32x128xf32>
    %add3A_966 = arith.addf %dot_general3A_962, %dot_general3A_965 : vector<32x128xf32>
    %slice3A_967 = vector.extract_strided_slice %sub3A_772 {offsets = [544, 0], sizes = [32, 128], strides = [1, 1]} : vector<1024x128xf32> to vector<32x128xf32>
    %dot_general3A_968 = arith.constant dense<0.000000e+00> : vector<32x128xf32>
    %dot_general3A_969 = tpu.matmul %get3A_761, %slice3A_967, %dot_general3A_968 {dimension_numbers = #tpu.dot_dimension_numbers<[1], [0], [0], [1], [0, 0, 1, 1], [], []>, transpose_lhs_hint = false} : vector<32x32xf32>, vector<32x128xf32>, vector<32x128xf32> -> vector<32x128xf32>
    %add3A_970 = arith.addf %add3A_966, %dot_general3A_969 : vector<32x128xf32>
    %slice3A_971 = vector.extract_strided_slice %convert_element_type3A_768 {offsets = [576, 0], sizes = [32, 128], strides = [1, 1]} : vector<1024x128xf32> to vector<32x128xf32>
    %dot_general3A_972 = arith.constant dense<0.000000e+00> : vector<32x128xf32>
    %dot_general3A_973 = tpu.matmul %get3A_761, %slice3A_971, %dot_general3A_972 {dimension_numbers = #tpu.dot_dimension_numbers<[1], [0], [0], [1], [0, 0, 1, 1], [], []>, transpose_lhs_hint = false} : vector<32x32xf32>, vector<32x128xf32>, vector<32x128xf32> -> vector<32x128xf32>
    %slice3A_974 = vector.extract_strided_slice %convert_element_type3A_771 {offsets = [576, 0], sizes = [32, 128], strides = [1, 1]} : vector<1024x128xf32> to vector<32x128xf32>
    %dot_general3A_975 = arith.constant dense<0.000000e+00> : vector<32x128xf32>
    %dot_general3A_976 = tpu.matmul %get3A_761, %slice3A_974, %dot_general3A_975 {dimension_numbers = #tpu.dot_dimension_numbers<[1], [0], [0], [1], [0, 0, 1, 1], [], []>, transpose_lhs_hint = false} : vector<32x32xf32>, vector<32x128xf32>, vector<32x128xf32> -> vector<32x128xf32>
    %add3A_977 = arith.addf %dot_general3A_973, %dot_general3A_976 : vector<32x128xf32>
    %slice3A_978 = vector.extract_strided_slice %sub3A_772 {offsets = [576, 0], sizes = [32, 128], strides = [1, 1]} : vector<1024x128xf32> to vector<32x128xf32>
    %dot_general3A_979 = arith.constant dense<0.000000e+00> : vector<32x128xf32>
    %dot_general3A_980 = tpu.matmul %get3A_761, %slice3A_978, %dot_general3A_979 {dimension_numbers = #tpu.dot_dimension_numbers<[1], [0], [0], [1], [0, 0, 1, 1], [], []>, transpose_lhs_hint = false} : vector<32x32xf32>, vector<32x128xf32>, vector<32x128xf32> -> vector<32x128xf32>
    %add3A_981 = arith.addf %add3A_977, %dot_general3A_980 : vector<32x128xf32>
    %slice3A_982 = vector.extract_strided_slice %convert_element_type3A_768 {offsets = [608, 0], sizes = [32, 128], strides = [1, 1]} : vector<1024x128xf32> to vector<32x128xf32>
    %dot_general3A_983 = arith.constant dense<0.000000e+00> : vector<32x128xf32>
    %dot_general3A_984 = tpu.matmul %get3A_761, %slice3A_982, %dot_general3A_983 {dimension_numbers = #tpu.dot_dimension_numbers<[1], [0], [0], [1], [0, 0, 1, 1], [], []>, transpose_lhs_hint = false} : vector<32x32xf32>, vector<32x128xf32>, vector<32x128xf32> -> vector<32x128xf32>
    %slice3A_985 = vector.extract_strided_slice %convert_element_type3A_771 {offsets = [608, 0], sizes = [32, 128], strides = [1, 1]} : vector<1024x128xf32> to vector<32x128xf32>
    %dot_general3A_986 = arith.constant dense<0.000000e+00> : vector<32x128xf32>
    %dot_general3A_987 = tpu.matmul %get3A_761, %slice3A_985, %dot_general3A_986 {dimension_numbers = #tpu.dot_dimension_numbers<[1], [0], [0], [1], [0, 0, 1, 1], [], []>, transpose_lhs_hint = false} : vector<32x32xf32>, vector<32x128xf32>, vector<32x128xf32> -> vector<32x128xf32>
    %add3A_988 = arith.addf %dot_general3A_984, %dot_general3A_987 : vector<32x128xf32>
    %slice3A_989 = vector.extract_strided_slice %sub3A_772 {offsets = [608, 0], sizes = [32, 128], strides = [1, 1]} : vector<1024x128xf32> to vector<32x128xf32>
    %dot_general3A_990 = arith.constant dense<0.000000e+00> : vector<32x128xf32>
    %dot_general3A_991 = tpu.matmul %get3A_761, %slice3A_989, %dot_general3A_990 {dimension_numbers = #tpu.dot_dimension_numbers<[1], [0], [0], [1], [0, 0, 1, 1], [], []>, transpose_lhs_hint = false} : vector<32x32xf32>, vector<32x128xf32>, vector<32x128xf32> -> vector<32x128xf32>
    %add3A_992 = arith.addf %add3A_988, %dot_general3A_991 : vector<32x128xf32>
    %slice3A_993 = vector.extract_strided_slice %convert_element_type3A_768 {offsets = [640, 0], sizes = [32, 128], strides = [1, 1]} : vector<1024x128xf32> to vector<32x128xf32>
    %dot_general3A_994 = arith.constant dense<0.000000e+00> : vector<32x128xf32>
    %dot_general3A_995 = tpu.matmul %get3A_761, %slice3A_993, %dot_general3A_994 {dimension_numbers = #tpu.dot_dimension_numbers<[1], [0], [0], [1], [0, 0, 1, 1], [], []>, transpose_lhs_hint = false} : vector<32x32xf32>, vector<32x128xf32>, vector<32x128xf32> -> vector<32x128xf32>
    %slice3A_996 = vector.extract_strided_slice %convert_element_type3A_771 {offsets = [640, 0], sizes = [32, 128], strides = [1, 1]} : vector<1024x128xf32> to vector<32x128xf32>
    %dot_general3A_997 = arith.constant dense<0.000000e+00> : vector<32x128xf32>
    %dot_general3A_998 = tpu.matmul %get3A_761, %slice3A_996, %dot_general3A_997 {dimension_numbers = #tpu.dot_dimension_numbers<[1], [0], [0], [1], [0, 0, 1, 1], [], []>, transpose_lhs_hint = false} : vector<32x32xf32>, vector<32x128xf32>, vector<32x128xf32> -> vector<32x128xf32>
    %add3A_999 = arith.addf %dot_general3A_995, %dot_general3A_998 : vector<32x128xf32>
    %slice3A_1000 = vector.extract_strided_slice %sub3A_772 {offsets = [640, 0], sizes = [32, 128], strides = [1, 1]} : vector<1024x128xf32> to vector<32x128xf32>
    %dot_general3A_1001 = arith.constant dense<0.000000e+00> : vector<32x128xf32>
    %dot_general3A_1002 = tpu.matmul %get3A_761, %slice3A_1000, %dot_general3A_1001 {dimension_numbers = #tpu.dot_dimension_numbers<[1], [0], [0], [1], [0, 0, 1, 1], [], []>, transpose_lhs_hint = false} : vector<32x32xf32>, vector<32x128xf32>, vector<32x128xf32> -> vector<32x128xf32>
    %add3A_1003 = arith.addf %add3A_999, %dot_general3A_1002 : vector<32x128xf32>
    %slice3A_1004 = vector.extract_strided_slice %convert_element_type3A_768 {offsets = [672, 0], sizes = [32, 128], strides = [1, 1]} : vector<1024x128xf32> to vector<32x128xf32>
    %dot_general3A_1005 = arith.constant dense<0.000000e+00> : vector<32x128xf32>
    %dot_general3A_1006 = tpu.matmul %get3A_761, %slice3A_1004, %dot_general3A_1005 {dimension_numbers = #tpu.dot_dimension_numbers<[1], [0], [0], [1], [0, 0, 1, 1], [], []>, transpose_lhs_hint = false} : vector<32x32xf32>, vector<32x128xf32>, vector<32x128xf32> -> vector<32x128xf32>
    %slice3A_1007 = vector.extract_strided_slice %convert_element_type3A_771 {offsets = [672, 0], sizes = [32, 128], strides = [1, 1]} : vector<1024x128xf32> to vector<32x128xf32>
    %dot_general3A_1008 = arith.constant dense<0.000000e+00> : vector<32x128xf32>
    %dot_general3A_1009 = tpu.matmul %get3A_761, %slice3A_1007, %dot_general3A_1008 {dimension_numbers = #tpu.dot_dimension_numbers<[1], [0], [0], [1], [0, 0, 1, 1], [], []>, transpose_lhs_hint = false} : vector<32x32xf32>, vector<32x128xf32>, vector<32x128xf32> -> vector<32x128xf32>
    %add3A_1010 = arith.addf %dot_general3A_1006, %dot_general3A_1009 : vector<32x128xf32>
    %slice3A_1011 = vector.extract_strided_slice %sub3A_772 {offsets = [672, 0], sizes = [32, 128], strides = [1, 1]} : vector<1024x128xf32> to vector<32x128xf32>
    %dot_general3A_1012 = arith.constant dense<0.000000e+00> : vector<32x128xf32>
    %dot_general3A_1013 = tpu.matmul %get3A_761, %slice3A_1011, %dot_general3A_1012 {dimension_numbers = #tpu.dot_dimension_numbers<[1], [0], [0], [1], [0, 0, 1, 1], [], []>, transpose_lhs_hint = false} : vector<32x32xf32>, vector<32x128xf32>, vector<32x128xf32> -> vector<32x128xf32>
    %add3A_1014 = arith.addf %add3A_1010, %dot_general3A_1013 : vector<32x128xf32>
    %slice3A_1015 = vector.extract_strided_slice %convert_element_type3A_768 {offsets = [704, 0], sizes = [32, 128], strides = [1, 1]} : vector<1024x128xf32> to vector<32x128xf32>
    %dot_general3A_1016 = arith.constant dense<0.000000e+00> : vector<32x128xf32>
    %dot_general3A_1017 = tpu.matmul %get3A_761, %slice3A_1015, %dot_general3A_1016 {dimension_numbers = #tpu.dot_dimension_numbers<[1], [0], [0], [1], [0, 0, 1, 1], [], []>, transpose_lhs_hint = false} : vector<32x32xf32>, vector<32x128xf32>, vector<32x128xf32> -> vector<32x128xf32>
    %slice3A_1018 = vector.extract_strided_slice %convert_element_type3A_771 {offsets = [704, 0], sizes = [32, 128], strides = [1, 1]} : vector<1024x128xf32> to vector<32x128xf32>
    %dot_general3A_1019 = arith.constant dense<0.000000e+00> : vector<32x128xf32>
    %dot_general3A_1020 = tpu.matmul %get3A_761, %slice3A_1018, %dot_general3A_1019 {dimension_numbers = #tpu.dot_dimension_numbers<[1], [0], [0], [1], [0, 0, 1, 1], [], []>, transpose_lhs_hint = false} : vector<32x32xf32>, vector<32x128xf32>, vector<32x128xf32> -> vector<32x128xf32>
    %add3A_1021 = arith.addf %dot_general3A_1017, %dot_general3A_1020 : vector<32x128xf32>
    %slice3A_1022 = vector.extract_strided_slice %sub3A_772 {offsets = [704, 0], sizes = [32, 128], strides = [1, 1]} : vector<1024x128xf32> to vector<32x128xf32>
    %dot_general3A_1023 = arith.constant dense<0.000000e+00> : vector<32x128xf32>
    %dot_general3A_1024 = tpu.matmul %get3A_761, %slice3A_1022, %dot_general3A_1023 {dimension_numbers = #tpu.dot_dimension_numbers<[1], [0], [0], [1], [0, 0, 1, 1], [], []>, transpose_lhs_hint = false} : vector<32x32xf32>, vector<32x128xf32>, vector<32x128xf32> -> vector<32x128xf32>
    %add3A_1025 = arith.addf %add3A_1021, %dot_general3A_1024 : vector<32x128xf32>
    %slice3A_1026 = vector.extract_strided_slice %convert_element_type3A_768 {offsets = [736, 0], sizes = [32, 128], strides = [1, 1]} : vector<1024x128xf32> to vector<32x128xf32>
    %dot_general3A_1027 = arith.constant dense<0.000000e+00> : vector<32x128xf32>
    %dot_general3A_1028 = tpu.matmul %get3A_761, %slice3A_1026, %dot_general3A_1027 {dimension_numbers = #tpu.dot_dimension_numbers<[1], [0], [0], [1], [0, 0, 1, 1], [], []>, transpose_lhs_hint = false} : vector<32x32xf32>, vector<32x128xf32>, vector<32x128xf32> -> vector<32x128xf32>
    %slice3A_1029 = vector.extract_strided_slice %convert_element_type3A_771 {offsets = [736, 0], sizes = [32, 128], strides = [1, 1]} : vector<1024x128xf32> to vector<32x128xf32>
    %dot_general3A_1030 = arith.constant dense<0.000000e+00> : vector<32x128xf32>
    %dot_general3A_1031 = tpu.matmul %get3A_761, %slice3A_1029, %dot_general3A_1030 {dimension_numbers = #tpu.dot_dimension_numbers<[1], [0], [0], [1], [0, 0, 1, 1], [], []>, transpose_lhs_hint = false} : vector<32x32xf32>, vector<32x128xf32>, vector<32x128xf32> -> vector<32x128xf32>
    %add3A_1032 = arith.addf %dot_general3A_1028, %dot_general3A_1031 : vector<32x128xf32>
    %slice3A_1033 = vector.extract_strided_slice %sub3A_772 {offsets = [736, 0], sizes = [32, 128], strides = [1, 1]} : vector<1024x128xf32> to vector<32x128xf32>
    %dot_general3A_1034 = arith.constant dense<0.000000e+00> : vector<32x128xf32>
    %dot_general3A_1035 = tpu.matmul %get3A_761, %slice3A_1033, %dot_general3A_1034 {dimension_numbers = #tpu.dot_dimension_numbers<[1], [0], [0], [1], [0, 0, 1, 1], [], []>, transpose_lhs_hint = false} : vector<32x32xf32>, vector<32x128xf32>, vector<32x128xf32> -> vector<32x128xf32>
    %add3A_1036 = arith.addf %add3A_1032, %dot_general3A_1035 : vector<32x128xf32>
    %slice3A_1037 = vector.extract_strided_slice %convert_element_type3A_768 {offsets = [768, 0], sizes = [32, 128], strides = [1, 1]} : vector<1024x128xf32> to vector<32x128xf32>
    %dot_general3A_1038 = arith.constant dense<0.000000e+00> : vector<32x128xf32>
    %dot_general3A_1039 = tpu.matmul %get3A_761, %slice3A_1037, %dot_general3A_1038 {dimension_numbers = #tpu.dot_dimension_numbers<[1], [0], [0], [1], [0, 0, 1, 1], [], []>, transpose_lhs_hint = false} : vector<32x32xf32>, vector<32x128xf32>, vector<32x128xf32> -> vector<32x128xf32>
    %slice3A_1040 = vector.extract_strided_slice %convert_element_type3A_771 {offsets = [768, 0], sizes = [32, 128], strides = [1, 1]} : vector<1024x128xf32> to vector<32x128xf32>
    %dot_general3A_1041 = arith.constant dense<0.000000e+00> : vector<32x128xf32>
    %dot_general3A_1042 = tpu.matmul %get3A_761, %slice3A_1040, %dot_general3A_1041 {dimension_numbers = #tpu.dot_dimension_numbers<[1], [0], [0], [1], [0, 0, 1, 1], [], []>, transpose_lhs_hint = false} : vector<32x32xf32>, vector<32x128xf32>, vector<32x128xf32> -> vector<32x128xf32>
    %add3A_1043 = arith.addf %dot_general3A_1039, %dot_general3A_1042 : vector<32x128xf32>
    %slice3A_1044 = vector.extract_strided_slice %sub3A_772 {offsets = [768, 0], sizes = [32, 128], strides = [1, 1]} : vector<1024x128xf32> to vector<32x128xf32>
    %dot_general3A_1045 = arith.constant dense<0.000000e+00> : vector<32x128xf32>
    %dot_general3A_1046 = tpu.matmul %get3A_761, %slice3A_1044, %dot_general3A_1045 {dimension_numbers = #tpu.dot_dimension_numbers<[1], [0], [0], [1], [0, 0, 1, 1], [], []>, transpose_lhs_hint = false} : vector<32x32xf32>, vector<32x128xf32>, vector<32x128xf32> -> vector<32x128xf32>
    %add3A_1047 = arith.addf %add3A_1043, %dot_general3A_1046 : vector<32x128xf32>
    %slice3A_1048 = vector.extract_strided_slice %convert_element_type3A_768 {offsets = [800, 0], sizes = [32, 128], strides = [1, 1]} : vector<1024x128xf32> to vector<32x128xf32>
    %dot_general3A_1049 = arith.constant dense<0.000000e+00> : vector<32x128xf32>
    %dot_general3A_1050 = tpu.matmul %get3A_761, %slice3A_1048, %dot_general3A_1049 {dimension_numbers = #tpu.dot_dimension_numbers<[1], [0], [0], [1], [0, 0, 1, 1], [], []>, transpose_lhs_hint = false} : vector<32x32xf32>, vector<32x128xf32>, vector<32x128xf32> -> vector<32x128xf32>
    %slice3A_1051 = vector.extract_strided_slice %convert_element_type3A_771 {offsets = [800, 0], sizes = [32, 128], strides = [1, 1]} : vector<1024x128xf32> to vector<32x128xf32>
    %dot_general3A_1052 = arith.constant dense<0.000000e+00> : vector<32x128xf32>
    %dot_general3A_1053 = tpu.matmul %get3A_761, %slice3A_1051, %dot_general3A_1052 {dimension_numbers = #tpu.dot_dimension_numbers<[1], [0], [0], [1], [0, 0, 1, 1], [], []>, transpose_lhs_hint = false} : vector<32x32xf32>, vector<32x128xf32>, vector<32x128xf32> -> vector<32x128xf32>
    %add3A_1054 = arith.addf %dot_general3A_1050, %dot_general3A_1053 : vector<32x128xf32>
    %slice3A_1055 = vector.extract_strided_slice %sub3A_772 {offsets = [800, 0], sizes = [32, 128], strides = [1, 1]} : vector<1024x128xf32> to vector<32x128xf32>
    %dot_general3A_1056 = arith.constant dense<0.000000e+00> : vector<32x128xf32>
    %dot_general3A_1057 = tpu.matmul %get3A_761, %slice3A_1055, %dot_general3A_1056 {dimension_numbers = #tpu.dot_dimension_numbers<[1], [0], [0], [1], [0, 0, 1, 1], [], []>, transpose_lhs_hint = false} : vector<32x32xf32>, vector<32x128xf32>, vector<32x128xf32> -> vector<32x128xf32>
    %add3A_1058 = arith.addf %add3A_1054, %dot_general3A_1057 : vector<32x128xf32>
    %slice3A_1059 = vector.extract_strided_slice %convert_element_type3A_768 {offsets = [832, 0], sizes = [32, 128], strides = [1, 1]} : vector<1024x128xf32> to vector<32x128xf32>
    %dot_general3A_1060 = arith.constant dense<0.000000e+00> : vector<32x128xf32>
    %dot_general3A_1061 = tpu.matmul %get3A_761, %slice3A_1059, %dot_general3A_1060 {dimension_numbers = #tpu.dot_dimension_numbers<[1], [0], [0], [1], [0, 0, 1, 1], [], []>, transpose_lhs_hint = false} : vector<32x32xf32>, vector<32x128xf32>, vector<32x128xf32> -> vector<32x128xf32>
    %slice3A_1062 = vector.extract_strided_slice %convert_element_type3A_771 {offsets = [832, 0], sizes = [32, 128], strides = [1, 1]} : vector<1024x128xf32> to vector<32x128xf32>
    %dot_general3A_1063 = arith.constant dense<0.000000e+00> : vector<32x128xf32>
    %dot_general3A_1064 = tpu.matmul %get3A_761, %slice3A_1062, %dot_general3A_1063 {dimension_numbers = #tpu.dot_dimension_numbers<[1], [0], [0], [1], [0, 0, 1, 1], [], []>, transpose_lhs_hint = false} : vector<32x32xf32>, vector<32x128xf32>, vector<32x128xf32> -> vector<32x128xf32>
    %add3A_1065 = arith.addf %dot_general3A_1061, %dot_general3A_1064 : vector<32x128xf32>
    %slice3A_1066 = vector.extract_strided_slice %sub3A_772 {offsets = [832, 0], sizes = [32, 128], strides = [1, 1]} : vector<1024x128xf32> to vector<32x128xf32>
    %dot_general3A_1067 = arith.constant dense<0.000000e+00> : vector<32x128xf32>
    %dot_general3A_1068 = tpu.matmul %get3A_761, %slice3A_1066, %dot_general3A_1067 {dimension_numbers = #tpu.dot_dimension_numbers<[1], [0], [0], [1], [0, 0, 1, 1], [], []>, transpose_lhs_hint = false} : vector<32x32xf32>, vector<32x128xf32>, vector<32x128xf32> -> vector<32x128xf32>
    %add3A_1069 = arith.addf %add3A_1065, %dot_general3A_1068 : vector<32x128xf32>
    %slice3A_1070 = vector.extract_strided_slice %convert_element_type3A_768 {offsets = [864, 0], sizes = [32, 128], strides = [1, 1]} : vector<1024x128xf32> to vector<32x128xf32>
    %dot_general3A_1071 = arith.constant dense<0.000000e+00> : vector<32x128xf32>
    %dot_general3A_1072 = tpu.matmul %get3A_761, %slice3A_1070, %dot_general3A_1071 {dimension_numbers = #tpu.dot_dimension_numbers<[1], [0], [0], [1], [0, 0, 1, 1], [], []>, transpose_lhs_hint = false} : vector<32x32xf32>, vector<32x128xf32>, vector<32x128xf32> -> vector<32x128xf32>
    %slice3A_1073 = vector.extract_strided_slice %convert_element_type3A_771 {offsets = [864, 0], sizes = [32, 128], strides = [1, 1]} : vector<1024x128xf32> to vector<32x128xf32>
    %dot_general3A_1074 = arith.constant dense<0.000000e+00> : vector<32x128xf32>
    %dot_general3A_1075 = tpu.matmul %get3A_761, %slice3A_1073, %dot_general3A_1074 {dimension_numbers = #tpu.dot_dimension_numbers<[1], [0], [0], [1], [0, 0, 1, 1], [], []>, transpose_lhs_hint = false} : vector<32x32xf32>, vector<32x128xf32>, vector<32x128xf32> -> vector<32x128xf32>
    %add3A_1076 = arith.addf %dot_general3A_1072, %dot_general3A_1075 : vector<32x128xf32>
    %slice3A_1077 = vector.extract_strided_slice %sub3A_772 {offsets = [864, 0], sizes = [32, 128], strides = [1, 1]} : vector<1024x128xf32> to vector<32x128xf32>
    %dot_general3A_1078 = arith.constant dense<0.000000e+00> : vector<32x128xf32>
    %dot_general3A_1079 = tpu.matmul %get3A_761, %slice3A_1077, %dot_general3A_1078 {dimension_numbers = #tpu.dot_dimension_numbers<[1], [0], [0], [1], [0, 0, 1, 1], [], []>, transpose_lhs_hint = false} : vector<32x32xf32>, vector<32x128xf32>, vector<32x128xf32> -> vector<32x128xf32>
    %add3A_1080 = arith.addf %add3A_1076, %dot_general3A_1079 : vector<32x128xf32>
    %slice3A_1081 = vector.extract_strided_slice %convert_element_type3A_768 {offsets = [896, 0], sizes = [32, 128], strides = [1, 1]} : vector<1024x128xf32> to vector<32x128xf32>
    %dot_general3A_1082 = arith.constant dense<0.000000e+00> : vector<32x128xf32>
    %dot_general3A_1083 = tpu.matmul %get3A_761, %slice3A_1081, %dot_general3A_1082 {dimension_numbers = #tpu.dot_dimension_numbers<[1], [0], [0], [1], [0, 0, 1, 1], [], []>, transpose_lhs_hint = false} : vector<32x32xf32>, vector<32x128xf32>, vector<32x128xf32> -> vector<32x128xf32>
    %slice3A_1084 = vector.extract_strided_slice %convert_element_type3A_771 {offsets = [896, 0], sizes = [32, 128], strides = [1, 1]} : vector<1024x128xf32> to vector<32x128xf32>
    %dot_general3A_1085 = arith.constant dense<0.000000e+00> : vector<32x128xf32>
    %dot_general3A_1086 = tpu.matmul %get3A_761, %slice3A_1084, %dot_general3A_1085 {dimension_numbers = #tpu.dot_dimension_numbers<[1], [0], [0], [1], [0, 0, 1, 1], [], []>, transpose_lhs_hint = false} : vector<32x32xf32>, vector<32x128xf32>, vector<32x128xf32> -> vector<32x128xf32>
    %add3A_1087 = arith.addf %dot_general3A_1083, %dot_general3A_1086 : vector<32x128xf32>
    %slice3A_1088 = vector.extract_strided_slice %sub3A_772 {offsets = [896, 0], sizes = [32, 128], strides = [1, 1]} : vector<1024x128xf32> to vector<32x128xf32>
    %dot_general3A_1089 = arith.constant dense<0.000000e+00> : vector<32x128xf32>
    %dot_general3A_1090 = tpu.matmul %get3A_761, %slice3A_1088, %dot_general3A_1089 {dimension_numbers = #tpu.dot_dimension_numbers<[1], [0], [0], [1], [0, 0, 1, 1], [], []>, transpose_lhs_hint = false} : vector<32x32xf32>, vector<32x128xf32>, vector<32x128xf32> -> vector<32x128xf32>
    %add3A_1091 = arith.addf %add3A_1087, %dot_general3A_1090 : vector<32x128xf32>
    %slice3A_1092 = vector.extract_strided_slice %convert_element_type3A_768 {offsets = [928, 0], sizes = [32, 128], strides = [1, 1]} : vector<1024x128xf32> to vector<32x128xf32>
    %dot_general3A_1093 = arith.constant dense<0.000000e+00> : vector<32x128xf32>
    %dot_general3A_1094 = tpu.matmul %get3A_761, %slice3A_1092, %dot_general3A_1093 {dimension_numbers = #tpu.dot_dimension_numbers<[1], [0], [0], [1], [0, 0, 1, 1], [], []>, transpose_lhs_hint = false} : vector<32x32xf32>, vector<32x128xf32>, vector<32x128xf32> -> vector<32x128xf32>
    %slice3A_1095 = vector.extract_strided_slice %convert_element_type3A_771 {offsets = [928, 0], sizes = [32, 128], strides = [1, 1]} : vector<1024x128xf32> to vector<32x128xf32>
    %dot_general3A_1096 = arith.constant dense<0.000000e+00> : vector<32x128xf32>
    %dot_general3A_1097 = tpu.matmul %get3A_761, %slice3A_1095, %dot_general3A_1096 {dimension_numbers = #tpu.dot_dimension_numbers<[1], [0], [0], [1], [0, 0, 1, 1], [], []>, transpose_lhs_hint = false} : vector<32x32xf32>, vector<32x128xf32>, vector<32x128xf32> -> vector<32x128xf32>
    %add3A_1098 = arith.addf %dot_general3A_1094, %dot_general3A_1097 : vector<32x128xf32>
    %slice3A_1099 = vector.extract_strided_slice %sub3A_772 {offsets = [928, 0], sizes = [32, 128], strides = [1, 1]} : vector<1024x128xf32> to vector<32x128xf32>
    %dot_general3A_1100 = arith.constant dense<0.000000e+00> : vector<32x128xf32>
    %dot_general3A_1101 = tpu.matmul %get3A_761, %slice3A_1099, %dot_general3A_1100 {dimension_numbers = #tpu.dot_dimension_numbers<[1], [0], [0], [1], [0, 0, 1, 1], [], []>, transpose_lhs_hint = false} : vector<32x32xf32>, vector<32x128xf32>, vector<32x128xf32> -> vector<32x128xf32>
    %add3A_1102 = arith.addf %add3A_1098, %dot_general3A_1101 : vector<32x128xf32>
    %slice3A_1103 = vector.extract_strided_slice %convert_element_type3A_768 {offsets = [960, 0], sizes = [32, 128], strides = [1, 1]} : vector<1024x128xf32> to vector<32x128xf32>
    %dot_general3A_1104 = arith.constant dense<0.000000e+00> : vector<32x128xf32>
    %dot_general3A_1105 = tpu.matmul %get3A_761, %slice3A_1103, %dot_general3A_1104 {dimension_numbers = #tpu.dot_dimension_numbers<[1], [0], [0], [1], [0, 0, 1, 1], [], []>, transpose_lhs_hint = false} : vector<32x32xf32>, vector<32x128xf32>, vector<32x128xf32> -> vector<32x128xf32>
    %slice3A_1106 = vector.extract_strided_slice %convert_element_type3A_771 {offsets = [960, 0], sizes = [32, 128], strides = [1, 1]} : vector<1024x128xf32> to vector<32x128xf32>
    %dot_general3A_1107 = arith.constant dense<0.000000e+00> : vector<32x128xf32>
    %dot_general3A_1108 = tpu.matmul %get3A_761, %slice3A_1106, %dot_general3A_1107 {dimension_numbers = #tpu.dot_dimension_numbers<[1], [0], [0], [1], [0, 0, 1, 1], [], []>, transpose_lhs_hint = false} : vector<32x32xf32>, vector<32x128xf32>, vector<32x128xf32> -> vector<32x128xf32>
    %add3A_1109 = arith.addf %dot_general3A_1105, %dot_general3A_1108 : vector<32x128xf32>
    %slice3A_1110 = vector.extract_strided_slice %sub3A_772 {offsets = [960, 0], sizes = [32, 128], strides = [1, 1]} : vector<1024x128xf32> to vector<32x128xf32>
    %dot_general3A_1111 = arith.constant dense<0.000000e+00> : vector<32x128xf32>
    %dot_general3A_1112 = tpu.matmul %get3A_761, %slice3A_1110, %dot_general3A_1111 {dimension_numbers = #tpu.dot_dimension_numbers<[1], [0], [0], [1], [0, 0, 1, 1], [], []>, transpose_lhs_hint = false} : vector<32x32xf32>, vector<32x128xf32>, vector<32x128xf32> -> vector<32x128xf32>
    %add3A_1113 = arith.addf %add3A_1109, %dot_general3A_1112 : vector<32x128xf32>
    %slice3A_1114 = vector.extract_strided_slice %convert_element_type3A_768 {offsets = [992, 0], sizes = [32, 128], strides = [1, 1]} : vector<1024x128xf32> to vector<32x128xf32>
    %dot_general3A_1115 = arith.constant dense<0.000000e+00> : vector<32x128xf32>
    %dot_general3A_1116 = tpu.matmul %get3A_761, %slice3A_1114, %dot_general3A_1115 {dimension_numbers = #tpu.dot_dimension_numbers<[1], [0], [0], [1], [0, 0, 1, 1], [], []>, transpose_lhs_hint = false} : vector<32x32xf32>, vector<32x128xf32>, vector<32x128xf32> -> vector<32x128xf32>
    %slice3A_1117 = vector.extract_strided_slice %convert_element_type3A_771 {offsets = [992, 0], sizes = [32, 128], strides = [1, 1]} : vector<1024x128xf32> to vector<32x128xf32>
    %dot_general3A_1118 = arith.constant dense<0.000000e+00> : vector<32x128xf32>
    %dot_general3A_1119 = tpu.matmul %get3A_761, %slice3A_1117, %dot_general3A_1118 {dimension_numbers = #tpu.dot_dimension_numbers<[1], [0], [0], [1], [0, 0, 1, 1], [], []>, transpose_lhs_hint = false} : vector<32x32xf32>, vector<32x128xf32>, vector<32x128xf32> -> vector<32x128xf32>
    %add3A_1120 = arith.addf %dot_general3A_1116, %dot_general3A_1119 : vector<32x128xf32>
    %slice3A_1121 = vector.extract_strided_slice %sub3A_772 {offsets = [992, 0], sizes = [32, 128], strides = [1, 1]} : vector<1024x128xf32> to vector<32x128xf32>
    %dot_general3A_1122 = arith.constant dense<0.000000e+00> : vector<32x128xf32>
    %dot_general3A_1123 = tpu.matmul %get3A_761, %slice3A_1121, %dot_general3A_1122 {dimension_numbers = #tpu.dot_dimension_numbers<[1], [0], [0], [1], [0, 0, 1, 1], [], []>, transpose_lhs_hint = false} : vector<32x32xf32>, vector<32x128xf32>, vector<32x128xf32> -> vector<32x128xf32>
    %add3A_1124 = arith.addf %add3A_1120, %dot_general3A_1123 : vector<32x128xf32>
    %concatenate3A_1125 = tpu.concatenate %add3A_783, %add3A_794, %add3A_805, %add3A_816, %add3A_827, %add3A_838, %add3A_849, %add3A_860, %add3A_871, %add3A_882, %add3A_893, %add3A_904, %add3A_915, %add3A_926, %add3A_937, %add3A_948, %add3A_959, %add3A_970, %add3A_981, %add3A_992, %add3A_1003, %add3A_1014, %add3A_1025, %add3A_1036, %add3A_1047, %add3A_1058, %add3A_1069, %add3A_1080, %add3A_1091, %add3A_1102, %add3A_1113, %add3A_1124 in 0 : vector<32x128xf32>, vector<32x128xf32>, vector<32x128xf32>, vector<32x128xf32>, vector<32x128xf32>, vector<32x128xf32>, vector<32x128xf32>, vector<32x128xf32>, vector<32x128xf32>, vector<32x128xf32>, vector<32x128xf32>, vector<32x128xf32>, vector<32x128xf32>, vector<32x128xf32>, vector<32x128xf32>, vector<32x128xf32>, vector<32x128xf32>, vector<32x128xf32>, vector<32x128xf32>, vector<32x128xf32>, vector<32x128xf32>, vector<32x128xf32>, vector<32x128xf32>, vector<32x128xf32>, vector<32x128xf32>, vector<32x128xf32>, vector<32x128xf32>, vector<32x128xf32>, vector<32x128xf32>, vector<32x128xf32>, vector<32x128xf32>, vector<32x128xf32> -> vector<1024x128xf32>
    %get3A_1126 = arith.constant 0 : index
    %get3A_1127 = arith.constant 0 : index
    %get3A_1128 = vector.load %arg11[%get3A_1126, %get3A_1127] : memref<1x128xf32, #tpu.memory_space<vmem>>, vector<1x128xf32>
    %add3A_1129 = vector.broadcast %get3A_1128 : vector<1x128xf32> to vector<1024x128xf32>
    %add3A_1130 = arith.addf %concatenate3A_1125, %add3A_1129 : vector<1024x128xf32>
    %max3A_1131 = arith.constant 0.000000e+00 : f32
    %max3A_1132 = vector.broadcast %max3A_1131 : f32 to vector<1024x128xf32>
    %max3A_1133 = arith.maximumf %add3A_1130, %max3A_1132 : vector<1024x128xf32>
    %swap3A = arith.constant 0 : index
    %swap3A_1134 = arith.constant 0 : index
    %swap3A_1135 = vector.load %arg15[%swap3A, %swap3A_1134] : memref<1024x128xf32, #tpu.memory_space<vmem>>, vector<1024x128xf32>
    tpu.vector_store %arg15[%swap3A, %swap3A_1134], %max3A_1133 {strides = array<i32>} : memref<1024x128xf32, #tpu.memory_space<vmem>>, vector<1024x128xf32>,
    %eq3A_1136 = arith.constant 9 : i32
    %eq3A_1137 = arith.cmpi eq, %arg0, %eq3A_1136 : i32
    %convert_element_type3A_1138 = arith.extui %eq3A_1137 : i1 to i32
    %cond3A_1139 = arith.constant 0 : i32
    %cond3A_1140 = arith.cmpi ne, %convert_element_type3A_1138, %cond3A_1139 : i32
    scf.if %cond3A_1140 {
      %get3A_1141 = arith.constant 0 : index
      %get3A_1142 = arith.constant 0 : index
      %get3A_1143 = vector.load %arg5[%get3A_1141, %get3A_1142] : memref<32x1024xf32, #tpu.memory_space<vmem>>, vector<32x1024xf32>
      %dot_general3A_1144 = arith.constant dense<0.000000e+00> : vector<32x128xf32>
      %dot_general3A_1145 = tpu.matmul %get3A_1143, %max3A_1133, %dot_general3A_1144 {dimension_numbers = #tpu.dot_dimension_numbers<[1], [0], [0], [1], [0, 0, 1, 1], [], []>, precision = #tpu.contract_precision<fp32>, transpose_lhs_hint = false} : vector<32x1024xf32>, vector<1024x128xf32>, vector<32x128xf32> -> vector<32x128xf32>
      %get3A_1146 = arith.constant 0 : index
      %get3A_1147 = arith.constant 0 : index
      %get3A_1148 = vector.load %arg12[%get3A_1146, %get3A_1147] : memref<128x1xf32, #tpu.memory_space<vmem>>, vector<128x1xf32>
      %dot_general3A_1149 = arith.constant dense<0.000000e+00> : vector<32x1xf32>
      %dot_general3A_1150 = tpu.matmul %dot_general3A_1145, %get3A_1148, %dot_general3A_1149 {dimension_numbers = #tpu.dot_dimension_numbers<[1], [0], [0], [1], [0, 0, 1, 1], [], []>, transpose_lhs_hint = false} : vector<32x128xf32>, vector<128x1xf32>, vector<32x1xf32> -> vector<32x1xf32>
      %get3A_1151 = arith.constant 0 : index
      %get3A_1152 = arith.constant 0 : index
      %get3A_1153 = vector.load %arg13[%get3A_1151, %get3A_1152] : memref<1x1xf32, #tpu.memory_space<vmem>>, vector<1x1xf32>
      %add3A_1154 = vector.broadcast %get3A_1153 : vector<1x1xf32> to vector<32x1xf32>
      %add3A_1155 = arith.addf %dot_general3A_1150, %add3A_1154 : vector<32x1xf32>
      %swap3A_1156 = arith.constant 0 : index
      %swap3A_1157 = arith.constant 0 : index
      %swap3A_1158 = vector.load %arg14[%swap3A_1156, %swap3A_1157] : memref<32x1xf32, #tpu.memory_space<vmem>>, vector<32x1xf32>
      tpu.vector_store %arg14[%swap3A_1156, %swap3A_1157], %add3A_1155 {strides = array<i32>} : memref<32x1xf32, #tpu.memory_space<vmem>>, vector<32x1xf32>,
    } else {
    }
    return
  }
  func.func @transform_0(%arg0: i32) -> (i32, i32, i32) {
    %c0_i32 = arith.constant 0 : i32
    %c0_i32_0 = arith.constant 0 : i32
    %c0_i32_1 = arith.constant 0 : i32
    return %arg0, %c0_i32, %c0_i32_0 : i32, i32, i32
  }
  func.func @transform_1(%arg0: i32) -> (i32, i32) {
    %c0_i32 = arith.constant 0 : i32
    %c0_i32_0 = arith.constant 0 : i32
    %c0_i32_1 = arith.constant 0 : i32
    return %c0_i32, %c0_i32_0 : i32, i32
  }
  func.func @transform_2(%arg0: i32) -> (i32, i32) {
    %c0_i32 = arith.constant 0 : i32
    %c0_i32_0 = arith.constant 0 : i32
    %c0_i32_1 = arith.constant 0 : i32
    return %c0_i32, %c0_i32_0 : i32, i32
  }
  func.func @transform_3(%arg0: i32) -> (i32, i32) {
    %c0_i32 = arith.constant 0 : i32
    %c0_i32_0 = arith.constant 0 : i32
    %c0_i32_1 = arith.constant 0 : i32
    return %c0_i32, %c0_i32_0 : i32, i32
  }
  func.func @transform_4(%arg0: i32) -> (i32, i32) {
    %c0_i32 = arith.constant 0 : i32
    %c0_i32_0 = arith.constant 0 : i32
    %c0_i32_1 = arith.constant 0 : i32
    return %c0_i32, %c0_i32_0 : i32, i32
  }
  func.func @transform_5(%arg0: i32) -> (i32, i32) {
    %c0_i32 = arith.constant 0 : i32
    %c0_i32_0 = arith.constant 0 : i32
    %c0_i32_1 = arith.constant 0 : i32
    return %c0_i32, %c0_i32_0 : i32, i32
  }
  func.func @transform_6(%arg0: i32) -> (i32, i32) {
    %c0_i32 = arith.constant 0 : i32
    %c0_i32_0 = arith.constant 0 : i32
    %c0_i32_1 = arith.constant 0 : i32
    return %c0_i32, %c0_i32_0 : i32, i32
  }
  func.func @transform_7(%arg0: i32) -> (i32, i32) {
    %c0_i32 = arith.constant 0 : i32
    %c0_i32_0 = arith.constant 0 : i32
    %c0_i32_1 = arith.constant 0 : i32
    return %c0_i32, %c0_i32_0 : i32, i32
  }
  func.func @transform_8(%arg0: i32) -> (i32, i32) {
    %c0_i32 = arith.constant 0 : i32
    %c0_i32_0 = arith.constant 0 : i32
    %c0_i32_1 = arith.constant 0 : i32
    return %c0_i32, %c0_i32_0 : i32, i32
  }
  func.func @transform_9(%arg0: i32) -> (i32, i32) {
    %c0_i32 = arith.constant 0 : i32
    %c0_i32_0 = arith.constant 0 : i32
    %c0_i32_1 = arith.constant 0 : i32
    return %c0_i32, %c0_i32_0 : i32, i32
  }
  func.func @transform_10(%arg0: i32) -> (i32, i32) {
    %c0_i32 = arith.constant 0 : i32
    %c0_i32_0 = arith.constant 0 : i32
    %c0_i32_1 = arith.constant 0 : i32
    return %c0_i32, %c0_i32_0 : i32, i32
  }
  func.func @transform_11(%arg0: i32) -> (i32, i32) {
    %c0_i32 = arith.constant 0 : i32
    %c0_i32_0 = arith.constant 0 : i32
    %c0_i32_1 = arith.constant 0 : i32
    return %c0_i32, %c0_i32_0 : i32, i32
  }
  func.func @transform_12(%arg0: i32) -> (i32, i32) {
    %c0_i32 = arith.constant 0 : i32
    %c0_i32_0 = arith.constant 0 : i32
    %c0_i32_1 = arith.constant 0 : i32
    return %c0_i32, %c0_i32_0 : i32, i32
  }
  func.func @transform_13(%arg0: i32) -> (i32, i32) {
    %c0_i32 = arith.constant 0 : i32
    %c0_i32_0 = arith.constant 0 : i32
    %c0_i32_1 = arith.constant 0 : i32
    return %c0_i32, %c0_i32_0 : i32, i32
  }
}

module attributes {stable_mosaic.version = 14 : i64} {
  func.func @_k1_body(%arg0: i32, %arg1: memref<1x128x4096xf32, #tpu.memory_space<vmem>>, %arg2: memref<1x4096x128xf32, #tpu.memory_space<vmem>>) attributes {dimension_semantics = [#tpu.dimension_semantics<arbitrary>], iteration_bounds = array<i64: 32>, scalar_prefetch = 0 : i64, scratch_operands = 0 : i64, tpu.core_type = #tpu.core_type<tc>, window_params = [{transform_indices = @transform_0, window_bounds = array<i64: 1, 128, 4096>}, {transform_indices = @transform_1, window_bounds = array<i64: 1, 4096, 128>}]} {
    %get3A = arith.constant 0 : index
    %get3A_0 = arith.constant 0 : index
    %get3A_1 = arith.constant 0 : index
    %get3A_2 = vector.load %arg1[%get3A, %get3A_0, %get3A_1] : memref<1x128x4096xf32, #tpu.memory_space<vmem>>, vector<1x128x4096xf32>
    %get3A_3 = vector.shape_cast %get3A_2 : vector<1x128x4096xf32> to vector<128x4096xf32>
    %transpose3A = tpu.transpose %get3A_3, [1, 0] : vector<128x4096xf32> -> vector<4096x128xf32>
    %swap3A = arith.constant 0 : index
    %swap3A_4 = arith.constant 0 : index
    %swap3A_5 = arith.constant 0 : index
    %swap3A_6 = vector.load %arg2[%swap3A, %swap3A_4, %swap3A_5] : memref<1x4096x128xf32, #tpu.memory_space<vmem>>, vector<1x4096x128xf32>
    %swap3A_7 = vector.shape_cast %swap3A_6 : vector<1x4096x128xf32> to vector<4096x128xf32>
    %swap3A_8 = vector.shape_cast %transpose3A : vector<4096x128xf32> to vector<1x4096x128xf32>
    tpu.vector_store %arg2[%swap3A, %swap3A_4, %swap3A_5], %swap3A_8 {strides = array<i32>} : memref<1x4096x128xf32, #tpu.memory_space<vmem>>, vector<1x4096x128xf32>,
    return
  }
  func.func @transform_0(%arg0: i32) -> (i32, i32, i32) {
    %c0_i32 = arith.constant 0 : i32
    %c0_i32_0 = arith.constant 0 : i32
    %c0_i32_1 = arith.constant 0 : i32
    return %arg0, %c0_i32, %c0_i32_0 : i32, i32, i32
  }
  func.func @transform_1(%arg0: i32) -> (i32, i32, i32) {
    %c0_i32 = arith.constant 0 : i32
    %c0_i32_0 = arith.constant 0 : i32
    %c0_i32_1 = arith.constant 0 : i32
    return %arg0, %c0_i32, %c0_i32_0 : i32, i32, i32
  }
}

</mosaic_0001>

<sc_bundles>
// kernel: kernel.5.cloned.1.call-start
scs
__scs_entry_jumppad:
0x0: {  	(pc) =	sbr.rel $0x88, $3  }
0x1: {  	(tag) =	ssettag $0x0;
	lr =	simm.s32 $0x1  }
0x2: {  	[smem:$0x3F98] =	sst lr;
	_ =	strace $0xD0000000  }
0x3: {  	_ = 	snop  }
0x4: {  	_ = 	snop  }
0x5: {  	_ = 	snop  }
0x6: {  	_ = 	snop  }
0x7: {  	_ = 	snop  }
__scs_overlays_trampoline_lowered:
0x8: {  	[smem:$0x3FA7] =	sst s0  }
0x9: {  	[smem:$0x3FA8] =	sst s1  }
0xa: {  	[smem:$0x3FA9] =	sst s2  }
0xb: {  	[smem:$0x3FAA] =	sst s3  }
0xc: {  	[smem:$0x3FAB] =	sst s4  }
0xd: {  	[smem:$0x3FAC] =	sst s5  }
0xe: {  	[smem:$0x3FAD] =	sst s6  }
0xf: {  	[smem:$0x3FAE] =	sst s7  }
0x10: {  	[smem:$0x3FAF] =	sst s8  }
0x11: {  	[smem:$0x3FB0] =	sst s9;
	s0 =	simm.s32 @!p0 $0x0  }
0x12: {  	s1 =	sld [smem:$0x3F96];
	s0 =	simm.s32 @p0 $0x1  }
0x13: {  	[smem:$0x3FB1] =	sst s0;
	s0 =	simm.s32 @!p1 $0x0  }
0x14: {  	s2 =	sld [smem:$0x3F95];
	s0 =	simm.s32 @p1 $0x1  }
0x15: {  	[smem:$0x3FB2] =	sst s0;
	s0 =	simm.s32 @!p2 $0x0  }
0x16: {  	s3 =	sld [smem:$0x3FDB];
	s0 =	simm.s32 @p2 $0x1  }
0x17: {  	s4 =	simm.s32 $0x1BF5;
	[smem:$0x3FB4] =	sst s0  }
0x18: {  	s0 =	sld [smem:$0x3F97];
	_ =	swait.ge [sflag:s4], $0x0  }
0x19: {  	s7 =	sld [smem:$0x3F98]  }
0x1a: {  	s8 =	sadd.s32 $0xFFFFE003, lr  }
0x1b: {  	s9 =	sadd.s32 $0xFFFFFEF7, lr;
	s5 =	simm.s32 $0xFFFFFFFF;
	p2 =	slt.u32 s8, $0xFFFFF086  }
0x1c: {  	p1 =	slt.u32 s9, $0xF7A;
	s5 =	simm.s32 @!p2 $0x0  }
0x1d: {  	s5 =	simm.s32 @p1 $0x1;
	p0 =	seq.s32 s7, s2  }
0x1e: {  	s7 =	smul.u32 @!p0 $0xF7A, s2;
	p2 =	seq.s32 @!p0 s5, $0x0  }
0x1f: {  	s9 =	smul.u32 $0xF7A, s1;
	s8 =	simm.s32 @!p0 $0x1BF5;
	p2 =	por !p2, p0  }
0x20: {  	[sflag:s8] =	ssyncset.s32 @!p0 $0xFFFFF086;
	s6 =	sadd.s32 @!p0 s3, s7;
	s7 =	simm.s32 @!p0 $0x108  }
0x21: {  	s3 =	sadd.s32 s3, s9;
	s6 =	sadd.s32 @!p0 $0x88, s6;
	s7 =	simm.s32 @p2 $0x1082  }
0x22: {  	[simem:s7], [sflag:s8] =	dma.local @!p0 [hbm:s6], $0xF7A  }
0x23: {  	s9 =	sor.u32 $0xD0000000, s2;
	s6 =	simm.s32 $0x108;
	_ =	swait.ge @!p0 [sflag:s8], $0x0  }
0x24: {  	s3 =	sadd.s32 $0x88, s3;
	s6 =	simm.s32 @!p1 $0x1082;
	[sflag:s4] =	ssyncset.s32 $0xFFFFF086  }
0x25: {  	[simem:s6], [sflag:s4] =	dma.local [hbm:s3], $0xF7A  }
0x26: {  	[smem:$0x3F98] =	sst s1;
	(tag) =	ssettag s2;
	_ =	strace s9  }
0x27: {  	s1 =	sld [smem:$0x3FA8]  }
0x28: {  	s2 =	sld [smem:$0x3FA9]  }
0x29: {  	s4 =	sld [smem:$0x3FAB]  }
0x2a: {  	p0 =	seq.s32 s5, $0x0;
	s5 =	sld [smem:$0x3FAC]  }
0x2b: {  	s6 =	sld [smem:$0x3FAD]  }
0x2c: {  	s7 =	sld [smem:$0x3FAE]  }
0x2d: {  	s3 =	simm.s32 $0x108;
	s8 =	sld [smem:$0x3FAF]  }
0x2e: {  	s3 =	simm.s32 @!p0 $0x1082;
	s9 =	sld [smem:$0x3FB0]  }
0x2f: {  	lr =	sadd.s32 s0, s3;
	s0 =	sld [smem:$0x3FA7]  }
0x30: {  	s3 =	sld [smem:$0x3FAA]  }
0x31: {  	[smem:$0x3FB3] =	sst s10  }
0x32: {  	s10 =	sld [smem:$0x3FB1];
	_ =	sdelay $0x3  }
0x33: {  	p0 =	seq.s32 s10, $0x1;
	s10 =	sld [smem:$0x3FB3];
	_ =	sdelay $0x3  }
0x34: {  	[smem:$0x3FB3] =	sst s10  }
0x35: {  	s10 =	sld [smem:$0x3FB2];
	_ =	sdelay $0x3  }
0x36: {  	p1 =	seq.s32 s10, $0x1;
	s10 =	sld [smem:$0x3FB3];
	_ =	sdelay $0x3  }
0x37: {  	[smem:$0x3FB3] =	sst s10  }
0x38: {  	s10 =	sld [smem:$0x3FB4]  }
0x39: {  	_ = 	snop;
	(pc) =	sbr.ind lr, $3  }
0x3a: {  	_ = 	snop  }
0x3b: {  	_ = 	snop  }
0x3c: {  	p2 =	seq.s32 s10, $0x1;
	s10 =	sld [smem:$0x3FB3]  }
0x3d: {  	_ =	shalt  }
0x3e: {  	_ =	shalt  }
0x3f: {  	_ =	shalt  }
0x40: {  	_ =	shalt  }
0x41: {  	_ =	shalt  }
0x42: {  	_ =	shalt  }
0x43: {  	_ =	shalt  }
0x44: {  	_ =	shalt  }
0x45: {  	_ =	shalt  }
0x46: {  	_ =	shalt  }
0x47: {  	_ =	shalt  }
0x48: {  	_ =	shalt  }
0x49: {  	_ =	shalt  }
0x4a: {  	_ =	shalt  }
0x4b: {  	_ =	shalt  }
0x4c: {  	_ =	shalt  }
0x4d: {  	_ =	shalt  }
0x4e: {  	_ =	shalt  }
0x4f: {  	_ =	shalt  }
0x50: {  	_ =	shalt  }
0x51: {  	_ =	shalt  }
0x52: {  	_ =	shalt  }
0x53: {  	_ =	shalt  }
0x54: {  	_ =	shalt  }
0x55: {  	_ =	shalt  }
0x56: {  	_ =	shalt  }
0x57: {  	_ =	shalt  }
0x58: {  	_ =	shalt  }
0x59: {  	_ =	shalt  }
0x5a: {  	_ =	shalt  }
0x5b: {  	_ =	shalt  }
0x5c: {  	_ =	shalt  }
0x5d: {  	_ =	shalt  }
0x5e: {  	_ =	shalt  }
0x5f: {  	_ =	shalt  }
0x60: {  	_ =	shalt  }
0x61: {  	_ =	shalt  }
0x62: {  	_ =	shalt  }
0x63: {  	_ =	shalt  }
0x64: {  	_ =	shalt  }
0x65: {  	_ =	shalt  }
0x66: {  	_ =	shalt  }
0x67: {  	_ =	shalt  }
0x68: {  	_ =	shalt  }
0x69: {  	_ =	shalt  }
0x6a: {  	_ =	shalt  }
0x6b: {  	_ =	shalt  }
0x6c: {  	_ =	shalt  }
0x6d: {  	_ =	shalt  }
0x6e: {  	_ =	shalt  }
0x6f: {  	_ =	shalt  }
0x70: {  	_ =	shalt  }
0x71: {  	_ =	shalt  }
0x72: {  	_ =	shalt  }
0x73: {  	_ =	shalt  }
0x74: {  	_ =	shalt  }
0x75: {  	_ =	shalt  }
0x76: {  	_ =	shalt  }
0x77: {  	_ =	shalt  }
0x78: {  	_ =	shalt  }
0x79: {  	_ =	shalt  }
0x7a: {  	_ =	shalt  }
0x7b: {  	_ =	shalt  }
0x7c: {  	_ =	shalt  }
0x7d: {  	_ =	shalt  }
0x7e: {  	_ =	shalt  }
0x7f: {  	_ =	shalt  }
0x80: {  	_ =	shalt  }
0x81: {  	_ =	shalt  }
0x82: {  	_ =	shalt  }
0x83: {  	_ =	shalt  }
0x84: {  	_ =	shalt  }
0x85: {  	_ =	shalt  }
0x86: {  	_ =	shalt  }
0x87: {  	_ =	shalt  }
.Lfunc_end0:
.L_simem_size_0:
called_computation_lowered:
.L_overlay_start_0:
0x88: {  	s2 =	sld [smem:$0x3FD9]  }
0x89: {  	s3 =	sld [smem:$0x3FFE];
	_ =	sdelay $0x1  }
0x8a: {  	s1 =	srdreg.scid  }
0x8b: {  	s0 =	sand.u32 $0x1, s1  }
0x8c: {  	s16 =	sshll.u32 s0, $0xA;
	s2 =	sadd.s32 s3, s2  }
0x8d: {  	s2 =	sadd.s32 s2, s16  }
0x8e: {  	[smem:$0x3FBF] =	sst s2  }
0x8f: {  	_ = 	snop  }
0x90: {  	(tm) =	ssettm $0x1  }
0x91: {  	s17 =	sld [smem:$0x3FFB];
	_ =	sdelay $0x3  }
0x92: {  	_ =	strace s17  }
0x93: {  	s2 =	sld [smem:$0x3FFC];
	_ =	sdelay $0x3  }
0x94: {  	_ =	strace s2  }
0x95: {  	s2 =	sld [smem:$0x3FFD];
	_ =	sdelay $0x3  }
0x96: {  	_ =	strace s2  }
0x97: {  	_ =	strace $0x8FFFFFFF  }
0x98: {  	s18 =	sld [smem:$0x3FDB];
	_ =	sdelay $0x1  }
0x99: {  	s19 =	simm.s32 $_scs_section_size  }
0x9a: {  	s4 =	simm.s32 $_size__tile_overlayer_lowered;
	s5 =	simm.s32 $_tile_overlayer_lowered  }
0x9b: {  	s22 =	simm.s32 $0x1BFF;
	s21 =	sshll.u32 s5, $0x1;
	s2 =	sadd.s32 s19, s18  }
0x9c: {  	s6 =	simm.s32 $0x0;
	s20 =	sshll.u32 s4, $0x1;
	s4 =	sadd.s32 s21, s2  }
0x9d: {  	[timem:s6], [sflag:s22] =	dma.local [hbm:s4], s20  }
0x9e: {  	_ =	swait.ge [sflag:s22], s20  }
0x9f: {  	s3 =	ssub.s32 $0x0, s20;
	[sflag:s22] =	ssyncset.done $0x0  }
0xa0: {  	[sflag:s22] =	ssyncadd.s32 s3;
	_ =	sdelay $0x1  }
0xa1: {  	s23 =	simm.s32 $0x1B8B  }
0xa2: {  	_ =	swait.ge [sflag:s23], $0x1  }
0xa3: {  	[sflag:s23] =	ssyncset.done $0x0  }
0xa4: {  	s25 =	simm.s32 $0x1B8E;
	s24 =	sld [smem:$0x3FFE];
	[sflag:s23] =	ssyncadd.s32 $0xFFFFFFFF  }
0xa5: {  	s26 =	simm.s32 $execute0_lowered;
	[smem:$0x3FD2] =	sst s25  }
0xa6: {  	s4 =	sshll.u32 s26, $0x1;
	_ =	strace $0x80000046;
	[dreg:$0x1] =	wrdreg $0xFFFFFFFF  }
0xa7: {  	s28 =	simm.s32 $_size_execute0_lowered;
	s2 =	sadd.s32 s2, s4;
	[dreg:$0x0] =	wrdreg $0x0  }
0xa8: {  	s4 =	sshll.u32 s28, $0x1;
	[dreg:$0x2] =	wrdreg s2  }
0xa9: {  	[dreg:$0x3] =	wrdreg s4  }
0xaa: {  	[dreg:$0x4] =	wrdreg $0xC0  }
0xab: {  	_ =	task [dreg:s6], $0x5FFFF  }
0xac: {  	[dreg:$0x1] =	wrdreg $0xFFFFFFFF  }
0xad: {  	[dreg:$0x0] =	wrdreg $0x60  }
0xae: {  	[dreg:$0x2] =	wrdreg s24  }
0xaf: {  	[dreg:$0x3] =	wrdreg $0x9  }
0xb0: {  	_ =	task.clear_ibuf [dreg:s6], $0x4FFFF;
	_ =	strace $0x90000046  }
0xb1: {  	s29 =	simm.s32 $0x9;
	_ =	strace $0x80000048  }
0xb2: {  	_ =	swait.ge [sflag:s29], $0x1  }
0xb3: {  	[sflag:s29] =	ssyncadd.s32 $0xFFFFFFFF  }
0xb4: {  	_ =	strace $0x90000048  }
0xb5: {  	_ =	sfence  }
0xb6: {  	s30 =	sld [smem:$0x0];
	_ =	sdelay $0x2  }
0xb7: {  	s31 =	sshll.u32 s1, $0xD;
	s1 =	sshrl.u32 s1, $0x2  }
0xb8: {  	s3 =	sand.u32 $0x4000, s31;
	s1 =	sadd.s32 s1, s30  }
0xb9: {  	s0 =	sor.u32 s3, s0;
	s1 =	sshll.u32 s1, $0x11  }
0xba: {  	s0 =	sor.u32 s1, s0  }
0xbb: {  	s0 =	sadd.s32 $0x8F2B, s0  }
0xbc: {  	[sflag:s0] =	ssyncadd.remote.s32 $0x1  }
0xbd: {  	_ =	sfence.sel $0xFFFF  }
0xbe: {  	[dreg:$0x0] =	wrdreg $0xFFFFFFFF;
	(pc) =	sbr.abs _section_cstart, $3  }
0xbf: {  	[dreg:$0x1] =	wrdreg $0xFFFFFFFF  }
0xc0: {  	_ =	task.clear_ibuf [dreg:s6], $0x2FFFF;
	_ =	strace $0x9FFFFFFF  }
0xc1: {  	(tm) =	ssettm $0x7FFFFFFF  }
tec
execute0_lowered:
.L_overlay_start_1:
0x0: {  	(tag) =	ssettag $0x1  }
0x1: {  	s0 =	srdreg.scid;
	s2 =	stileid.u32  }
0x2: {  	s3 =	rddreg [dreg:$0x0];
	s24 =	simm.s32 $0x80;
	s30 =	simm.s32 $0x400  }
0x3: {  	s25 =	simm.s32 $0x2;
	s14 =	simm.s32 $0x180;
	s28 =	simm.s32 $0x10  }
0x4: {  	s29 =	simm.s32 $0x100;
	s31 =	simm.s32 $0x8180;
	s15 =	simm.s32 $0xE80  }
0x5: {  	s16 =	simm.s32 $0x1B80;
	s17 =	simm.s32 $0x2880;
	p0 =	por $0x0, $0x0  }
0x6: {  	s18 =	simm.s32 $0x3580;
	s19 =	simm.s32 $0x4280;
	s20 =	simm.s32 $0x4F80  }
0x7: {  	s21 =	simm.s32 $0x5C80;
	s22 =	simm.s32 $0x6980;
	s23 =	simm.s32 $0x7680  }
0x8: {  	s0 =	sand.u32 $0x1, s0;
	s1 =	sshll.u32 s2, $0x1;
	s2 =	sshrl.u32 s2, $0x2  }
0x9: {  	s13 =	sadd.s32 $0x1E00, s3;
	s1 =	sor.u32 s0, s1;
	s4 =	smul.u32 $0xC00, s2  }
0xa: {  	s2 =	simm.s32 $0x0;
	s0 =	ssub.s32 $0x2, s0;
	s5 =	sshll.u32 s1, $0x7  }
0xb: {  	[smem:$0x7FF] =	sst s2;
	s1 =	sshll.u32 s1, $0x9;
	s6 =	sshrl.u32 s0, $0x1  }
0xc: {  	s5 =	sand.u32 $0x380, s5;
	_ =	strace $0x80000047;
	s1 =	sadd.s32 s1, s3  }
0xd: {  	s0 =	ssub.s32 s0, s6;
	s4 =	sor.u32 s4, s5;
	s10 =	sadd.s32 $0x202400, s1  }
0xe: {  	s5 =	sadd.s32 $0x20A400, s1;
	s6 =	sadd.s32 $0x20E400, s1;
	s0 =	smax.u32 s0, $0x1  }
0xf: {  	s7 =	sadd.s32 $0x212400, s1;
	s8 =	sadd.s32 $0x216400, s1;
	p1 =	sne.s32 s0, $0x1  }
.Ltmp0:
0x10: {  	s9 =	sadd.s32 $0x21A400, s1;
	s4 =	sshrl.u32 s4, $0x3;
	(pc) =	sbr.rel @!p1 .LBB2_3-.Ltmp0, $4  }
0x11: {  	s11 =	sadd.s32 $0x222400, s1;
	s12 =	sadd.s32 $0x226400, s1;
	s4 =	sadd.s32 s4, s3  }
0x12: {  	[dreg:$0x3] =	wrdreg s10;
	s10 =	sadd.s32 $0x21E400, s1;
	s26 =	sadd.s32 $0x201E00, s4  }
0x13: {  	s3 =	simm.s32 $0x1;
	s4 =	sadd.s32 $0x206400, s1;
	[dreg:$0x2] =	wrdreg s26  }
0x14: {  	s1 =	sadd.s32 $0xFFFFFFFF, s0;
	s26 =	simm.s32 $0x4180;
	s0 =	rddreg [dreg:$0x2]  }
0x15: {  	[tilespmem:s2], [sflag:$0x2] =	stream.strided.gather [hbm4b:s0+s24], $0x180, s30, s24, $0x38;
	[tilespmem:$0x8980] =	vst v63  }
0x16: {  	_ =	swait.ge [sflag:s25], $0x180  }
0x17: {  	[sflag:s25] =	ssyncset.done $0x0  }
0x18: {  	[sflag:s25] =	ssyncadd.s32 $0xFFFFFE80  }
0x19: {  	[tilespmem:s14], [sflag:$0x1] =	stream.indirect.gather [hbm4b:s13+s24], $0x80, s2, s24, $0xb8;
	[tilespmem:$0x8980] =	vst v63  }
0x1a: {  	_ = 	snop  }
0x1b: {  	[tilespmem:s26], [sflag:$0x1] =	stream.indirect.gather [hbm4b:s13+s24], $0x80, s24, s24, $0xb8;
	[tilespmem:$0x8980] =	vst v63  }
0x1c: {  	_ = 	snop  }
0x1d: {  	[tilespmem:s31], [sflag:$0x1] =	stream.indirect.gather [hbm4b:s13+s28], $0x80, s29, s28, $0xb8;
	[tilespmem:$0x8980] =	vst v63  }
0x1e: {  	_ =	swait.ge [sflag:s3], $0x4000  }
0x1f: {  	[sflag:s3] =	ssyncset.done $0x0  }
0x20: {  	[sflag:s3] =	ssyncadd.s32 $0xFFFFC000  }
0x21: {  	_ =	swait.ge [sflag:s3], $0x4000  }
0x22: {  	[sflag:s3] =	ssyncset.done $0x0  }
0x23: {  	[sflag:s3] =	ssyncadd.s32 $0xFFFFC000  }
0x24: {  	_ =	swait.ge [sflag:s3], $0x800  }
0x25: {  	[sflag:s3] =	ssyncset.done $0x0  }
0x26: {  	s0 =	rddreg [dreg:$0x3];
	[sflag:s3] =	ssyncadd.s32 $0xFFFFF800  }
0x27: {  	[hbm4b:s0+s2] =	stream.linear.scatter [tilespmem:s14], [sflag:$0x1], $0x1000, $0x38;
	[tilespmem:$0x8980] =	vst v63  }
0x28: {  	_ = 	snop  }
0x29: {  	[hbm4b:s4+s2] =	stream.linear.scatter [tilespmem:s15], [sflag:$0x1], $0x1000, $0x38;
	[tilespmem:$0x8980] =	vst v63  }
0x2a: {  	_ = 	snop  }
0x2b: {  	[hbm4b:s5+s2] =	stream.linear.scatter [tilespmem:s16], [sflag:$0x1], $0x1000, $0x38;
	[tilespmem:$0x8980] =	vst v63  }
0x2c: {  	_ = 	snop  }
0x2d: {  	[hbm4b:s6+s2] =	stream.linear.scatter [tilespmem:s17], [sflag:$0x1], $0x1000, $0x38;
	[tilespmem:$0x8980] =	vst v63  }
0x2e: {  	_ = 	snop  }
0x2f: {  	[hbm4b:s7+s2] =	stream.linear.scatter [tilespmem:s18], [sflag:$0x1], $0x1000, $0x38;
	[tilespmem:$0x8980] =	vst v63  }
0x30: {  	_ = 	snop  }
0x31: {  	[hbm4b:s8+s2] =	stream.linear.scatter [tilespmem:s19], [sflag:$0x1], $0x1000, $0x38;
	[tilespmem:$0x8980] =	vst v63  }
0x32: {  	_ = 	snop  }
0x33: {  	[hbm4b:s9+s2] =	stream.linear.scatter [tilespmem:s20], [sflag:$0x1], $0x1000, $0x38;
	[tilespmem:$0x8980] =	vst v63  }
0x34: {  	_ = 	snop  }
0x35: {  	[hbm4b:s10+s2] =	stream.linear.scatter [tilespmem:s21], [sflag:$0x1], $0x1000, $0x38;
	[tilespmem:$0x8980] =	vst v63  }
0x36: {  	_ = 	snop  }
0x37: {  	[hbm4b:s11+s2] =	stream.linear.scatter [tilespmem:s22], [sflag:$0x1], $0x1000, $0x38;
	[tilespmem:$0x8980] =	vst v63  }
0x38: {  	_ = 	snop  }
0x39: {  	[hbm4b:s12+s2] =	stream.linear.scatter [tilespmem:s23], [sflag:$0x1], $0x1000, $0x38;
	[tilespmem:$0x8980] =	vst v63  }
0x3a: {  	_ =	swait.ge [sflag:s3], $0x1000  }
0x3b: {  	[sflag:s3] =	ssyncset.done $0x0  }
0x3c: {  	[sflag:s3] =	ssyncadd.s32 $0xFFFFF000  }
0x3d: {  	_ =	swait.ge [sflag:s3], $0x1000  }
0x3e: {  	[sflag:s3] =	ssyncset.done $0x0  }
0x3f: {  	[sflag:s3] =	ssyncadd.s32 $0xFFFFF000  }
0x40: {  	_ =	swait.ge [sflag:s3], $0x1000  }
0x41: {  	[sflag:s3] =	ssyncset.done $0x0  }
0x42: {  	[sflag:s3] =	ssyncadd.s32 $0xFFFFF000  }
0x43: {  	_ =	swait.ge [sflag:s3], $0x1000  }
0x44: {  	[sflag:s3] =	ssyncset.done $0x0  }
0x45: {  	[sflag:s3] =	ssyncadd.s32 $0xFFFFF000  }
0x46: {  	_ =	swait.ge [sflag:s3], $0x1000  }
0x47: {  	[sflag:s3] =	ssyncset.done $0x0  }
0x48: {  	[sflag:s3] =	ssyncadd.s32 $0xFFFFF000  }
0x49: {  	_ =	swait.ge [sflag:s3], $0x1000  }
0x4a: {  	[sflag:s3] =	ssyncset.done $0x0  }
0x4b: {  	[sflag:s3] =	ssyncadd.s32 $0xFFFFF000  }
0x4c: {  	_ =	swait.ge [sflag:s3], $0x1000  }
0x4d: {  	[sflag:s3] =	ssyncset.done $0x0  }
0x4e: {  	[sflag:s3] =	ssyncadd.s32 $0xFFFFF000  }
0x4f: {  	_ =	swait.ge [sflag:s3], $0x1000  }
0x50: {  	[sflag:s3] =	ssyncset.done $0x0  }
0x51: {  	p1 =	sne.s32 s1, $0x1;
	[sflag:s3] =	ssyncadd.s32 $0xFFFFF000  }
.Ltmp1:
0x52: {  	_ =	swait.ge [sflag:s3], $0x1000;
	(pc) =	sbr.rel @!p1 .LBB2_3-.Ltmp1, $4  }
0x53: {  	[sflag:s3] =	ssyncset.done $0x0  }
0x54: {  	[sflag:s3] =	ssyncadd.s32 $0xFFFFF000  }
0x55: {  	s1 =	sadd.s32 $0xFFFFFFFF, s1;
	_ =	swait.ge [sflag:s3], $0x1000  }
0x56: {  	p0 =	por $0x1, $0x1;
	s0 =	rddreg [dreg:$0x2];
	[sflag:s3] =	ssyncset.done $0x0  }
.LBB2_2:
0x57: {  	[sflag:s3] =	ssyncadd.s32 $0xFFFFF000  }
0x58: {  	[tilespmem:s2], [sflag:$0x2] =	stream.strided.gather [hbm4b:s0+s24], $0x180, s30, s24, $0x38;
	[tilespmem:$0x8980] =	vst v63  }
0x59: {  	_ =	swait.ge [sflag:s25], $0x180  }
0x5a: {  	[sflag:s25] =	ssyncset.done $0x0  }
0x5b: {  	[sflag:s25] =	ssyncadd.s32 $0xFFFFFE80  }
0x5c: {  	[tilespmem:s14], [sflag:$0x1] =	stream.indirect.gather [hbm4b:s13+s24], $0x80, s2, s24, $0xb8;
	[tilespmem:$0x8980] =	vst v63  }
0x5d: {  	_ = 	snop  }
0x5e: {  	[tilespmem:s26], [sflag:$0x1] =	stream.indirect.gather [hbm4b:s13+s24], $0x80, s24, s24, $0xb8;
	[tilespmem:$0x8980] =	vst v63  }
0x5f: {  	_ = 	snop  }
0x60: {  	[tilespmem:s31], [sflag:$0x1] =	stream.indirect.gather [hbm4b:s13+s28], $0x80, s29, s28, $0xb8;
	[tilespmem:$0x8980] =	vst v63  }
0x61: {  	_ =	swait.ge [sflag:s3], $0x4000  }
0x62: {  	[sflag:s3] =	ssyncset.done $0x0  }
0x63: {  	[sflag:s3] =	ssyncadd.s32 $0xFFFFC000  }
0x64: {  	_ =	swait.ge [sflag:s3], $0x4000  }
0x65: {  	[sflag:s3] =	ssyncset.done $0x0  }
0x66: {  	[sflag:s3] =	ssyncadd.s32 $0xFFFFC000  }
0x67: {  	_ =	swait.ge [sflag:s3], $0x800  }
0x68: {  	[sflag:s3] =	ssyncset.done $0x0  }
0x69: {  	s0 =	rddreg [dreg:$0x3];
	[sflag:s3] =	ssyncadd.s32 $0xFFFFF800  }
0x6a: {  	[hbm4b:s0+s2] =	stream.linear.scatter [tilespmem:s14], [sflag:$0x1], $0x1000, $0x38;
	[tilespmem:$0x8980] =	vst v63  }
0x6b: {  	_ = 	snop  }
0x6c: {  	[hbm4b:s4+s2] =	stream.linear.scatter [tilespmem:s15], [sflag:$0x1], $0x1000, $0x38;
	[tilespmem:$0x8980] =	vst v63  }
0x6d: {  	_ = 	snop  }
0x6e: {  	[hbm4b:s5+s2] =	stream.linear.scatter [tilespmem:s16], [sflag:$0x1], $0x1000, $0x38;
	[tilespmem:$0x8980] =	vst v63  }
0x6f: {  	_ = 	snop  }
0x70: {  	[hbm4b:s6+s2] =	stream.linear.scatter [tilespmem:s17], [sflag:$0x1], $0x1000, $0x38;
	[tilespmem:$0x8980] =	vst v63  }
0x71: {  	_ = 	snop  }
0x72: {  	[hbm4b:s7+s2] =	stream.linear.scatter [tilespmem:s18], [sflag:$0x1], $0x1000, $0x38;
	[tilespmem:$0x8980] =	vst v63  }
0x73: {  	_ = 	snop  }
0x74: {  	[hbm4b:s8+s2] =	stream.linear.scatter [tilespmem:s19], [sflag:$0x1], $0x1000, $0x38;
	[tilespmem:$0x8980] =	vst v63  }
0x75: {  	_ = 	snop  }
0x76: {  	[hbm4b:s9+s2] =	stream.linear.scatter [tilespmem:s20], [sflag:$0x1], $0x1000, $0x38;
	[tilespmem:$0x8980] =	vst v63  }
0x77: {  	_ = 	snop  }
0x78: {  	[hbm4b:s10+s2] =	stream.linear.scatter [tilespmem:s21], [sflag:$0x1], $0x1000, $0x38;
	[tilespmem:$0x8980] =	vst v63  }
0x79: {  	_ = 	snop  }
0x7a: {  	[hbm4b:s11+s2] =	stream.linear.scatter [tilespmem:s22], [sflag:$0x1], $0x1000, $0x38;
	[tilespmem:$0x8980] =	vst v63  }
0x7b: {  	_ = 	snop  }
0x7c: {  	[hbm4b:s12+s2] =	stream.linear.scatter [tilespmem:s23], [sflag:$0x1], $0x1000, $0x38;
	[tilespmem:$0x8980] =	vst v63  }
0x7d: {  	_ =	swait.ge [sflag:s3], $0x1000  }
0x7e: {  	[sflag:s3] =	ssyncset.done $0x0  }
0x7f: {  	[sflag:s3] =	ssyncadd.s32 $0xFFFFF000  }
0x80: {  	_ =	swait.ge [sflag:s3], $0x1000  }
0x81: {  	[sflag:s3] =	ssyncset.done $0x0  }
0x82: {  	[sflag:s3] =	ssyncadd.s32 $0xFFFFF000  }
0x83: {  	_ =	swait.ge [sflag:s3], $0x1000  }
0x84: {  	[sflag:s3] =	ssyncset.done $0x0  }
0x85: {  	[sflag:s3] =	ssyncadd.s32 $0xFFFFF000  }
0x86: {  	_ =	swait.ge [sflag:s3], $0x1000  }
0x87: {  	[sflag:s3] =	ssyncset.done $0x0  }
0x88: {  	[sflag:s3] =	ssyncadd.s32 $0xFFFFF000  }
0x89: {  	_ =	swait.ge [sflag:s3], $0x1000  }
0x8a: {  	[sflag:s3] =	ssyncset.done $0x0  }
0x8b: {  	[sflag:s3] =	ssyncadd.s32 $0xFFFFF000  }
0x8c: {  	_ =	swait.ge [sflag:s3], $0x1000  }
0x8d: {  	[sflag:s3] =	ssyncset.done $0x0  }
0x8e: {  	[sflag:s3] =	ssyncadd.s32 $0xFFFFF000  }
0x8f: {  	_ =	swait.ge [sflag:s3], $0x1000  }
0x90: {  	[sflag:s3] =	ssyncset.done $0x0  }
0x91: {  	[sflag:s3] =	ssyncadd.s32 $0xFFFFF000  }
0x92: {  	_ =	swait.ge [sflag:s3], $0x1000  }
0x93: {  	[sflag:s3] =	ssyncset.done $0x0  }
0x94: {  	p1 =	sne.s32 s1, $0x1;
	[sflag:s3] =	ssyncadd.s32 $0xFFFFF000  }
.Ltmp2:
0x95: {  	_ =	swait.ge [sflag:s3], $0x1000;
	(pc) =	sbr.rel @p1 .LBB2_2-.Ltmp2, $4  }
0x96: {  	[sflag:s3] =	ssyncset.done $0x0  }
0x97: {  	[sflag:s3] =	ssyncadd.s32 $0xFFFFF000  }
0x98: {  	_ =	swait.ge [sflag:s3], $0x1000  }
0x99: {  	s1 =	sadd.s32 $0xFFFFFFFF, s1;
	s0 =	rddreg [dreg:$0x2];
	[sflag:s3] =	ssyncset.done $0x0  }
.LBB2_3:
0x9a: {  	[sflag:s3] =	ssyncadd.s32 @p0 $0xFFFFF000  }
0x9b: {  	[tilespmem:s2], [sflag:$0x2] =	stream.strided.gather [hbm4b:s0+s24], $0x180, s30, s24, $0x38;
	[tilespmem:$0x8980] =	vst v63  }
0x9c: {  	_ =	swait.ge [sflag:s25], $0x180  }
0x9d: {  	[sflag:s25] =	ssyncset.done $0x0  }
0x9e: {  	[sflag:s25] =	ssyncadd.s32 $0xFFFFFE80  }
0x9f: {  	[tilespmem:s14], [sflag:$0x1] =	stream.indirect.gather [hbm4b:s13+s24], $0x80, s2, s24, $0xb8;
	[tilespmem:$0x8980] =	vst v63  }
0xa0: {  	_ = 	snop  }
0xa1: {  	[tilespmem:s26], [sflag:$0x1] =	stream.indirect.gather [hbm4b:s13+s24], $0x80, s24, s24, $0xb8;
	[tilespmem:$0x8980] =	vst v63  }
0xa2: {  	_ = 	snop  }
0xa3: {  	[tilespmem:s31], [sflag:$0x1] =	stream.indirect.gather [hbm4b:s13+s28], $0x80, s29, s28, $0xb8;
	[tilespmem:$0x8980] =	vst v63  }
0xa4: {  	_ =	swait.ge [sflag:s3], $0x4000  }
0xa5: {  	[sflag:s3] =	ssyncset.done $0x0  }
0xa6: {  	[sflag:s3] =	ssyncadd.s32 $0xFFFFC000  }
0xa7: {  	_ =	swait.ge [sflag:s3], $0x4000  }
0xa8: {  	[sflag:s3] =	ssyncset.done $0x0  }
0xa9: {  	[sflag:s3] =	ssyncadd.s32 $0xFFFFC000  }
0xaa: {  	_ =	swait.ge [sflag:s3], $0x800  }
0xab: {  	[sflag:s3] =	ssyncset.done $0x0  }
0xac: {  	s30 =	rddreg [dreg:$0x3];
	[sflag:s3] =	ssyncadd.s32 $0xFFFFF800  }
0xad: {  	[hbm4b:s30+s2] =	stream.linear.scatter [tilespmem:s14], [sflag:$0x1], $0x1000, $0x38;
	[tilespmem:$0x8980] =	vst v63  }
0xae: {  	_ = 	snop  }
0xaf: {  	[hbm4b:s4+s2] =	stream.linear.scatter [tilespmem:s15], [sflag:$0x1], $0x1000, $0x38;
	[tilespmem:$0x8980] =	vst v63  }
0xb0: {  	_ = 	snop  }
0xb1: {  	[hbm4b:s5+s2] =	stream.linear.scatter [tilespmem:s16], [sflag:$0x1], $0x1000, $0x38;
	[tilespmem:$0x8980] =	vst v63  }
0xb2: {  	_ = 	snop  }
0xb3: {  	[hbm4b:s6+s2] =	stream.linear.scatter [tilespmem:s17], [sflag:$0x1], $0x1000, $0x38;
	[tilespmem:$0x8980] =	vst v63  }
0xb4: {  	_ = 	snop  }
0xb5: {  	[hbm4b:s7+s2] =	stream.linear.scatter [tilespmem:s18], [sflag:$0x1], $0x1000, $0x38;
	[tilespmem:$0x8980] =	vst v63  }
0xb6: {  	_ = 	snop  }
0xb7: {  	[hbm4b:s8+s2] =	stream.linear.scatter [tilespmem:s19], [sflag:$0x1], $0x1000, $0x38;
	[tilespmem:$0x8980] =	vst v63  }
0xb8: {  	_ = 	snop  }
0xb9: {  	[hbm4b:s9+s2] =	stream.linear.scatter [tilespmem:s20], [sflag:$0x1], $0x1000, $0x38;
	[tilespmem:$0x8980] =	vst v63  }
0xba: {  	_ = 	snop  }
0xbb: {  	[hbm4b:s10+s2] =	stream.linear.scatter [tilespmem:s21], [sflag:$0x1], $0x1000, $0x38;
	[tilespmem:$0x8980] =	vst v63  }
0xbc: {  	_ = 	snop  }
0xbd: {  	[hbm4b:s11+s2] =	stream.linear.scatter [tilespmem:s22], [sflag:$0x1], $0x1000, $0x38;
	[tilespmem:$0x8980] =	vst v63  }
0xbe: {  	_ = 	snop  }
0xbf: {  	[hbm4b:s12+s2] =	stream.linear.scatter [tilespmem:s23], [sflag:$0x1], $0x1000, $0x38;
	[tilespmem:$0x8980] =	vst v63  }
0xc0: {  	_ =	swait.ge [sflag:s3], $0x1000  }
0xc1: {  	[sflag:s3] =	ssyncset.done $0x0  }
0xc2: {  	[sflag:s3] =	ssyncadd.s32 $0xFFFFF000  }
0xc3: {  	_ =	swait.ge [sflag:s3], $0x1000  }
0xc4: {  	[sflag:s3] =	ssyncset.done $0x0  }
0xc5: {  	[sflag:s3] =	ssyncadd.s32 $0xFFFFF000  }
0xc6: {  	_ =	swait.ge [sflag:s3], $0x1000  }
0xc7: {  	[sflag:s3] =	ssyncset.done $0x0  }
0xc8: {  	[sflag:s3] =	ssyncadd.s32 $0xFFFFF000  }
0xc9: {  	_ =	swait.ge [sflag:s3], $0x1000  }
0xca: {  	[sflag:s3] =	ssyncset.done $0x0  }
0xcb: {  	[sflag:s3] =	ssyncadd.s32 $0xFFFFF000  }
0xcc: {  	_ =	swait.ge [sflag:s3], $0x1000  }
0xcd: {  	[sflag:s3] =	ssyncset.done $0x0  }
0xce: {  	[sflag:s3] =	ssyncadd.s32 $0xFFFFF000  }
0xcf: {  	_ =	swait.ge [sflag:s3], $0x1000  }
0xd0: {  	[sflag:s3] =	ssyncset.done $0x0  }
0xd1: {  	[sflag:s3] =	ssyncadd.s32 $0xFFFFF000  }
0xd2: {  	_ =	swait.ge [sflag:s3], $0x1000  }
0xd3: {  	[sflag:s3] =	ssyncset.done $0x0  }
0xd4: {  	[sflag:s3] =	ssyncadd.s32 $0xFFFFF000  }
0xd5: {  	_ =	swait.ge [sflag:s3], $0x1000  }
0xd6: {  	[sflag:s3] =	ssyncset.done $0x0  }
0xd7: {  	[sflag:s3] =	ssyncadd.s32 $0xFFFFF000  }
0xd8: {  	_ =	swait.ge [sflag:s3], $0x1000  }
0xd9: {  	[sflag:s3] =	ssyncset.done $0x0  }
0xda: {  	[sflag:s3] =	ssyncadd.s32 $0xFFFFF000  }
0xdb: {  	_ =	swait.ge [sflag:s3], $0x1000  }
0xdc: {  	[sflag:s3] =	ssyncset.done $0x0  }
0xdd: {  	[sflag:s3] =	ssyncadd.s32 $0xFFFFF000  }
0xde: {  	_ =	sfence.sel $0x180000  }
0xdf: {  	[bflag:$0x0] =	sbarrier.arrive $0xFFFF  }
0xe0: {  	_ =	strace $0x90000047  }
0xe1: {  	s31 =	stileid.u32;
	[bflag:$0x2] =	sbarrier.arrive $0xFFFF  }
0xe2: {  	p0 =	sne.s32 s31, $0x0;
	s0 =	rddreg [dreg:$0x1]  }
0xe3: {  	s0 =	sadd.s32 @!p0 $0x100000, s0  }
0xe4: {  	[sflag:s0] =	ssyncadd.tile.s32 @!p0 $0x1;
	_ =	shalt  }
.Lfunc_end2:
_tile_overlayer_lowered:
.L_overlay_start_2:
0xe5: {  	(tag) =	ssettag $0x2  }
0xe6: {  	s0 =	rddreg [dreg:$0x0];
	s2 =	stileid.u32  }
0xe7: {  	s1 =	rddreg [dreg:$0x1];
	p0 =	sne.s32 s2, $0x0  }
0xe8: {  	s3 =	rddreg [dreg:$0x2];
	[bflag:$0x3] =	sbarrier.arrive $0xFFFF;
	s2 =	simm.s32 @!p0 $0x1C02  }
0xe9: {  	[timem:s3], [sflag:s2] =	dma.local @!p0 [hbm:s0], s1  }
0xea: {  	s0 =	simm.s32 @!p0 $0x2  }
0xeb: {  	_ =	swait.ge @!p0 [sflag:s0], s1  }
0xec: {  	s1 =	ssub.s32 @!p0 $0x0, s1;
	[sflag:s0] =	ssyncset.done @!p0 $0x0  }
0xed: {  	[sflag:s0] =	ssyncadd.s32 @!p0 s1  }
0xee: {  	[bflag:$0x3] =	sbarrier.arrive $0xFFFF  }
0xef: {  	_ =	shalt  }

</sc_bundles>
